<compile_context>
chip_gen: v7x
topology: tpu7x:2x2x1
jax: 0.10.2.dev20260603
libtpu: 0.0.44.dev20260713+nightly
codegen_flags: <defaults>
</compile_context>

<pallas_src>
import functools

import jax
import jax.numpy as jnp
from jax import lax
from jax.experimental import pallas as pl
from jax.experimental.pallas import tpu as pltpu
from jax.experimental.pallas import tpu_sc as plsc

N = 16 * 1 * 512 * 512
NKEEP = int(N * 0.8)
NW = 32
PER_W = N // NW
CH = 8192
NCH = (N // 2) // NW // CH
B = 1024
LMAX = 13.8156
SCALE = B / LMAX
BW = LMAX / B

ROWS = N // 512
RB = 128


def _loss_body(p_ref, l_ref, o_ref):
    lab = l_ref[...] * (0.95 * SCALE) + (0.05 * SCALE)
    p = jnp.clip(p_ref[...], 1e-6, 1.0 - 1e-6)
    lq = jnp.log1p(-p)
    u = -lq * SCALE - lab * (jnp.log(p) - lq)
    o_ref[...] = u.reshape(RB, 512)


HROWS = ROWS // 2


def _make_loss_tc(half):
    return pl.pallas_call(
        _loss_body,
        grid=(8, 512 // RB),
        in_specs=[
            pl.BlockSpec((1, 1, RB, 512),
                         lambda b, r, h=half: (b + 8 * h, 0, r, 0)),
            pl.BlockSpec((1, 1, RB, 512),
                         lambda b, r, h=half: (b + 8 * h, 0, r, 0)),
        ],
        out_specs=pl.BlockSpec((RB, 512),
                               lambda b, r: (b * (512 // RB) + r, 0)),
        out_shape=jax.ShapeDtypeStruct((HROWS, 512), jnp.float32),
        compiler_params=pltpu.CompilerParams(
            dimension_semantics=("parallel", "parallel")),
    )


_loss_tc_a = _make_loss_tc(0)
_loss_tc_b = _make_loss_tc(1)

_MESH = plsc.VectorSubcoreMesh(core_axis_name="c", subcore_axis_name="s")


@functools.partial(
    pl.kernel,
    out_type=jax.ShapeDtypeStruct((NW, 2, B), jnp.float32),
    mesh=_MESH,
    compiler_params=pltpu.CompilerParams(needs_layout_passes=False),
    scratch_types=[
        pltpu.VMEM((CH // 512, 512), jnp.float32),
        pltpu.VMEM((CH // 512, 512), jnp.float32),
        pltpu.VMEM((B,), jnp.float32),
        pltpu.VMEM((B,), jnp.float32),
        pltpu.SemaphoreType.DMA,
        pltpu.SemaphoreType.DMA,
    ],
)
def _hist_kernel(loss_hbm, out_hbm, buf0, buf1, cnt_v, sum_v, sem0, sem1):
    wid = lax.axis_index("s") * 2 + lax.axis_index("c")
    row_base = wid * (HROWS // NW)

    zeros16 = jnp.zeros((16,), jnp.float32)
    ones16 = jnp.ones((16,), jnp.float32)

    def zero_body(i, carry):
        cnt_v[pl.ds(i * 16, 16)] = zeros16
        sum_v[pl.ds(i * 16, 16)] = zeros16
        return carry

    lax.fori_loop(0, B // 16, zero_body, 0)

    def start(ci, buf, sem):
        pltpu.async_copy(
            loss_hbm.at[pl.ds(row_base + ci * (CH // 512), CH // 512), :], buf, sem)

    def wait(buf, sem):
        pltpu.make_async_copy(
            loss_hbm.at[pl.ds(0, CH // 512), :], buf, sem).wait()

    def compute(buf):
        U = 8

        def inner(j, c2):
            r = lax.div(j, 4)
            cb = lax.rem(j, 4) * 128
            losses = [buf[r, pl.ds(cb + u * 16, 16)] for u in range(U)]
            idxs = [lax.convert_element_type(l, jnp.int32) for l in losses]
            for idx, l in zip(idxs, losses):
                plsc.addupdate_scatter(cnt_v, [idx], ones16)
                plsc.addupdate_scatter(sum_v, [idx], l)
            return c2

        lax.fori_loop(0, CH // (16 * U), inner, 0)

    start(0, buf0, sem0)

    def pair_body(gi, carry):
        ca = 2 * gi
        wait(buf0, sem0)

        @pl.when(ca + 1 < NCH)
        def _():
            start(ca + 1, buf1, sem1)

        compute(buf0)

        wait(buf1, sem1)

        @pl.when(ca + 2 < NCH)
        def _():
            start(ca + 2, buf0, sem0)

        compute(buf1)
        return carry

    lax.fori_loop(0, NCH // 2, pair_body, 0)

    pltpu.sync_copy(cnt_v, out_hbm.at[wid, 0])
    pltpu.sync_copy(sum_v, out_hbm.at[wid, 1])


@functools.partial(
    pl.kernel,
    out_type=jax.ShapeDtypeStruct((16,), jnp.float32),
    mesh=_MESH,
    compiler_params=pltpu.CompilerParams(needs_layout_passes=False),
    scratch_types=[
        pltpu.VMEM((NW, 2, B), jnp.float32),
        pltpu.VMEM((NW // 2, 2, B), jnp.float32),
        pltpu.VMEM((2, B), jnp.float32),
        pltpu.VMEM((16,), jnp.float32),
        pltpu.SemaphoreType.DMA,
        pltpu.SemaphoreType.DMA,
    ],
)
def _select_kernel(hist_a_hbm, hist_b_hbm, out_hbm, tmp_v, tmp2_v, acc_v,
                   out_v, sem0, sem1):
    wid = lax.axis_index("s") * 2 + lax.axis_index("c")

    @pl.when(wid == 0)
    def _():
        nk = jnp.float32(NKEEP)
        zeros16 = jnp.zeros((16,), jnp.float32)

        pltpu.async_copy(hist_a_hbm, tmp_v, sem0)
        pltpu.async_copy(hist_b_hbm.at[pl.ds(0, NW // 2)], tmp2_v, sem1)
        pltpu.make_async_copy(hist_a_hbm, tmp_v, sem0).wait()
        pltpu.make_async_copy(
            hist_b_hbm.at[pl.ds(0, NW // 2)], tmp2_v, sem1).wait()

        def merge_pass(j, carry, refs, init):
            sl = pl.ds(j * 16, 16)
            for half in (0, 1):
                vals = [r[t, half, sl] for r in refs for t in range(NW)
                        if r is not tmp2_v or t < NW // 2]
                while len(vals) > 1:
                    tail = [vals[-1]] if len(vals) % 2 else []
                    vals = [a + b for a, b in
                            zip(vals[::2], vals[1::2])] + tail
                if init:
                    acc_v[half, sl] = vals[0]
                else:
                    acc_v[half, sl] = acc_v[half, sl] + vals[0]
            return carry

        lax.fori_loop(
            0, B // 16,
            functools.partial(merge_pass, refs=(tmp_v, tmp2_v), init=True), 0)
        pltpu.sync_copy(hist_b_hbm.at[pl.ds(NW // 2, NW // 2)], tmp2_v)
        lax.fori_loop(
            0, B // 16,
            functools.partial(merge_pass, refs=(tmp2_v,), init=False), 0)

        def sel_body(jj, carry):
            cum, accv = carry
            j = (B // 16 - 1) - jj
            sl = pl.ds(j * 16, 16)
            cvec = acc_v[0, sl]
            svec = acc_v[1, sl]
            sfx = lax.rev(plsc.cumsum(lax.rev(cvec, (0,))), (0,))
            incl = cum + sfx
            above = incl - cvec
            full = incl <= nk
            thr = jnp.logical_and(above < nk, incl > nk)
            safe_c = jnp.maximum(cvec, 1.0)
            meanv = svec / safe_c
            r = nk - above
            vhat = meanv + (1.0 - r / safe_c) * 0.5
            contrib = jnp.where(full, svec, 0.0) + jnp.where(thr, r * vhat, 0.0)
            return (cum + jnp.sum(cvec), accv + contrib)

        _, accv = lax.fori_loop(
            0, B // 16, sel_body, (jnp.float32(0.0), zeros16))
        total = jnp.sum(accv)
        out_v[...] = jnp.zeros((16,), jnp.float32) + total * (
            1.0 / (NKEEP * SCALE))
        pltpu.sync_copy(out_v, out_hbm)


def kernel(prediction, label):
    loss_a = _loss_tc_a(prediction, label)
    hist_a = _hist_kernel(loss_a)
    loss_b = _loss_tc_b(prediction, label)
    hist_b = _hist_kernel(loss_b)
    out = _select_kernel(hist_a, hist_b)
    return out[0]

# --- scband reference (transcript-rebuilt; emitter-appended) ---
"""Pipeline reference for scband-binary-cross-entropy-loss-14405320311515 (READ-ONLY COPY).

The authoritative reference and input builder live on the scoring server;
editing this copy changes nothing except your own understanding.
"""

import jax, jax.numpy as jnp
import numpy as np

LABEL_SMOOTHING = 0.05
K_TOP = 0.8
W_0 = 1.0
W_1 = 1.0


def setup_inputs(seed: int = 0) -> dict:
    key = jax.random.key(seed)
    k1, k2 = jax.random.split(key)
    prediction = jax.random.uniform(k1, (16, 1, 512, 512), dtype=jnp.float32)
    label = jax.random.uniform(k2, (16, 1, 512, 512), dtype=jnp.float32)
    return {"prediction": prediction, "label": label}


def reference(prediction, label):
    # label smoothing with number_of_classes = 1 (as in original forward)
    smooth_positive = 1.0 - LABEL_SMOOTHING
    smooth_negative = LABEL_SMOOTHING / 1
    label = label * smooth_positive + smooth_negative
    p = jnp.clip(prediction, 1e-06, 1.0 - 1e-06)
    loss = -(W_0 * label * jnp.log(p) + W_1 * (1.0 - label) * jnp.log(1.0 - p))
    # bootstrap: sort descending, keep top k_top fraction
    loss = loss.reshape(-1)
    n_keep = int(loss.shape[0] * K_TOP)
    loss = jnp.sort(loss)[::-1][:n_keep]
    return loss.mean()

if __name__ == "__main__":
    import jax
    _d = setup_inputs()
    print(jax.jit(kernel)(*tuple(_d.values())))

</pallas_src>

<mosaic_0001>
#map = affine_map<(d0, d1) -> (0, 0)>
#map1 = affine_map<(d0, d1) -> (0, 0, 0)>
module attributes {stable_mosaic.version = 14 : i64} {
  func.func @_hist_kernel(%arg0: i32, %arg1: i32, %arg2: memref<4096x512xf32, #tpu.memory_space<hbm>>, %arg3: memref<32x2x1024xf32, #tpu.memory_space<hbm>>, %arg4: memref<16x512xf32, #tpu.memory_space<vmem>>, %arg5: memref<16x512xf32, #tpu.memory_space<vmem>>, %arg6: memref<1024xf32, #tpu.memory_space<vmem>>, %arg7: memref<1024xf32, #tpu.memory_space<vmem>>, %arg8: memref<!tpu.dma_semaphore, #tpu.memory_space<semaphore_mem>>, %arg9: memref<!tpu.dma_semaphore, #tpu.memory_space<semaphore_mem>>) attributes {dimension_semantics = [#tpu.dimension_semantics<core_parallel>, #tpu.dimension_semantics<subcore_parallel>], iteration_bounds = array<i64: 2, 16>, scalar_prefetch = 0 : i64, scratch_operands = 6 : i64, tpu.core_type = #tpu.core_type<sc_vector_subcore>, window_params = [{transform_indices = #map}, {transform_indices = #map1}]} {
    %mul3A = arith.constant 2 : i32
    %mul3A_0 = arith.muli %arg1, %mul3A : i32
    %add3A = arith.addi %mul3A_0, %arg0 : i32
    %mul3A_1 = arith.constant 128 : i32
    %mul3A_2 = arith.muli %add3A, %mul3A_1 : i32
    %broadcast_in_dim3A = arith.constant 0.000000e+00 : f32
    %broadcast_in_dim3A_3 = vector.broadcast %broadcast_in_dim3A : f32 to vector<16xf32>
    %broadcast_in_dim3A_4 = arith.constant 1.000000e+00 : f32
    %broadcast_in_dim3A_5 = vector.broadcast %broadcast_in_dim3A_4 : f32 to vector<16xf32>
    %scan3A = arith.constant 0 : i32
    %scan3A_6 = arith.constant 0 : i32
    %scan3A_7 = arith.constant 64 : i32
    %scan3A_8 = arith.addi %scan3A_6, %scan3A_7 : i32
    %scan3A_9 = arith.constant 1 : i32
    scf.for %scan3A_23 = %scan3A_6 to %scan3A_8 step %scan3A_9  : i32 {
      %mul3A_24 = arith.constant 16 : i32
      %mul3A_25 = arith.muli %scan3A_23, %mul3A_24 : i32
      %swap3A = arith.index_cast %mul3A_25 : i32 to index
      %swap3A_26 = tpu.vector_load %arg6[%swap3A] {strides = array<i32>} : memref<1024xf32, #tpu.memory_space<vmem>>, vector<16xf32>,
      tpu.vector_store %arg6[%swap3A], %broadcast_in_dim3A_3 {strides = array<i32>} : memref<1024xf32, #tpu.memory_space<vmem>>, vector<16xf32>,
      %mul3A_27 = arith.constant 16 : i32
      %mul3A_28 = arith.muli %scan3A_23, %mul3A_27 : i32
      %swap3A_29 = arith.index_cast %mul3A_28 : i32 to index
      %swap3A_30 = tpu.vector_load %arg7[%swap3A_29] {strides = array<i32>} : memref<1024xf32, #tpu.memory_space<vmem>>, vector<16xf32>,
      tpu.vector_store %arg7[%swap3A_29], %broadcast_in_dim3A_3 {strides = array<i32>} : memref<1024xf32, #tpu.memory_space<vmem>>, vector<16xf32>,
    }
    %scan3A_10 = arith.constant 64 : i32
    %add3A_11 = arith.constant 0 : i32
    %add3A_12 = arith.addi %mul3A_2, %add3A_11 : i32
    %dma_start3A = arith.constant 0 : i32
    %dma_start3A_13 = tpu.memref_slice %arg2[%add3A_12, %dma_start3A] : memref<4096x512xf32, #tpu.memory_space<hbm>> -> memref<16x512xf32, #tpu.memory_space<hbm>>
    %dma_start3A_14 = arith.constant 0 : i32
    %dma_start3A_15 = tpu.memref_slice %arg2[%add3A_12, %dma_start3A_14] : memref<4096x512xf32, #tpu.memory_space<hbm>> -> memref<16x512xf32, #tpu.memory_space<hbm>>
    tpu.enqueue_dma source(%dma_start3A_15 : memref<16x512xf32, #tpu.memory_space<hbm>>) target(%arg4 : memref<16x512xf32, #tpu.memory_space<vmem>>) target_semaphore(%arg8 : memref<!tpu.dma_semaphore, #tpu.memory_space<semaphore_mem>>)
    %scan3A_16 = arith.constant 0 : i32
    %scan3A_17 = arith.constant 0 : i32
    %scan3A_18 = arith.constant 4 : i32
    %scan3A_19 = arith.addi %scan3A_17, %scan3A_18 : i32
    %scan3A_20 = arith.constant 1 : i32
    scf.for %scan3A_23 = %scan3A_17 to %scan3A_19 step %scan3A_20  : i32 {
      %mul3A_24 = arith.constant 2 : i32
      %mul3A_25 = arith.muli %mul3A_24, %scan3A_23 : i32
      %dma_wait3A = arith.constant 0 : i32
      %dma_wait3A_26 = arith.constant 0 : i32
      %dma_wait3A_27 = tpu.memref_slice %arg2[%dma_wait3A, %dma_wait3A_26] : memref<4096x512xf32, #tpu.memory_space<hbm>> -> memref<16x512xf32, #tpu.memory_space<hbm>>
      %dma_wait3A_28 = arith.constant 0 : i32
      %dma_wait3A_29 = arith.constant 0 : i32
      %dma_wait3A_30 = tpu.memref_slice %arg2[%dma_wait3A_28, %dma_wait3A_29] : memref<4096x512xf32, #tpu.memory_space<hbm>> -> memref<16x512xf32, #tpu.memory_space<hbm>>
      tpu.wait_dma2 semaphore(%arg8 : memref<!tpu.dma_semaphore, #tpu.memory_space<semaphore_mem>>) src(%dma_wait3A_30 : memref<16x512xf32, #tpu.memory_space<hbm>>) dst(%arg4 : memref<16x512xf32, #tpu.memory_space<vmem>>)
      %add3A_31 = arith.constant 1 : i32
      %add3A_32 = arith.addi %mul3A_25, %add3A_31 : i32
      %lt3A = arith.constant 8 : i32
      %lt3A_33 = arith.cmpi slt, %add3A_32, %lt3A : i32
      %convert_element_type3A = arith.extui %lt3A_33 : i1 to i32
      %cond3A = arith.constant 0 : i32
      %cond3A_34 = arith.cmpi ne, %convert_element_type3A, %cond3A : i32
      scf.if %cond3A_34 {
        %add3A_60 = arith.constant 1 : i32
        %add3A_61 = arith.addi %mul3A_25, %add3A_60 : i32
        %mul3A_62 = arith.constant 16 : i32
        %mul3A_63 = arith.muli %add3A_61, %mul3A_62 : i32
        %add3A_64 = arith.addi %mul3A_2, %mul3A_63 : i32
        %dma_start3A_65 = arith.constant 0 : i32
        %dma_start3A_66 = tpu.memref_slice %arg2[%add3A_64, %dma_start3A_65] : memref<4096x512xf32, #tpu.memory_space<hbm>> -> memref<16x512xf32, #tpu.memory_space<hbm>>
        %dma_start3A_67 = arith.constant 0 : i32
        %dma_start3A_68 = tpu.memref_slice %arg2[%add3A_64, %dma_start3A_67] : memref<4096x512xf32, #tpu.memory_space<hbm>> -> memref<16x512xf32, #tpu.memory_space<hbm>>
        tpu.enqueue_dma source(%dma_start3A_68 : memref<16x512xf32, #tpu.memory_space<hbm>>) target(%arg5 : memref<16x512xf32, #tpu.memory_space<vmem>>) target_semaphore(%arg9 : memref<!tpu.dma_semaphore, #tpu.memory_space<semaphore_mem>>)
      } else {
      }
      %scan3A_35 = arith.constant 0 : i32
      %scan3A_36 = arith.constant 0 : i32
      %scan3A_37 = arith.constant 64 : i32
      %scan3A_38 = arith.addi %scan3A_36, %scan3A_37 : i32
      %scan3A_39 = arith.constant 1 : i32
      scf.for %scan3A_60 = %scan3A_36 to %scan3A_38 step %scan3A_39  : i32 {
        %div3A = arith.constant 4 : i32
        %div3A_61 = arith.divsi %scan3A_60, %div3A : i32
        %rem3A = arith.constant 4 : i32
        %rem3A_62 = arith.remsi %scan3A_60, %rem3A : i32
        %mul3A_63 = arith.constant 128 : i32
        %mul3A_64 = arith.muli %rem3A_62, %mul3A_63 : i32
        %add3A_65 = arith.constant 0 : i32
        %add3A_66 = arith.addi %mul3A_64, %add3A_65 : i32
        %get3A = arith.index_cast %div3A_61 : i32 to index
        %get3A_67 = arith.index_cast %add3A_66 : i32 to index
        %get3A_68 = tpu.vector_load %arg4[%get3A, %get3A_67] {strides = array<i32>} : memref<16x512xf32, #tpu.memory_space<vmem>>, vector<16xf32>,
        %add3A_69 = arith.constant 16 : i32
        %add3A_70 = arith.addi %mul3A_64, %add3A_69 : i32
        %get3A_71 = arith.index_cast %div3A_61 : i32 to index
        %get3A_72 = arith.index_cast %add3A_70 : i32 to index
        %get3A_73 = tpu.vector_load %arg4[%get3A_71, %get3A_72] {strides = array<i32>} : memref<16x512xf32, #tpu.memory_space<vmem>>, vector<16xf32>,
        %add3A_74 = arith.constant 32 : i32
        %add3A_75 = arith.addi %mul3A_64, %add3A_74 : i32
        %get3A_76 = arith.index_cast %div3A_61 : i32 to index
        %get3A_77 = arith.index_cast %add3A_75 : i32 to index
        %get3A_78 = tpu.vector_load %arg4[%get3A_76, %get3A_77] {strides = array<i32>} : memref<16x512xf32, #tpu.memory_space<vmem>>, vector<16xf32>,
        %add3A_79 = arith.constant 48 : i32
        %add3A_80 = arith.addi %mul3A_64, %add3A_79 : i32
        %get3A_81 = arith.index_cast %div3A_61 : i32 to index
        %get3A_82 = arith.index_cast %add3A_80 : i32 to index
        %get3A_83 = tpu.vector_load %arg4[%get3A_81, %get3A_82] {strides = array<i32>} : memref<16x512xf32, #tpu.memory_space<vmem>>, vector<16xf32>,
        %add3A_84 = arith.constant 64 : i32
        %add3A_85 = arith.addi %mul3A_64, %add3A_84 : i32
        %get3A_86 = arith.index_cast %div3A_61 : i32 to index
        %get3A_87 = arith.index_cast %add3A_85 : i32 to index
        %get3A_88 = tpu.vector_load %arg4[%get3A_86, %get3A_87] {strides = array<i32>} : memref<16x512xf32, #tpu.memory_space<vmem>>, vector<16xf32>,
        %add3A_89 = arith.constant 80 : i32
        %add3A_90 = arith.addi %mul3A_64, %add3A_89 : i32
        %get3A_91 = arith.index_cast %div3A_61 : i32 to index
        %get3A_92 = arith.index_cast %add3A_90 : i32 to index
        %get3A_93 = tpu.vector_load %arg4[%get3A_91, %get3A_92] {strides = array<i32>} : memref<16x512xf32, #tpu.memory_space<vmem>>, vector<16xf32>,
        %add3A_94 = arith.constant 96 : i32
        %add3A_95 = arith.addi %mul3A_64, %add3A_94 : i32
        %get3A_96 = arith.index_cast %div3A_61 : i32 to index
        %get3A_97 = arith.index_cast %add3A_95 : i32 to index
        %get3A_98 = tpu.vector_load %arg4[%get3A_96, %get3A_97] {strides = array<i32>} : memref<16x512xf32, #tpu.memory_space<vmem>>, vector<16xf32>,
        %add3A_99 = arith.constant 112 : i32
        %add3A_100 = arith.addi %mul3A_64, %add3A_99 : i32
        %get3A_101 = arith.index_cast %div3A_61 : i32 to index
        %get3A_102 = arith.index_cast %add3A_100 : i32 to index
        %get3A_103 = tpu.vector_load %arg4[%get3A_101, %get3A_102] {strides = array<i32>} : memref<16x512xf32, #tpu.memory_space<vmem>>, vector<16xf32>,
        %convert_element_type3A_104 = arith.fptosi %get3A_68 : vector<16xf32> to vector<16xi32>
        %convert_element_type3A_105 = arith.fptosi %get3A_73 : vector<16xf32> to vector<16xi32>
        %convert_element_type3A_106 = arith.fptosi %get3A_78 : vector<16xf32> to vector<16xi32>
        %convert_element_type3A_107 = arith.fptosi %get3A_83 : vector<16xf32> to vector<16xi32>
        %convert_element_type3A_108 = arith.fptosi %get3A_88 : vector<16xf32> to vector<16xi32>
        %convert_element_type3A_109 = arith.fptosi %get3A_93 : vector<16xf32> to vector<16xi32>
        %convert_element_type3A_110 = arith.fptosi %get3A_98 : vector<16xf32> to vector<16xi32>
        %convert_element_type3A_111 = arith.fptosi %get3A_103 : vector<16xf32> to vector<16xi32>
        tpu.vector_store_idx %arg6[%convert_element_type3A_104], %broadcast_in_dim3A_5 {add = true} : memref<1024xf32, #tpu.memory_space<vmem>>[vector<16xi32>], vector<16xf32>,
        tpu.vector_store_idx %arg7[%convert_element_type3A_104], %get3A_68 {add = true} : memref<1024xf32, #tpu.memory_space<vmem>>[vector<16xi32>], vector<16xf32>,
        tpu.vector_store_idx %arg6[%convert_element_type3A_105], %broadcast_in_dim3A_5 {add = true} : memref<1024xf32, #tpu.memory_space<vmem>>[vector<16xi32>], vector<16xf32>,
        tpu.vector_store_idx %arg7[%convert_element_type3A_105], %get3A_73 {add = true} : memref<1024xf32, #tpu.memory_space<vmem>>[vector<16xi32>], vector<16xf32>,
        tpu.vector_store_idx %arg6[%convert_element_type3A_106], %broadcast_in_dim3A_5 {add = true} : memref<1024xf32, #tpu.memory_space<vmem>>[vector<16xi32>], vector<16xf32>,
        tpu.vector_store_idx %arg7[%convert_element_type3A_106], %get3A_78 {add = true} : memref<1024xf32, #tpu.memory_space<vmem>>[vector<16xi32>], vector<16xf32>,
        tpu.vector_store_idx %arg6[%convert_element_type3A_107], %broadcast_in_dim3A_5 {add = true} : memref<1024xf32, #tpu.memory_space<vmem>>[vector<16xi32>], vector<16xf32>,
        tpu.vector_store_idx %arg7[%convert_element_type3A_107], %get3A_83 {add = true} : memref<1024xf32, #tpu.memory_space<vmem>>[vector<16xi32>], vector<16xf32>,
        tpu.vector_store_idx %arg6[%convert_element_type3A_108], %broadcast_in_dim3A_5 {add = true} : memref<1024xf32, #tpu.memory_space<vmem>>[vector<16xi32>], vector<16xf32>,
        tpu.vector_store_idx %arg7[%convert_element_type3A_108], %get3A_88 {add = true} : memref<1024xf32, #tpu.memory_space<vmem>>[vector<16xi32>], vector<16xf32>,
        tpu.vector_store_idx %arg6[%convert_element_type3A_109], %broadcast_in_dim3A_5 {add = true} : memref<1024xf32, #tpu.memory_space<vmem>>[vector<16xi32>], vector<16xf32>,
        tpu.vector_store_idx %arg7[%convert_element_type3A_109], %get3A_93 {add = true} : memref<1024xf32, #tpu.memory_space<vmem>>[vector<16xi32>], vector<16xf32>,
        tpu.vector_store_idx %arg6[%convert_element_type3A_110], %broadcast_in_dim3A_5 {add = true} : memref<1024xf32, #tpu.memory_space<vmem>>[vector<16xi32>], vector<16xf32>,
        tpu.vector_store_idx %arg7[%convert_element_type3A_110], %get3A_98 {add = true} : memref<1024xf32, #tpu.memory_space<vmem>>[vector<16xi32>], vector<16xf32>,
        tpu.vector_store_idx %arg6[%convert_element_type3A_111], %broadcast_in_dim3A_5 {add = true} : memref<1024xf32, #tpu.memory_space<vmem>>[vector<16xi32>], vector<16xf32>,
        tpu.vector_store_idx %arg7[%convert_element_type3A_111], %get3A_103 {add = true} : memref<1024xf32, #tpu.memory_space<vmem>>[vector<16xi32>], vector<16xf32>,
      }
      %scan3A_40 = arith.constant 64 : i32
      %dma_wait3A_41 = arith.constant 0 : i32
      %dma_wait3A_42 = arith.constant 0 : i32
      %dma_wait3A_43 = tpu.memref_slice %arg2[%dma_wait3A_41, %dma_wait3A_42] : memref<4096x512xf32, #tpu.memory_space<hbm>> -> memref<16x512xf32, #tpu.memory_space<hbm>>
      %dma_wait3A_44 = arith.constant 0 : i32
      %dma_wait3A_45 = arith.constant 0 : i32
      %dma_wait3A_46 = tpu.memref_slice %arg2[%dma_wait3A_44, %dma_wait3A_45] : memref<4096x512xf32, #tpu.memory_space<hbm>> -> memref<16x512xf32, #tpu.memory_space<hbm>>
      tpu.wait_dma2 semaphore(%arg9 : memref<!tpu.dma_semaphore, #tpu.memory_space<semaphore_mem>>) src(%dma_wait3A_46 : memref<16x512xf32, #tpu.memory_space<hbm>>) dst(%arg5 : memref<16x512xf32, #tpu.memory_space<vmem>>)
      %add3A_47 = arith.constant 2 : i32
      %add3A_48 = arith.addi %mul3A_25, %add3A_47 : i32
      %lt3A_49 = arith.constant 8 : i32
      %lt3A_50 = arith.cmpi slt, %add3A_48, %lt3A_49 : i32
      %convert_element_type3A_51 = arith.extui %lt3A_50 : i1 to i32
      %cond3A_52 = arith.constant 0 : i32
      %cond3A_53 = arith.cmpi ne, %convert_element_type3A_51, %cond3A_52 : i32
      scf.if %cond3A_53 {
        %add3A_60 = arith.constant 2 : i32
        %add3A_61 = arith.addi %mul3A_25, %add3A_60 : i32
        %mul3A_62 = arith.constant 16 : i32
        %mul3A_63 = arith.muli %add3A_61, %mul3A_62 : i32
        %add3A_64 = arith.addi %mul3A_2, %mul3A_63 : i32
        %dma_start3A_65 = arith.constant 0 : i32
        %dma_start3A_66 = tpu.memref_slice %arg2[%add3A_64, %dma_start3A_65] : memref<4096x512xf32, #tpu.memory_space<hbm>> -> memref<16x512xf32, #tpu.memory_space<hbm>>
        %dma_start3A_67 = arith.constant 0 : i32
        %dma_start3A_68 = tpu.memref_slice %arg2[%add3A_64, %dma_start3A_67] : memref<4096x512xf32, #tpu.memory_space<hbm>> -> memref<16x512xf32, #tpu.memory_space<hbm>>
        tpu.enqueue_dma source(%dma_start3A_68 : memref<16x512xf32, #tpu.memory_space<hbm>>) target(%arg4 : memref<16x512xf32, #tpu.memory_space<vmem>>) target_semaphore(%arg8 : memref<!tpu.dma_semaphore, #tpu.memory_space<semaphore_mem>>)
      } else {
      }
      %scan3A_54 = arith.constant 0 : i32
      %scan3A_55 = arith.constant 0 : i32
      %scan3A_56 = arith.constant 64 : i32
      %scan3A_57 = arith.addi %scan3A_55, %scan3A_56 : i32
      %scan3A_58 = arith.constant 1 : i32
      scf.for %scan3A_60 = %scan3A_55 to %scan3A_57 step %scan3A_58  : i32 {
        %div3A = arith.constant 4 : i32
        %div3A_61 = arith.divsi %scan3A_60, %div3A : i32
        %rem3A = arith.constant 4 : i32
        %rem3A_62 = arith.remsi %scan3A_60, %rem3A : i32
        %mul3A_63 = arith.constant 128 : i32
        %mul3A_64 = arith.muli %rem3A_62, %mul3A_63 : i32
        %add3A_65 = arith.constant 0 : i32
        %add3A_66 = arith.addi %mul3A_64, %add3A_65 : i32
        %get3A = arith.index_cast %div3A_61 : i32 to index
        %get3A_67 = arith.index_cast %add3A_66 : i32 to index
        %get3A_68 = tpu.vector_load %arg5[%get3A, %get3A_67] {strides = array<i32>} : memref<16x512xf32, #tpu.memory_space<vmem>>, vector<16xf32>,
        %add3A_69 = arith.constant 16 : i32
        %add3A_70 = arith.addi %mul3A_64, %add3A_69 : i32
        %get3A_71 = arith.index_cast %div3A_61 : i32 to index
        %get3A_72 = arith.index_cast %add3A_70 : i32 to index
        %get3A_73 = tpu.vector_load %arg5[%get3A_71, %get3A_72] {strides = array<i32>} : memref<16x512xf32, #tpu.memory_space<vmem>>, vector<16xf32>,
        %add3A_74 = arith.constant 32 : i32
        %add3A_75 = arith.addi %mul3A_64, %add3A_74 : i32
        %get3A_76 = arith.index_cast %div3A_61 : i32 to index
        %get3A_77 = arith.index_cast %add3A_75 : i32 to index
        %get3A_78 = tpu.vector_load %arg5[%get3A_76, %get3A_77] {strides = array<i32>} : memref<16x512xf32, #tpu.memory_space<vmem>>, vector<16xf32>,
        %add3A_79 = arith.constant 48 : i32
        %add3A_80 = arith.addi %mul3A_64, %add3A_79 : i32
        %get3A_81 = arith.index_cast %div3A_61 : i32 to index
        %get3A_82 = arith.index_cast %add3A_80 : i32 to index
        %get3A_83 = tpu.vector_load %arg5[%get3A_81, %get3A_82] {strides = array<i32>} : memref<16x512xf32, #tpu.memory_space<vmem>>, vector<16xf32>,
        %add3A_84 = arith.constant 64 : i32
        %add3A_85 = arith.addi %mul3A_64, %add3A_84 : i32
        %get3A_86 = arith.index_cast %div3A_61 : i32 to index
        %get3A_87 = arith.index_cast %add3A_85 : i32 to index
        %get3A_88 = tpu.vector_load %arg5[%get3A_86, %get3A_87] {strides = array<i32>} : memref<16x512xf32, #tpu.memory_space<vmem>>, vector<16xf32>,
        %add3A_89 = arith.constant 80 : i32
        %add3A_90 = arith.addi %mul3A_64, %add3A_89 : i32
        %get3A_91 = arith.index_cast %div3A_61 : i32 to index
        %get3A_92 = arith.index_cast %add3A_90 : i32 to index
        %get3A_93 = tpu.vector_load %arg5[%get3A_91, %get3A_92] {strides = array<i32>} : memref<16x512xf32, #tpu.memory_space<vmem>>, vector<16xf32>,
        %add3A_94 = arith.constant 96 : i32
        %add3A_95 = arith.addi %mul3A_64, %add3A_94 : i32
        %get3A_96 = arith.index_cast %div3A_61 : i32 to index
        %get3A_97 = arith.index_cast %add3A_95 : i32 to index
        %get3A_98 = tpu.vector_load %arg5[%get3A_96, %get3A_97] {strides = array<i32>} : memref<16x512xf32, #tpu.memory_space<vmem>>, vector<16xf32>,
        %add3A_99 = arith.constant 112 : i32
        %add3A_100 = arith.addi %mul3A_64, %add3A_99 : i32
        %get3A_101 = arith.index_cast %div3A_61 : i32 to index
        %get3A_102 = arith.index_cast %add3A_100 : i32 to index
        %get3A_103 = tpu.vector_load %arg5[%get3A_101, %get3A_102] {strides = array<i32>} : memref<16x512xf32, #tpu.memory_space<vmem>>, vector<16xf32>,
        %convert_element_type3A_104 = arith.fptosi %get3A_68 : vector<16xf32> to vector<16xi32>
        %convert_element_type3A_105 = arith.fptosi %get3A_73 : vector<16xf32> to vector<16xi32>
        %convert_element_type3A_106 = arith.fptosi %get3A_78 : vector<16xf32> to vector<16xi32>
        %convert_element_type3A_107 = arith.fptosi %get3A_83 : vector<16xf32> to vector<16xi32>
        %convert_element_type3A_108 = arith.fptosi %get3A_88 : vector<16xf32> to vector<16xi32>
        %convert_element_type3A_109 = arith.fptosi %get3A_93 : vector<16xf32> to vector<16xi32>
        %convert_element_type3A_110 = arith.fptosi %get3A_98 : vector<16xf32> to vector<16xi32>
        %convert_element_type3A_111 = arith.fptosi %get3A_103 : vector<16xf32> to vector<16xi32>
        tpu.vector_store_idx %arg6[%convert_element_type3A_104], %broadcast_in_dim3A_5 {add = true} : memref<1024xf32, #tpu.memory_space<vmem>>[vector<16xi32>], vector<16xf32>,
        tpu.vector_store_idx %arg7[%convert_element_type3A_104], %get3A_68 {add = true} : memref<1024xf32, #tpu.memory_space<vmem>>[vector<16xi32>], vector<16xf32>,
        tpu.vector_store_idx %arg6[%convert_element_type3A_105], %broadcast_in_dim3A_5 {add = true} : memref<1024xf32, #tpu.memory_space<vmem>>[vector<16xi32>], vector<16xf32>,
        tpu.vector_store_idx %arg7[%convert_element_type3A_105], %get3A_73 {add = true} : memref<1024xf32, #tpu.memory_space<vmem>>[vector<16xi32>], vector<16xf32>,
        tpu.vector_store_idx %arg6[%convert_element_type3A_106], %broadcast_in_dim3A_5 {add = true} : memref<1024xf32, #tpu.memory_space<vmem>>[vector<16xi32>], vector<16xf32>,
        tpu.vector_store_idx %arg7[%convert_element_type3A_106], %get3A_78 {add = true} : memref<1024xf32, #tpu.memory_space<vmem>>[vector<16xi32>], vector<16xf32>,
        tpu.vector_store_idx %arg6[%convert_element_type3A_107], %broadcast_in_dim3A_5 {add = true} : memref<1024xf32, #tpu.memory_space<vmem>>[vector<16xi32>], vector<16xf32>,
        tpu.vector_store_idx %arg7[%convert_element_type3A_107], %get3A_83 {add = true} : memref<1024xf32, #tpu.memory_space<vmem>>[vector<16xi32>], vector<16xf32>,
        tpu.vector_store_idx %arg6[%convert_element_type3A_108], %broadcast_in_dim3A_5 {add = true} : memref<1024xf32, #tpu.memory_space<vmem>>[vector<16xi32>], vector<16xf32>,
        tpu.vector_store_idx %arg7[%convert_element_type3A_108], %get3A_88 {add = true} : memref<1024xf32, #tpu.memory_space<vmem>>[vector<16xi32>], vector<16xf32>,
        tpu.vector_store_idx %arg6[%convert_element_type3A_109], %broadcast_in_dim3A_5 {add = true} : memref<1024xf32, #tpu.memory_space<vmem>>[vector<16xi32>], vector<16xf32>,
        tpu.vector_store_idx %arg7[%convert_element_type3A_109], %get3A_93 {add = true} : memref<1024xf32, #tpu.memory_space<vmem>>[vector<16xi32>], vector<16xf32>,
        tpu.vector_store_idx %arg6[%convert_element_type3A_110], %broadcast_in_dim3A_5 {add = true} : memref<1024xf32, #tpu.memory_space<vmem>>[vector<16xi32>], vector<16xf32>,
        tpu.vector_store_idx %arg7[%convert_element_type3A_110], %get3A_98 {add = true} : memref<1024xf32, #tpu.memory_space<vmem>>[vector<16xi32>], vector<16xf32>,
        tpu.vector_store_idx %arg6[%convert_element_type3A_111], %broadcast_in_dim3A_5 {add = true} : memref<1024xf32, #tpu.memory_space<vmem>>[vector<16xi32>], vector<16xf32>,
        tpu.vector_store_idx %arg7[%convert_element_type3A_111], %get3A_103 {add = true} : memref<1024xf32, #tpu.memory_space<vmem>>[vector<16xi32>], vector<16xf32>,
      }
      %scan3A_59 = arith.constant 64 : i32
    }
    %scan3A_21 = arith.constant 4 : i32
    %run_scoped3A = arith.constant 0 : i32
    "tpu.region"() ({
      %run_scoped3A_23 = tpu.sem_alloc : memref<!tpu.dma_semaphore, #tpu.memory_space<semaphore_mem>>
      %dma_start3A_24 = arith.constant 0 : i32
      %dma_start3A_25 = tpu.memref_slice %arg3[%add3A, %run_scoped3A, %dma_start3A_24] : memref<32x2x1024xf32, #tpu.memory_space<hbm>> -> memref<1x1x1024xf32, #tpu.memory_space<hbm>>
      %dma_start3A_26 = tpu.memref_squeeze %dma_start3A_25 : memref<1x1x1024xf32, #tpu.memory_space<hbm>> -> memref<1024xf32, #tpu.memory_space<hbm>>
      %dma_start3A_27 = arith.constant 0 : i32
      %dma_start3A_28 = tpu.memref_slice %arg3[%add3A, %run_scoped3A, %dma_start3A_27] : memref<32x2x1024xf32, #tpu.memory_space<hbm>> -> memref<1x1x1024xf32, #tpu.memory_space<hbm>>
      %dma_start3A_29 = tpu.memref_squeeze %dma_start3A_28 : memref<1x1x1024xf32, #tpu.memory_space<hbm>> -> memref<1024xf32, #tpu.memory_space<hbm>>
      tpu.enqueue_dma source(%arg6 : memref<1024xf32, #tpu.memory_space<vmem>>) target(%dma_start3A_29 : memref<1024xf32, #tpu.memory_space<hbm>>) target_semaphore(%run_scoped3A_23 : memref<!tpu.dma_semaphore, #tpu.memory_space<semaphore_mem>>)
      %dma_wait3A = arith.constant 0 : i32
      %dma_wait3A_30 = tpu.memref_slice %arg3[%add3A, %run_scoped3A, %dma_wait3A] : memref<32x2x1024xf32, #tpu.memory_space<hbm>> -> memref<1x1x1024xf32, #tpu.memory_space<hbm>>
      %dma_wait3A_31 = tpu.memref_squeeze %dma_wait3A_30 : memref<1x1x1024xf32, #tpu.memory_space<hbm>> -> memref<1024xf32, #tpu.memory_space<hbm>>
      %dma_wait3A_32 = arith.constant 0 : i32
      %dma_wait3A_33 = tpu.memref_slice %arg3[%add3A, %run_scoped3A, %dma_wait3A_32] : memref<32x2x1024xf32, #tpu.memory_space<hbm>> -> memref<1x1x1024xf32, #tpu.memory_space<hbm>>
      %dma_wait3A_34 = tpu.memref_squeeze %dma_wait3A_33 : memref<1x1x1024xf32, #tpu.memory_space<hbm>> -> memref<1024xf32, #tpu.memory_space<hbm>>
      tpu.wait_dma2 semaphore(%run_scoped3A_23 : memref<!tpu.dma_semaphore, #tpu.memory_space<semaphore_mem>>) src(%arg6 : memref<1024xf32, #tpu.memory_space<vmem>>) dst(%dma_wait3A_34 : memref<1024xf32, #tpu.memory_space<hbm>>)
      tpu.yield
    }) : () -> ()
    %run_scoped3A_22 = arith.constant 1 : i32
    "tpu.region"() ({
      %run_scoped3A_23 = tpu.sem_alloc : memref<!tpu.dma_semaphore, #tpu.memory_space<semaphore_mem>>
      %dma_start3A_24 = arith.constant 0 : i32
      %dma_start3A_25 = tpu.memref_slice %arg3[%add3A, %run_scoped3A_22, %dma_start3A_24] : memref<32x2x1024xf32, #tpu.memory_space<hbm>> -> memref<1x1x1024xf32, #tpu.memory_space<hbm>>
      %dma_start3A_26 = tpu.memref_squeeze %dma_start3A_25 : memref<1x1x1024xf32, #tpu.memory_space<hbm>> -> memref<1024xf32, #tpu.memory_space<hbm>>
      %dma_start3A_27 = arith.constant 0 : i32
      %dma_start3A_28 = tpu.memref_slice %arg3[%add3A, %run_scoped3A_22, %dma_start3A_27] : memref<32x2x1024xf32, #tpu.memory_space<hbm>> -> memref<1x1x1024xf32, #tpu.memory_space<hbm>>
      %dma_start3A_29 = tpu.memref_squeeze %dma_start3A_28 : memref<1x1x1024xf32, #tpu.memory_space<hbm>> -> memref<1024xf32, #tpu.memory_space<hbm>>
      tpu.enqueue_dma source(%arg7 : memref<1024xf32, #tpu.memory_space<vmem>>) target(%dma_start3A_29 : memref<1024xf32, #tpu.memory_space<hbm>>) target_semaphore(%run_scoped3A_23 : memref<!tpu.dma_semaphore, #tpu.memory_space<semaphore_mem>>)
      %dma_wait3A = arith.constant 0 : i32
      %dma_wait3A_30 = tpu.memref_slice %arg3[%add3A, %run_scoped3A_22, %dma_wait3A] : memref<32x2x1024xf32, #tpu.memory_space<hbm>> -> memref<1x1x1024xf32, #tpu.memory_space<hbm>>
      %dma_wait3A_31 = tpu.memref_squeeze %dma_wait3A_30 : memref<1x1x1024xf32, #tpu.memory_space<hbm>> -> memref<1024xf32, #tpu.memory_space<hbm>>
      %dma_wait3A_32 = arith.constant 0 : i32
      %dma_wait3A_33 = tpu.memref_slice %arg3[%add3A, %run_scoped3A_22, %dma_wait3A_32] : memref<32x2x1024xf32, #tpu.memory_space<hbm>> -> memref<1x1x1024xf32, #tpu.memory_space<hbm>>
      %dma_wait3A_34 = tpu.memref_squeeze %dma_wait3A_33 : memref<1x1x1024xf32, #tpu.memory_space<hbm>> -> memref<1024xf32, #tpu.memory_space<hbm>>
      tpu.wait_dma2 semaphore(%run_scoped3A_23 : memref<!tpu.dma_semaphore, #tpu.memory_space<semaphore_mem>>) src(%arg7 : memref<1024xf32, #tpu.memory_space<vmem>>) dst(%dma_wait3A_34 : memref<1024xf32, #tpu.memory_space<hbm>>)
      tpu.yield
    }) : () -> ()
    return
  }
}

#map = affine_map<(d0, d1) -> (0, 0)>
#map1 = affine_map<(d0, d1) -> (0, 0, 0)>
module attributes {stable_mosaic.version = 14 : i64} {
  func.func @_hist_kernel(%arg0: i32, %arg1: i32, %arg2: memref<4096x512xf32, #tpu.memory_space<hbm>>, %arg3: memref<32x2x1024xf32, #tpu.memory_space<hbm>>, %arg4: memref<16x512xf32, #tpu.memory_space<vmem>>, %arg5: memref<16x512xf32, #tpu.memory_space<vmem>>, %arg6: memref<1024xf32, #tpu.memory_space<vmem>>, %arg7: memref<1024xf32, #tpu.memory_space<vmem>>, %arg8: memref<!tpu.dma_semaphore, #tpu.memory_space<semaphore_mem>>, %arg9: memref<!tpu.dma_semaphore, #tpu.memory_space<semaphore_mem>>) attributes {dimension_semantics = [#tpu.dimension_semantics<core_parallel>, #tpu.dimension_semantics<subcore_parallel>], iteration_bounds = array<i64: 2, 16>, scalar_prefetch = 0 : i64, scratch_operands = 6 : i64, tpu.core_type = #tpu.core_type<sc_vector_subcore>, window_params = [{transform_indices = #map}, {transform_indices = #map1}]} {
    %mul3A = arith.constant 2 : i32
    %mul3A_0 = arith.muli %arg1, %mul3A : i32
    %add3A = arith.addi %mul3A_0, %arg0 : i32
    %mul3A_1 = arith.constant 128 : i32
    %mul3A_2 = arith.muli %add3A, %mul3A_1 : i32
    %broadcast_in_dim3A = arith.constant 0.000000e+00 : f32
    %broadcast_in_dim3A_3 = vector.broadcast %broadcast_in_dim3A : f32 to vector<16xf32>
    %broadcast_in_dim3A_4 = arith.constant 1.000000e+00 : f32
    %broadcast_in_dim3A_5 = vector.broadcast %broadcast_in_dim3A_4 : f32 to vector<16xf32>
    %scan3A = arith.constant 0 : i32
    %scan3A_6 = arith.constant 0 : i32
    %scan3A_7 = arith.constant 64 : i32
    %scan3A_8 = arith.addi %scan3A_6, %scan3A_7 : i32
    %scan3A_9 = arith.constant 1 : i32
    scf.for %scan3A_23 = %scan3A_6 to %scan3A_8 step %scan3A_9  : i32 {
      %mul3A_24 = arith.constant 16 : i32
      %mul3A_25 = arith.muli %scan3A_23, %mul3A_24 : i32
      %swap3A = arith.index_cast %mul3A_25 : i32 to index
      %swap3A_26 = tpu.vector_load %arg6[%swap3A] {strides = array<i32>} : memref<1024xf32, #tpu.memory_space<vmem>>, vector<16xf32>,
      tpu.vector_store %arg6[%swap3A], %broadcast_in_dim3A_3 {strides = array<i32>} : memref<1024xf32, #tpu.memory_space<vmem>>, vector<16xf32>,
      %mul3A_27 = arith.constant 16 : i32
      %mul3A_28 = arith.muli %scan3A_23, %mul3A_27 : i32
      %swap3A_29 = arith.index_cast %mul3A_28 : i32 to index
      %swap3A_30 = tpu.vector_load %arg7[%swap3A_29] {strides = array<i32>} : memref<1024xf32, #tpu.memory_space<vmem>>, vector<16xf32>,
      tpu.vector_store %arg7[%swap3A_29], %broadcast_in_dim3A_3 {strides = array<i32>} : memref<1024xf32, #tpu.memory_space<vmem>>, vector<16xf32>,
    }
    %scan3A_10 = arith.constant 64 : i32
    %add3A_11 = arith.constant 0 : i32
    %add3A_12 = arith.addi %mul3A_2, %add3A_11 : i32
    %dma_start3A = arith.constant 0 : i32
    %dma_start3A_13 = tpu.memref_slice %arg2[%add3A_12, %dma_start3A] : memref<4096x512xf32, #tpu.memory_space<hbm>> -> memref<16x512xf32, #tpu.memory_space<hbm>>
    %dma_start3A_14 = arith.constant 0 : i32
    %dma_start3A_15 = tpu.memref_slice %arg2[%add3A_12, %dma_start3A_14] : memref<4096x512xf32, #tpu.memory_space<hbm>> -> memref<16x512xf32, #tpu.memory_space<hbm>>
    tpu.enqueue_dma source(%dma_start3A_15 : memref<16x512xf32, #tpu.memory_space<hbm>>) target(%arg4 : memref<16x512xf32, #tpu.memory_space<vmem>>) target_semaphore(%arg8 : memref<!tpu.dma_semaphore, #tpu.memory_space<semaphore_mem>>)
    %scan3A_16 = arith.constant 0 : i32
    %scan3A_17 = arith.constant 0 : i32
    %scan3A_18 = arith.constant 4 : i32
    %scan3A_19 = arith.addi %scan3A_17, %scan3A_18 : i32
    %scan3A_20 = arith.constant 1 : i32
    scf.for %scan3A_23 = %scan3A_17 to %scan3A_19 step %scan3A_20  : i32 {
      %mul3A_24 = arith.constant 2 : i32
      %mul3A_25 = arith.muli %mul3A_24, %scan3A_23 : i32
      %dma_wait3A = arith.constant 0 : i32
      %dma_wait3A_26 = arith.constant 0 : i32
      %dma_wait3A_27 = tpu.memref_slice %arg2[%dma_wait3A, %dma_wait3A_26] : memref<4096x512xf32, #tpu.memory_space<hbm>> -> memref<16x512xf32, #tpu.memory_space<hbm>>
      %dma_wait3A_28 = arith.constant 0 : i32
      %dma_wait3A_29 = arith.constant 0 : i32
      %dma_wait3A_30 = tpu.memref_slice %arg2[%dma_wait3A_28, %dma_wait3A_29] : memref<4096x512xf32, #tpu.memory_space<hbm>> -> memref<16x512xf32, #tpu.memory_space<hbm>>
      tpu.wait_dma2 semaphore(%arg8 : memref<!tpu.dma_semaphore, #tpu.memory_space<semaphore_mem>>) src(%dma_wait3A_30 : memref<16x512xf32, #tpu.memory_space<hbm>>) dst(%arg4 : memref<16x512xf32, #tpu.memory_space<vmem>>)
      %add3A_31 = arith.constant 1 : i32
      %add3A_32 = arith.addi %mul3A_25, %add3A_31 : i32
      %lt3A = arith.constant 8 : i32
      %lt3A_33 = arith.cmpi slt, %add3A_32, %lt3A : i32
      %convert_element_type3A = arith.extui %lt3A_33 : i1 to i32
      %cond3A = arith.constant 0 : i32
      %cond3A_34 = arith.cmpi ne, %convert_element_type3A, %cond3A : i32
      scf.if %cond3A_34 {
        %add3A_60 = arith.constant 1 : i32
        %add3A_61 = arith.addi %mul3A_25, %add3A_60 : i32
        %mul3A_62 = arith.constant 16 : i32
        %mul3A_63 = arith.muli %add3A_61, %mul3A_62 : i32
        %add3A_64 = arith.addi %mul3A_2, %mul3A_63 : i32
        %dma_start3A_65 = arith.constant 0 : i32
        %dma_start3A_66 = tpu.memref_slice %arg2[%add3A_64, %dma_start3A_65] : memref<4096x512xf32, #tpu.memory_space<hbm>> -> memref<16x512xf32, #tpu.memory_space<hbm>>
        %dma_start3A_67 = arith.constant 0 : i32
        %dma_start3A_68 = tpu.memref_slice %arg2[%add3A_64, %dma_start3A_67] : memref<4096x512xf32, #tpu.memory_space<hbm>> -> memref<16x512xf32, #tpu.memory_space<hbm>>
        tpu.enqueue_dma source(%dma_start3A_68 : memref<16x512xf32, #tpu.memory_space<hbm>>) target(%arg5 : memref<16x512xf32, #tpu.memory_space<vmem>>) target_semaphore(%arg9 : memref<!tpu.dma_semaphore, #tpu.memory_space<semaphore_mem>>)
      } else {
      }
      %scan3A_35 = arith.constant 0 : i32
      %scan3A_36 = arith.constant 0 : i32
      %scan3A_37 = arith.constant 64 : i32
      %scan3A_38 = arith.addi %scan3A_36, %scan3A_37 : i32
      %scan3A_39 = arith.constant 1 : i32
      scf.for %scan3A_60 = %scan3A_36 to %scan3A_38 step %scan3A_39  : i32 {
        %div3A = arith.constant 4 : i32
        %div3A_61 = arith.divsi %scan3A_60, %div3A : i32
        %rem3A = arith.constant 4 : i32
        %rem3A_62 = arith.remsi %scan3A_60, %rem3A : i32
        %mul3A_63 = arith.constant 128 : i32
        %mul3A_64 = arith.muli %rem3A_62, %mul3A_63 : i32
        %add3A_65 = arith.constant 0 : i32
        %add3A_66 = arith.addi %mul3A_64, %add3A_65 : i32
        %get3A = arith.index_cast %div3A_61 : i32 to index
        %get3A_67 = arith.index_cast %add3A_66 : i32 to index
        %get3A_68 = tpu.vector_load %arg4[%get3A, %get3A_67] {strides = array<i32>} : memref<16x512xf32, #tpu.memory_space<vmem>>, vector<16xf32>,
        %add3A_69 = arith.constant 16 : i32
        %add3A_70 = arith.addi %mul3A_64, %add3A_69 : i32
        %get3A_71 = arith.index_cast %div3A_61 : i32 to index
        %get3A_72 = arith.index_cast %add3A_70 : i32 to index
        %get3A_73 = tpu.vector_load %arg4[%get3A_71, %get3A_72] {strides = array<i32>} : memref<16x512xf32, #tpu.memory_space<vmem>>, vector<16xf32>,
        %add3A_74 = arith.constant 32 : i32
        %add3A_75 = arith.addi %mul3A_64, %add3A_74 : i32
        %get3A_76 = arith.index_cast %div3A_61 : i32 to index
        %get3A_77 = arith.index_cast %add3A_75 : i32 to index
        %get3A_78 = tpu.vector_load %arg4[%get3A_76, %get3A_77] {strides = array<i32>} : memref<16x512xf32, #tpu.memory_space<vmem>>, vector<16xf32>,
        %add3A_79 = arith.constant 48 : i32
        %add3A_80 = arith.addi %mul3A_64, %add3A_79 : i32
        %get3A_81 = arith.index_cast %div3A_61 : i32 to index
        %get3A_82 = arith.index_cast %add3A_80 : i32 to index
        %get3A_83 = tpu.vector_load %arg4[%get3A_81, %get3A_82] {strides = array<i32>} : memref<16x512xf32, #tpu.memory_space<vmem>>, vector<16xf32>,
        %add3A_84 = arith.constant 64 : i32
        %add3A_85 = arith.addi %mul3A_64, %add3A_84 : i32
        %get3A_86 = arith.index_cast %div3A_61 : i32 to index
        %get3A_87 = arith.index_cast %add3A_85 : i32 to index
        %get3A_88 = tpu.vector_load %arg4[%get3A_86, %get3A_87] {strides = array<i32>} : memref<16x512xf32, #tpu.memory_space<vmem>>, vector<16xf32>,
        %add3A_89 = arith.constant 80 : i32
        %add3A_90 = arith.addi %mul3A_64, %add3A_89 : i32
        %get3A_91 = arith.index_cast %div3A_61 : i32 to index
        %get3A_92 = arith.index_cast %add3A_90 : i32 to index
        %get3A_93 = tpu.vector_load %arg4[%get3A_91, %get3A_92] {strides = array<i32>} : memref<16x512xf32, #tpu.memory_space<vmem>>, vector<16xf32>,
        %add3A_94 = arith.constant 96 : i32
        %add3A_95 = arith.addi %mul3A_64, %add3A_94 : i32
        %get3A_96 = arith.index_cast %div3A_61 : i32 to index
        %get3A_97 = arith.index_cast %add3A_95 : i32 to index
        %get3A_98 = tpu.vector_load %arg4[%get3A_96, %get3A_97] {strides = array<i32>} : memref<16x512xf32, #tpu.memory_space<vmem>>, vector<16xf32>,
        %add3A_99 = arith.constant 112 : i32
        %add3A_100 = arith.addi %mul3A_64, %add3A_99 : i32
        %get3A_101 = arith.index_cast %div3A_61 : i32 to index
        %get3A_102 = arith.index_cast %add3A_100 : i32 to index
        %get3A_103 = tpu.vector_load %arg4[%get3A_101, %get3A_102] {strides = array<i32>} : memref<16x512xf32, #tpu.memory_space<vmem>>, vector<16xf32>,
        %convert_element_type3A_104 = arith.fptosi %get3A_68 : vector<16xf32> to vector<16xi32>
        %convert_element_type3A_105 = arith.fptosi %get3A_73 : vector<16xf32> to vector<16xi32>
        %convert_element_type3A_106 = arith.fptosi %get3A_78 : vector<16xf32> to vector<16xi32>
        %convert_element_type3A_107 = arith.fptosi %get3A_83 : vector<16xf32> to vector<16xi32>
        %convert_element_type3A_108 = arith.fptosi %get3A_88 : vector<16xf32> to vector<16xi32>
        %convert_element_type3A_109 = arith.fptosi %get3A_93 : vector<16xf32> to vector<16xi32>
        %convert_element_type3A_110 = arith.fptosi %get3A_98 : vector<16xf32> to vector<16xi32>
        %convert_element_type3A_111 = arith.fptosi %get3A_103 : vector<16xf32> to vector<16xi32>
        tpu.vector_store_idx %arg6[%convert_element_type3A_104], %broadcast_in_dim3A_5 {add = true} : memref<1024xf32, #tpu.memory_space<vmem>>[vector<16xi32>], vector<16xf32>,
        tpu.vector_store_idx %arg7[%convert_element_type3A_104], %get3A_68 {add = true} : memref<1024xf32, #tpu.memory_space<vmem>>[vector<16xi32>], vector<16xf32>,
        tpu.vector_store_idx %arg6[%convert_element_type3A_105], %broadcast_in_dim3A_5 {add = true} : memref<1024xf32, #tpu.memory_space<vmem>>[vector<16xi32>], vector<16xf32>,
        tpu.vector_store_idx %arg7[%convert_element_type3A_105], %get3A_73 {add = true} : memref<1024xf32, #tpu.memory_space<vmem>>[vector<16xi32>], vector<16xf32>,
        tpu.vector_store_idx %arg6[%convert_element_type3A_106], %broadcast_in_dim3A_5 {add = true} : memref<1024xf32, #tpu.memory_space<vmem>>[vector<16xi32>], vector<16xf32>,
        tpu.vector_store_idx %arg7[%convert_element_type3A_106], %get3A_78 {add = true} : memref<1024xf32, #tpu.memory_space<vmem>>[vector<16xi32>], vector<16xf32>,
        tpu.vector_store_idx %arg6[%convert_element_type3A_107], %broadcast_in_dim3A_5 {add = true} : memref<1024xf32, #tpu.memory_space<vmem>>[vector<16xi32>], vector<16xf32>,
        tpu.vector_store_idx %arg7[%convert_element_type3A_107], %get3A_83 {add = true} : memref<1024xf32, #tpu.memory_space<vmem>>[vector<16xi32>], vector<16xf32>,
        tpu.vector_store_idx %arg6[%convert_element_type3A_108], %broadcast_in_dim3A_5 {add = true} : memref<1024xf32, #tpu.memory_space<vmem>>[vector<16xi32>], vector<16xf32>,
        tpu.vector_store_idx %arg7[%convert_element_type3A_108], %get3A_88 {add = true} : memref<1024xf32, #tpu.memory_space<vmem>>[vector<16xi32>], vector<16xf32>,
        tpu.vector_store_idx %arg6[%convert_element_type3A_109], %broadcast_in_dim3A_5 {add = true} : memref<1024xf32, #tpu.memory_space<vmem>>[vector<16xi32>], vector<16xf32>,
        tpu.vector_store_idx %arg7[%convert_element_type3A_109], %get3A_93 {add = true} : memref<1024xf32, #tpu.memory_space<vmem>>[vector<16xi32>], vector<16xf32>,
        tpu.vector_store_idx %arg6[%convert_element_type3A_110], %broadcast_in_dim3A_5 {add = true} : memref<1024xf32, #tpu.memory_space<vmem>>[vector<16xi32>], vector<16xf32>,
        tpu.vector_store_idx %arg7[%convert_element_type3A_110], %get3A_98 {add = true} : memref<1024xf32, #tpu.memory_space<vmem>>[vector<16xi32>], vector<16xf32>,
        tpu.vector_store_idx %arg6[%convert_element_type3A_111], %broadcast_in_dim3A_5 {add = true} : memref<1024xf32, #tpu.memory_space<vmem>>[vector<16xi32>], vector<16xf32>,
        tpu.vector_store_idx %arg7[%convert_element_type3A_111], %get3A_103 {add = true} : memref<1024xf32, #tpu.memory_space<vmem>>[vector<16xi32>], vector<16xf32>,
      }
      %scan3A_40 = arith.constant 64 : i32
      %dma_wait3A_41 = arith.constant 0 : i32
      %dma_wait3A_42 = arith.constant 0 : i32
      %dma_wait3A_43 = tpu.memref_slice %arg2[%dma_wait3A_41, %dma_wait3A_42] : memref<4096x512xf32, #tpu.memory_space<hbm>> -> memref<16x512xf32, #tpu.memory_space<hbm>>
      %dma_wait3A_44 = arith.constant 0 : i32
      %dma_wait3A_45 = arith.constant 0 : i32
      %dma_wait3A_46 = tpu.memref_slice %arg2[%dma_wait3A_44, %dma_wait3A_45] : memref<4096x512xf32, #tpu.memory_space<hbm>> -> memref<16x512xf32, #tpu.memory_space<hbm>>
      tpu.wait_dma2 semaphore(%arg9 : memref<!tpu.dma_semaphore, #tpu.memory_space<semaphore_mem>>) src(%dma_wait3A_46 : memref<16x512xf32, #tpu.memory_space<hbm>>) dst(%arg5 : memref<16x512xf32, #tpu.memory_space<vmem>>)
      %add3A_47 = arith.constant 2 : i32
      %add3A_48 = arith.addi %mul3A_25, %add3A_47 : i32
      %lt3A_49 = arith.constant 8 : i32
      %lt3A_50 = arith.cmpi slt, %add3A_48, %lt3A_49 : i32
      %convert_element_type3A_51 = arith.extui %lt3A_50 : i1 to i32
      %cond3A_52 = arith.constant 0 : i32
      %cond3A_53 = arith.cmpi ne, %convert_element_type3A_51, %cond3A_52 : i32
      scf.if %cond3A_53 {
        %add3A_60 = arith.constant 2 : i32
        %add3A_61 = arith.addi %mul3A_25, %add3A_60 : i32
        %mul3A_62 = arith.constant 16 : i32
        %mul3A_63 = arith.muli %add3A_61, %mul3A_62 : i32
        %add3A_64 = arith.addi %mul3A_2, %mul3A_63 : i32
        %dma_start3A_65 = arith.constant 0 : i32
        %dma_start3A_66 = tpu.memref_slice %arg2[%add3A_64, %dma_start3A_65] : memref<4096x512xf32, #tpu.memory_space<hbm>> -> memref<16x512xf32, #tpu.memory_space<hbm>>
        %dma_start3A_67 = arith.constant 0 : i32
        %dma_start3A_68 = tpu.memref_slice %arg2[%add3A_64, %dma_start3A_67] : memref<4096x512xf32, #tpu.memory_space<hbm>> -> memref<16x512xf32, #tpu.memory_space<hbm>>
        tpu.enqueue_dma source(%dma_start3A_68 : memref<16x512xf32, #tpu.memory_space<hbm>>) target(%arg4 : memref<16x512xf32, #tpu.memory_space<vmem>>) target_semaphore(%arg8 : memref<!tpu.dma_semaphore, #tpu.memory_space<semaphore_mem>>)
      } else {
      }
      %scan3A_54 = arith.constant 0 : i32
      %scan3A_55 = arith.constant 0 : i32
      %scan3A_56 = arith.constant 64 : i32
      %scan3A_57 = arith.addi %scan3A_55, %scan3A_56 : i32
      %scan3A_58 = arith.constant 1 : i32
      scf.for %scan3A_60 = %scan3A_55 to %scan3A_57 step %scan3A_58  : i32 {
        %div3A = arith.constant 4 : i32
        %div3A_61 = arith.divsi %scan3A_60, %div3A : i32
        %rem3A = arith.constant 4 : i32
        %rem3A_62 = arith.remsi %scan3A_60, %rem3A : i32
        %mul3A_63 = arith.constant 128 : i32
        %mul3A_64 = arith.muli %rem3A_62, %mul3A_63 : i32
        %add3A_65 = arith.constant 0 : i32
        %add3A_66 = arith.addi %mul3A_64, %add3A_65 : i32
        %get3A = arith.index_cast %div3A_61 : i32 to index
        %get3A_67 = arith.index_cast %add3A_66 : i32 to index
        %get3A_68 = tpu.vector_load %arg5[%get3A, %get3A_67] {strides = array<i32>} : memref<16x512xf32, #tpu.memory_space<vmem>>, vector<16xf32>,
        %add3A_69 = arith.constant 16 : i32
        %add3A_70 = arith.addi %mul3A_64, %add3A_69 : i32
        %get3A_71 = arith.index_cast %div3A_61 : i32 to index
        %get3A_72 = arith.index_cast %add3A_70 : i32 to index
        %get3A_73 = tpu.vector_load %arg5[%get3A_71, %get3A_72] {strides = array<i32>} : memref<16x512xf32, #tpu.memory_space<vmem>>, vector<16xf32>,
        %add3A_74 = arith.constant 32 : i32
        %add3A_75 = arith.addi %mul3A_64, %add3A_74 : i32
        %get3A_76 = arith.index_cast %div3A_61 : i32 to index
        %get3A_77 = arith.index_cast %add3A_75 : i32 to index
        %get3A_78 = tpu.vector_load %arg5[%get3A_76, %get3A_77] {strides = array<i32>} : memref<16x512xf32, #tpu.memory_space<vmem>>, vector<16xf32>,
        %add3A_79 = arith.constant 48 : i32
        %add3A_80 = arith.addi %mul3A_64, %add3A_79 : i32
        %get3A_81 = arith.index_cast %div3A_61 : i32 to index
        %get3A_82 = arith.index_cast %add3A_80 : i32 to index
        %get3A_83 = tpu.vector_load %arg5[%get3A_81, %get3A_82] {strides = array<i32>} : memref<16x512xf32, #tpu.memory_space<vmem>>, vector<16xf32>,
        %add3A_84 = arith.constant 64 : i32
        %add3A_85 = arith.addi %mul3A_64, %add3A_84 : i32
        %get3A_86 = arith.index_cast %div3A_61 : i32 to index
        %get3A_87 = arith.index_cast %add3A_85 : i32 to index
        %get3A_88 = tpu.vector_load %arg5[%get3A_86, %get3A_87] {strides = array<i32>} : memref<16x512xf32, #tpu.memory_space<vmem>>, vector<16xf32>,
        %add3A_89 = arith.constant 80 : i32
        %add3A_90 = arith.addi %mul3A_64, %add3A_89 : i32
        %get3A_91 = arith.index_cast %div3A_61 : i32 to index
        %get3A_92 = arith.index_cast %add3A_90 : i32 to index
        %get3A_93 = tpu.vector_load %arg5[%get3A_91, %get3A_92] {strides = array<i32>} : memref<16x512xf32, #tpu.memory_space<vmem>>, vector<16xf32>,
        %add3A_94 = arith.constant 96 : i32
        %add3A_95 = arith.addi %mul3A_64, %add3A_94 : i32
        %get3A_96 = arith.index_cast %div3A_61 : i32 to index
        %get3A_97 = arith.index_cast %add3A_95 : i32 to index
        %get3A_98 = tpu.vector_load %arg5[%get3A_96, %get3A_97] {strides = array<i32>} : memref<16x512xf32, #tpu.memory_space<vmem>>, vector<16xf32>,
        %add3A_99 = arith.constant 112 : i32
        %add3A_100 = arith.addi %mul3A_64, %add3A_99 : i32
        %get3A_101 = arith.index_cast %div3A_61 : i32 to index
        %get3A_102 = arith.index_cast %add3A_100 : i32 to index
        %get3A_103 = tpu.vector_load %arg5[%get3A_101, %get3A_102] {strides = array<i32>} : memref<16x512xf32, #tpu.memory_space<vmem>>, vector<16xf32>,
        %convert_element_type3A_104 = arith.fptosi %get3A_68 : vector<16xf32> to vector<16xi32>
        %convert_element_type3A_105 = arith.fptosi %get3A_73 : vector<16xf32> to vector<16xi32>
        %convert_element_type3A_106 = arith.fptosi %get3A_78 : vector<16xf32> to vector<16xi32>
        %convert_element_type3A_107 = arith.fptosi %get3A_83 : vector<16xf32> to vector<16xi32>
        %convert_element_type3A_108 = arith.fptosi %get3A_88 : vector<16xf32> to vector<16xi32>
        %convert_element_type3A_109 = arith.fptosi %get3A_93 : vector<16xf32> to vector<16xi32>
        %convert_element_type3A_110 = arith.fptosi %get3A_98 : vector<16xf32> to vector<16xi32>
        %convert_element_type3A_111 = arith.fptosi %get3A_103 : vector<16xf32> to vector<16xi32>
        tpu.vector_store_idx %arg6[%convert_element_type3A_104], %broadcast_in_dim3A_5 {add = true} : memref<1024xf32, #tpu.memory_space<vmem>>[vector<16xi32>], vector<16xf32>,
        tpu.vector_store_idx %arg7[%convert_element_type3A_104], %get3A_68 {add = true} : memref<1024xf32, #tpu.memory_space<vmem>>[vector<16xi32>], vector<16xf32>,
        tpu.vector_store_idx %arg6[%convert_element_type3A_105], %broadcast_in_dim3A_5 {add = true} : memref<1024xf32, #tpu.memory_space<vmem>>[vector<16xi32>], vector<16xf32>,
        tpu.vector_store_idx %arg7[%convert_element_type3A_105], %get3A_73 {add = true} : memref<1024xf32, #tpu.memory_space<vmem>>[vector<16xi32>], vector<16xf32>,
        tpu.vector_store_idx %arg6[%convert_element_type3A_106], %broadcast_in_dim3A_5 {add = true} : memref<1024xf32, #tpu.memory_space<vmem>>[vector<16xi32>], vector<16xf32>,
        tpu.vector_store_idx %arg7[%convert_element_type3A_106], %get3A_78 {add = true} : memref<1024xf32, #tpu.memory_space<vmem>>[vector<16xi32>], vector<16xf32>,
        tpu.vector_store_idx %arg6[%convert_element_type3A_107], %broadcast_in_dim3A_5 {add = true} : memref<1024xf32, #tpu.memory_space<vmem>>[vector<16xi32>], vector<16xf32>,
        tpu.vector_store_idx %arg7[%convert_element_type3A_107], %get3A_83 {add = true} : memref<1024xf32, #tpu.memory_space<vmem>>[vector<16xi32>], vector<16xf32>,
        tpu.vector_store_idx %arg6[%convert_element_type3A_108], %broadcast_in_dim3A_5 {add = true} : memref<1024xf32, #tpu.memory_space<vmem>>[vector<16xi32>], vector<16xf32>,
        tpu.vector_store_idx %arg7[%convert_element_type3A_108], %get3A_88 {add = true} : memref<1024xf32, #tpu.memory_space<vmem>>[vector<16xi32>], vector<16xf32>,
        tpu.vector_store_idx %arg6[%convert_element_type3A_109], %broadcast_in_dim3A_5 {add = true} : memref<1024xf32, #tpu.memory_space<vmem>>[vector<16xi32>], vector<16xf32>,
        tpu.vector_store_idx %arg7[%convert_element_type3A_109], %get3A_93 {add = true} : memref<1024xf32, #tpu.memory_space<vmem>>[vector<16xi32>], vector<16xf32>,
        tpu.vector_store_idx %arg6[%convert_element_type3A_110], %broadcast_in_dim3A_5 {add = true} : memref<1024xf32, #tpu.memory_space<vmem>>[vector<16xi32>], vector<16xf32>,
        tpu.vector_store_idx %arg7[%convert_element_type3A_110], %get3A_98 {add = true} : memref<1024xf32, #tpu.memory_space<vmem>>[vector<16xi32>], vector<16xf32>,
        tpu.vector_store_idx %arg6[%convert_element_type3A_111], %broadcast_in_dim3A_5 {add = true} : memref<1024xf32, #tpu.memory_space<vmem>>[vector<16xi32>], vector<16xf32>,
        tpu.vector_store_idx %arg7[%convert_element_type3A_111], %get3A_103 {add = true} : memref<1024xf32, #tpu.memory_space<vmem>>[vector<16xi32>], vector<16xf32>,
      }
      %scan3A_59 = arith.constant 64 : i32
    }
    %scan3A_21 = arith.constant 4 : i32
    %run_scoped3A = arith.constant 0 : i32
    "tpu.region"() ({
      %run_scoped3A_23 = tpu.sem_alloc : memref<!tpu.dma_semaphore, #tpu.memory_space<semaphore_mem>>
      %dma_start3A_24 = arith.constant 0 : i32
      %dma_start3A_25 = tpu.memref_slice %arg3[%add3A, %run_scoped3A, %dma_start3A_24] : memref<32x2x1024xf32, #tpu.memory_space<hbm>> -> memref<1x1x1024xf32, #tpu.memory_space<hbm>>
      %dma_start3A_26 = tpu.memref_squeeze %dma_start3A_25 : memref<1x1x1024xf32, #tpu.memory_space<hbm>> -> memref<1024xf32, #tpu.memory_space<hbm>>
      %dma_start3A_27 = arith.constant 0 : i32
      %dma_start3A_28 = tpu.memref_slice %arg3[%add3A, %run_scoped3A, %dma_start3A_27] : memref<32x2x1024xf32, #tpu.memory_space<hbm>> -> memref<1x1x1024xf32, #tpu.memory_space<hbm>>
      %dma_start3A_29 = tpu.memref_squeeze %dma_start3A_28 : memref<1x1x1024xf32, #tpu.memory_space<hbm>> -> memref<1024xf32, #tpu.memory_space<hbm>>
      tpu.enqueue_dma source(%arg6 : memref<1024xf32, #tpu.memory_space<vmem>>) target(%dma_start3A_29 : memref<1024xf32, #tpu.memory_space<hbm>>) target_semaphore(%run_scoped3A_23 : memref<!tpu.dma_semaphore, #tpu.memory_space<semaphore_mem>>)
      %dma_wait3A = arith.constant 0 : i32
      %dma_wait3A_30 = tpu.memref_slice %arg3[%add3A, %run_scoped3A, %dma_wait3A] : memref<32x2x1024xf32, #tpu.memory_space<hbm>> -> memref<1x1x1024xf32, #tpu.memory_space<hbm>>
      %dma_wait3A_31 = tpu.memref_squeeze %dma_wait3A_30 : memref<1x1x1024xf32, #tpu.memory_space<hbm>> -> memref<1024xf32, #tpu.memory_space<hbm>>
      %dma_wait3A_32 = arith.constant 0 : i32
      %dma_wait3A_33 = tpu.memref_slice %arg3[%add3A, %run_scoped3A, %dma_wait3A_32] : memref<32x2x1024xf32, #tpu.memory_space<hbm>> -> memref<1x1x1024xf32, #tpu.memory_space<hbm>>
      %dma_wait3A_34 = tpu.memref_squeeze %dma_wait3A_33 : memref<1x1x1024xf32, #tpu.memory_space<hbm>> -> memref<1024xf32, #tpu.memory_space<hbm>>
      tpu.wait_dma2 semaphore(%run_scoped3A_23 : memref<!tpu.dma_semaphore, #tpu.memory_space<semaphore_mem>>) src(%arg6 : memref<1024xf32, #tpu.memory_space<vmem>>) dst(%dma_wait3A_34 : memref<1024xf32, #tpu.memory_space<hbm>>)
      tpu.yield
    }) : () -> ()
    %run_scoped3A_22 = arith.constant 1 : i32
    "tpu.region"() ({
      %run_scoped3A_23 = tpu.sem_alloc : memref<!tpu.dma_semaphore, #tpu.memory_space<semaphore_mem>>
      %dma_start3A_24 = arith.constant 0 : i32
      %dma_start3A_25 = tpu.memref_slice %arg3[%add3A, %run_scoped3A_22, %dma_start3A_24] : memref<32x2x1024xf32, #tpu.memory_space<hbm>> -> memref<1x1x1024xf32, #tpu.memory_space<hbm>>
      %dma_start3A_26 = tpu.memref_squeeze %dma_start3A_25 : memref<1x1x1024xf32, #tpu.memory_space<hbm>> -> memref<1024xf32, #tpu.memory_space<hbm>>
      %dma_start3A_27 = arith.constant 0 : i32
      %dma_start3A_28 = tpu.memref_slice %arg3[%add3A, %run_scoped3A_22, %dma_start3A_27] : memref<32x2x1024xf32, #tpu.memory_space<hbm>> -> memref<1x1x1024xf32, #tpu.memory_space<hbm>>
      %dma_start3A_29 = tpu.memref_squeeze %dma_start3A_28 : memref<1x1x1024xf32, #tpu.memory_space<hbm>> -> memref<1024xf32, #tpu.memory_space<hbm>>
      tpu.enqueue_dma source(%arg7 : memref<1024xf32, #tpu.memory_space<vmem>>) target(%dma_start3A_29 : memref<1024xf32, #tpu.memory_space<hbm>>) target_semaphore(%run_scoped3A_23 : memref<!tpu.dma_semaphore, #tpu.memory_space<semaphore_mem>>)
      %dma_wait3A = arith.constant 0 : i32
      %dma_wait3A_30 = tpu.memref_slice %arg3[%add3A, %run_scoped3A_22, %dma_wait3A] : memref<32x2x1024xf32, #tpu.memory_space<hbm>> -> memref<1x1x1024xf32, #tpu.memory_space<hbm>>
      %dma_wait3A_31 = tpu.memref_squeeze %dma_wait3A_30 : memref<1x1x1024xf32, #tpu.memory_space<hbm>> -> memref<1024xf32, #tpu.memory_space<hbm>>
      %dma_wait3A_32 = arith.constant 0 : i32
      %dma_wait3A_33 = tpu.memref_slice %arg3[%add3A, %run_scoped3A_22, %dma_wait3A_32] : memref<32x2x1024xf32, #tpu.memory_space<hbm>> -> memref<1x1x1024xf32, #tpu.memory_space<hbm>>
      %dma_wait3A_34 = tpu.memref_squeeze %dma_wait3A_33 : memref<1x1x1024xf32, #tpu.memory_space<hbm>> -> memref<1024xf32, #tpu.memory_space<hbm>>
      tpu.wait_dma2 semaphore(%run_scoped3A_23 : memref<!tpu.dma_semaphore, #tpu.memory_space<semaphore_mem>>) src(%arg7 : memref<1024xf32, #tpu.memory_space<vmem>>) dst(%dma_wait3A_34 : memref<1024xf32, #tpu.memory_space<hbm>>)
      tpu.yield
    }) : () -> ()
    return
  }
}

#map = affine_map<(d0, d1) -> (0, 0, 0)>
#map1 = affine_map<(d0, d1) -> (0)>
module attributes {stable_mosaic.version = 14 : i64} {
  func.func @_select_kernel(%arg0: i32, %arg1: i32, %arg2: memref<32x2x1024xf32, #tpu.memory_space<hbm>>, %arg3: memref<32x2x1024xf32, #tpu.memory_space<hbm>>, %arg4: memref<16xf32, #tpu.memory_space<hbm>>, %arg5: memref<32x2x1024xf32, #tpu.memory_space<vmem>>, %arg6: memref<16x2x1024xf32, #tpu.memory_space<vmem>>, %arg7: memref<2x1024xf32, #tpu.memory_space<vmem>>, %arg8: memref<16xf32, #tpu.memory_space<vmem>>, %arg9: memref<!tpu.dma_semaphore, #tpu.memory_space<semaphore_mem>>, %arg10: memref<!tpu.dma_semaphore, #tpu.memory_space<semaphore_mem>>) attributes {dimension_semantics = [#tpu.dimension_semantics<core_parallel>, #tpu.dimension_semantics<subcore_parallel>], iteration_bounds = array<i64: 2, 16>, scalar_prefetch = 0 : i64, scratch_operands = 6 : i64, tpu.core_type = #tpu.core_type<sc_vector_subcore>, window_params = [{transform_indices = #map}, {transform_indices = #map}, {transform_indices = #map1}]} {
    %mul3A = arith.constant 2 : i32
    %mul3A_0 = arith.muli %arg1, %mul3A : i32
    %add3A = arith.addi %mul3A_0, %arg0 : i32
    %eq3A = arith.constant 0 : i32
    %eq3A_1 = arith.cmpi eq, %add3A, %eq3A : i32
    %convert_element_type3A = arith.extui %eq3A_1 : i1 to i32
    %cond3A = arith.constant 0 : i32
    %cond3A_2 = arith.cmpi ne, %convert_element_type3A, %cond3A : i32
    scf.if %cond3A_2 {
      %broadcast_in_dim3A = arith.constant 0.000000e+00 : f32
      %broadcast_in_dim3A_3 = vector.broadcast %broadcast_in_dim3A : f32 to vector<16xf32>
      tpu.enqueue_dma source(%arg2 : memref<32x2x1024xf32, #tpu.memory_space<hbm>>) target(%arg5 : memref<32x2x1024xf32, #tpu.memory_space<vmem>>) target_semaphore(%arg9 : memref<!tpu.dma_semaphore, #tpu.memory_space<semaphore_mem>>)
      %dma_start3A = arith.constant 0 : i32
      %dma_start3A_4 = arith.constant 0 : i32
      %dma_start3A_5 = arith.constant 0 : i32
      %dma_start3A_6 = tpu.memref_slice %arg3[%dma_start3A, %dma_start3A_4, %dma_start3A_5] : memref<32x2x1024xf32, #tpu.memory_space<hbm>> -> memref<16x2x1024xf32, #tpu.memory_space<hbm>>
      %dma_start3A_7 = arith.constant 0 : i32
      %dma_start3A_8 = arith.constant 0 : i32
      %dma_start3A_9 = arith.constant 0 : i32
      %dma_start3A_10 = tpu.memref_slice %arg3[%dma_start3A_7, %dma_start3A_8, %dma_start3A_9] : memref<32x2x1024xf32, #tpu.memory_space<hbm>> -> memref<16x2x1024xf32, #tpu.memory_space<hbm>>
      tpu.enqueue_dma source(%dma_start3A_10 : memref<16x2x1024xf32, #tpu.memory_space<hbm>>) target(%arg6 : memref<16x2x1024xf32, #tpu.memory_space<vmem>>) target_semaphore(%arg10 : memref<!tpu.dma_semaphore, #tpu.memory_space<semaphore_mem>>)
      tpu.wait_dma2 semaphore(%arg9 : memref<!tpu.dma_semaphore, #tpu.memory_space<semaphore_mem>>) src(%arg2 : memref<32x2x1024xf32, #tpu.memory_space<hbm>>) dst(%arg5 : memref<32x2x1024xf32, #tpu.memory_space<vmem>>)
      %dma_wait3A = arith.constant 0 : i32
      %dma_wait3A_11 = arith.constant 0 : i32
      %dma_wait3A_12 = arith.constant 0 : i32
      %dma_wait3A_13 = tpu.memref_slice %arg3[%dma_wait3A, %dma_wait3A_11, %dma_wait3A_12] : memref<32x2x1024xf32, #tpu.memory_space<hbm>> -> memref<16x2x1024xf32, #tpu.memory_space<hbm>>
      %dma_wait3A_14 = arith.constant 0 : i32
      %dma_wait3A_15 = arith.constant 0 : i32
      %dma_wait3A_16 = arith.constant 0 : i32
      %dma_wait3A_17 = tpu.memref_slice %arg3[%dma_wait3A_14, %dma_wait3A_15, %dma_wait3A_16] : memref<32x2x1024xf32, #tpu.memory_space<hbm>> -> memref<16x2x1024xf32, #tpu.memory_space<hbm>>
      tpu.wait_dma2 semaphore(%arg10 : memref<!tpu.dma_semaphore, #tpu.memory_space<semaphore_mem>>) src(%dma_wait3A_17 : memref<16x2x1024xf32, #tpu.memory_space<hbm>>) dst(%arg6 : memref<16x2x1024xf32, #tpu.memory_space<vmem>>)
      %scan3A = arith.constant 0 : i32
      %scan3A_18 = arith.constant 0 : i32
      %scan3A_19 = arith.constant 64 : i32
      %scan3A_20 = arith.addi %scan3A_18, %scan3A_19 : i32
      %scan3A_21 = arith.constant 1 : i32
      scf.for %scan3A_47 = %scan3A_18 to %scan3A_20 step %scan3A_21  : i32 {
        %mul3A_48 = arith.constant 16 : i32
        %mul3A_49 = arith.muli %scan3A_47, %mul3A_48 : i32
        %get3A = arith.constant 0 : i32
        %get3A_50 = arith.constant 0 : i32
        %get3A_51 = arith.index_cast %get3A : i32 to index
        %get3A_52 = arith.index_cast %get3A_50 : i32 to index
        %get3A_53 = arith.index_cast %mul3A_49 : i32 to index
        %get3A_54 = tpu.vector_load %arg5[%get3A_51, %get3A_52, %get3A_53] {strides = array<i32>} : memref<32x2x1024xf32, #tpu.memory_space<vmem>>, vector<16xf32>,
        %get3A_55 = arith.constant 1 : i32
        %get3A_56 = arith.constant 0 : i32
        %get3A_57 = arith.index_cast %get3A_55 : i32 to index
        %get3A_58 = arith.index_cast %get3A_56 : i32 to index
        %get3A_59 = arith.index_cast %mul3A_49 : i32 to index
        %get3A_60 = tpu.vector_load %arg5[%get3A_57, %get3A_58, %get3A_59] {strides = array<i32>} : memref<32x2x1024xf32, #tpu.memory_space<vmem>>, vector<16xf32>,
        %get3A_61 = arith.constant 2 : i32
        %get3A_62 = arith.constant 0 : i32
        %get3A_63 = arith.index_cast %get3A_61 : i32 to index
        %get3A_64 = arith.index_cast %get3A_62 : i32 to index
        %get3A_65 = arith.index_cast %mul3A_49 : i32 to index
        %get3A_66 = tpu.vector_load %arg5[%get3A_63, %get3A_64, %get3A_65] {strides = array<i32>} : memref<32x2x1024xf32, #tpu.memory_space<vmem>>, vector<16xf32>,
        %get3A_67 = arith.constant 3 : i32
        %get3A_68 = arith.constant 0 : i32
        %get3A_69 = arith.index_cast %get3A_67 : i32 to index
        %get3A_70 = arith.index_cast %get3A_68 : i32 to index
        %get3A_71 = arith.index_cast %mul3A_49 : i32 to index
        %get3A_72 = tpu.vector_load %arg5[%get3A_69, %get3A_70, %get3A_71] {strides = array<i32>} : memref<32x2x1024xf32, #tpu.memory_space<vmem>>, vector<16xf32>,
        %get3A_73 = arith.constant 4 : i32
        %get3A_74 = arith.constant 0 : i32
        %get3A_75 = arith.index_cast %get3A_73 : i32 to index
        %get3A_76 = arith.index_cast %get3A_74 : i32 to index
        %get3A_77 = arith.index_cast %mul3A_49 : i32 to index
        %get3A_78 = tpu.vector_load %arg5[%get3A_75, %get3A_76, %get3A_77] {strides = array<i32>} : memref<32x2x1024xf32, #tpu.memory_space<vmem>>, vector<16xf32>,
        %get3A_79 = arith.constant 5 : i32
        %get3A_80 = arith.constant 0 : i32
        %get3A_81 = arith.index_cast %get3A_79 : i32 to index
        %get3A_82 = arith.index_cast %get3A_80 : i32 to index
        %get3A_83 = arith.index_cast %mul3A_49 : i32 to index
        %get3A_84 = tpu.vector_load %arg5[%get3A_81, %get3A_82, %get3A_83] {strides = array<i32>} : memref<32x2x1024xf32, #tpu.memory_space<vmem>>, vector<16xf32>,
        %get3A_85 = arith.constant 6 : i32
        %get3A_86 = arith.constant 0 : i32
        %get3A_87 = arith.index_cast %get3A_85 : i32 to index
        %get3A_88 = arith.index_cast %get3A_86 : i32 to index
        %get3A_89 = arith.index_cast %mul3A_49 : i32 to index
        %get3A_90 = tpu.vector_load %arg5[%get3A_87, %get3A_88, %get3A_89] {strides = array<i32>} : memref<32x2x1024xf32, #tpu.memory_space<vmem>>, vector<16xf32>,
        %get3A_91 = arith.constant 7 : i32
        %get3A_92 = arith.constant 0 : i32
        %get3A_93 = arith.index_cast %get3A_91 : i32 to index
        %get3A_94 = arith.index_cast %get3A_92 : i32 to index
        %get3A_95 = arith.index_cast %mul3A_49 : i32 to index
        %get3A_96 = tpu.vector_load %arg5[%get3A_93, %get3A_94, %get3A_95] {strides = array<i32>} : memref<32x2x1024xf32, #tpu.memory_space<vmem>>, vector<16xf32>,
        %get3A_97 = arith.constant 8 : i32
        %get3A_98 = arith.constant 0 : i32
        %get3A_99 = arith.index_cast %get3A_97 : i32 to index
        %get3A_100 = arith.index_cast %get3A_98 : i32 to index
        %get3A_101 = arith.index_cast %mul3A_49 : i32 to index
        %get3A_102 = tpu.vector_load %arg5[%get3A_99, %get3A_100, %get3A_101] {strides = array<i32>} : memref<32x2x1024xf32, #tpu.memory_space<vmem>>, vector<16xf32>,
        %get3A_103 = arith.constant 9 : i32
        %get3A_104 = arith.constant 0 : i32
        %get3A_105 = arith.index_cast %get3A_103 : i32 to index
        %get3A_106 = arith.index_cast %get3A_104 : i32 to index
        %get3A_107 = arith.index_cast %mul3A_49 : i32 to index
        %get3A_108 = tpu.vector_load %arg5[%get3A_105, %get3A_106, %get3A_107] {strides = array<i32>} : memref<32x2x1024xf32, #tpu.memory_space<vmem>>, vector<16xf32>,
        %get3A_109 = arith.constant 10 : i32
        %get3A_110 = arith.constant 0 : i32
        %get3A_111 = arith.index_cast %get3A_109 : i32 to index
        %get3A_112 = arith.index_cast %get3A_110 : i32 to index
        %get3A_113 = arith.index_cast %mul3A_49 : i32 to index
        %get3A_114 = tpu.vector_load %arg5[%get3A_111, %get3A_112, %get3A_113] {strides = array<i32>} : memref<32x2x1024xf32, #tpu.memory_space<vmem>>, vector<16xf32>,
        %get3A_115 = arith.constant 11 : i32
        %get3A_116 = arith.constant 0 : i32
        %get3A_117 = arith.index_cast %get3A_115 : i32 to index
        %get3A_118 = arith.index_cast %get3A_116 : i32 to index
        %get3A_119 = arith.index_cast %mul3A_49 : i32 to index
        %get3A_120 = tpu.vector_load %arg5[%get3A_117, %get3A_118, %get3A_119] {strides = array<i32>} : memref<32x2x1024xf32, #tpu.memory_space<vmem>>, vector<16xf32>,
        %get3A_121 = arith.constant 12 : i32
        %get3A_122 = arith.constant 0 : i32
        %get3A_123 = arith.index_cast %get3A_121 : i32 to index
        %get3A_124 = arith.index_cast %get3A_122 : i32 to index
        %get3A_125 = arith.index_cast %mul3A_49 : i32 to index
        %get3A_126 = tpu.vector_load %arg5[%get3A_123, %get3A_124, %get3A_125] {strides = array<i32>} : memref<32x2x1024xf32, #tpu.memory_space<vmem>>, vector<16xf32>,
        %get3A_127 = arith.constant 13 : i32
        %get3A_128 = arith.constant 0 : i32
        %get3A_129 = arith.index_cast %get3A_127 : i32 to index
        %get3A_130 = arith.index_cast %get3A_128 : i32 to index
        %get3A_131 = arith.index_cast %mul3A_49 : i32 to index
        %get3A_132 = tpu.vector_load %arg5[%get3A_129, %get3A_130, %get3A_131] {strides = array<i32>} : memref<32x2x1024xf32, #tpu.memory_space<vmem>>, vector<16xf32>,
        %get3A_133 = arith.constant 14 : i32
        %get3A_134 = arith.constant 0 : i32
        %get3A_135 = arith.index_cast %get3A_133 : i32 to index
        %get3A_136 = arith.index_cast %get3A_134 : i32 to index
        %get3A_137 = arith.index_cast %mul3A_49 : i32 to index
        %get3A_138 = tpu.vector_load %arg5[%get3A_135, %get3A_136, %get3A_137] {strides = array<i32>} : memref<32x2x1024xf32, #tpu.memory_space<vmem>>, vector<16xf32>,
        %get3A_139 = arith.constant 15 : i32
        %get3A_140 = arith.constant 0 : i32
        %get3A_141 = arith.index_cast %get3A_139 : i32 to index
        %get3A_142 = arith.index_cast %get3A_140 : i32 to index
        %get3A_143 = arith.index_cast %mul3A_49 : i32 to index
        %get3A_144 = tpu.vector_load %arg5[%get3A_141, %get3A_142, %get3A_143] {strides = array<i32>} : memref<32x2x1024xf32, #tpu.memory_space<vmem>>, vector<16xf32>,
        %get3A_145 = arith.constant 16 : i32
        %get3A_146 = arith.constant 0 : i32
        %get3A_147 = arith.index_cast %get3A_145 : i32 to index
        %get3A_148 = arith.index_cast %get3A_146 : i32 to index
        %get3A_149 = arith.index_cast %mul3A_49 : i32 to index
        %get3A_150 = tpu.vector_load %arg5[%get3A_147, %get3A_148, %get3A_149] {strides = array<i32>} : memref<32x2x1024xf32, #tpu.memory_space<vmem>>, vector<16xf32>,
        %get3A_151 = arith.constant 17 : i32
        %get3A_152 = arith.constant 0 : i32
        %get3A_153 = arith.index_cast %get3A_151 : i32 to index
        %get3A_154 = arith.index_cast %get3A_152 : i32 to index
        %get3A_155 = arith.index_cast %mul3A_49 : i32 to index
        %get3A_156 = tpu.vector_load %arg5[%get3A_153, %get3A_154, %get3A_155] {strides = array<i32>} : memref<32x2x1024xf32, #tpu.memory_space<vmem>>, vector<16xf32>,
        %get3A_157 = arith.constant 18 : i32
        %get3A_158 = arith.constant 0 : i32
        %get3A_159 = arith.index_cast %get3A_157 : i32 to index
        %get3A_160 = arith.index_cast %get3A_158 : i32 to index
        %get3A_161 = arith.index_cast %mul3A_49 : i32 to index
        %get3A_162 = tpu.vector_load %arg5[%get3A_159, %get3A_160, %get3A_161] {strides = array<i32>} : memref<32x2x1024xf32, #tpu.memory_space<vmem>>, vector<16xf32>,
        %get3A_163 = arith.constant 19 : i32
        %get3A_164 = arith.constant 0 : i32
        %get3A_165 = arith.index_cast %get3A_163 : i32 to index
        %get3A_166 = arith.index_cast %get3A_164 : i32 to index
        %get3A_167 = arith.index_cast %mul3A_49 : i32 to index
        %get3A_168 = tpu.vector_load %arg5[%get3A_165, %get3A_166, %get3A_167] {strides = array<i32>} : memref<32x2x1024xf32, #tpu.memory_space<vmem>>, vector<16xf32>,
        %get3A_169 = arith.constant 20 : i32
        %get3A_170 = arith.constant 0 : i32
        %get3A_171 = arith.index_cast %get3A_169 : i32 to index
        %get3A_172 = arith.index_cast %get3A_170 : i32 to index
        %get3A_173 = arith.index_cast %mul3A_49 : i32 to index
        %get3A_174 = tpu.vector_load %arg5[%get3A_171, %get3A_172, %get3A_173] {strides = array<i32>} : memref<32x2x1024xf32, #tpu.memory_space<vmem>>, vector<16xf32>,
        %get3A_175 = arith.constant 21 : i32
        %get3A_176 = arith.constant 0 : i32
        %get3A_177 = arith.index_cast %get3A_175 : i32 to index
        %get3A_178 = arith.index_cast %get3A_176 : i32 to index
        %get3A_179 = arith.index_cast %mul3A_49 : i32 to index
        %get3A_180 = tpu.vector_load %arg5[%get3A_177, %get3A_178, %get3A_179] {strides = array<i32>} : memref<32x2x1024xf32, #tpu.memory_space<vmem>>, vector<16xf32>,
        %get3A_181 = arith.constant 22 : i32
        %get3A_182 = arith.constant 0 : i32
        %get3A_183 = arith.index_cast %get3A_181 : i32 to index
        %get3A_184 = arith.index_cast %get3A_182 : i32 to index
        %get3A_185 = arith.index_cast %mul3A_49 : i32 to index
        %get3A_186 = tpu.vector_load %arg5[%get3A_183, %get3A_184, %get3A_185] {strides = array<i32>} : memref<32x2x1024xf32, #tpu.memory_space<vmem>>, vector<16xf32>,
        %get3A_187 = arith.constant 23 : i32
        %get3A_188 = arith.constant 0 : i32
        %get3A_189 = arith.index_cast %get3A_187 : i32 to index
        %get3A_190 = arith.index_cast %get3A_188 : i32 to index
        %get3A_191 = arith.index_cast %mul3A_49 : i32 to index
        %get3A_192 = tpu.vector_load %arg5[%get3A_189, %get3A_190, %get3A_191] {strides = array<i32>} : memref<32x2x1024xf32, #tpu.memory_space<vmem>>, vector<16xf32>,
        %get3A_193 = arith.constant 24 : i32
        %get3A_194 = arith.constant 0 : i32
        %get3A_195 = arith.index_cast %get3A_193 : i32 to index
        %get3A_196 = arith.index_cast %get3A_194 : i32 to index
        %get3A_197 = arith.index_cast %mul3A_49 : i32 to index
        %get3A_198 = tpu.vector_load %arg5[%get3A_195, %get3A_196, %get3A_197] {strides = array<i32>} : memref<32x2x1024xf32, #tpu.memory_space<vmem>>, vector<16xf32>,
        %get3A_199 = arith.constant 25 : i32
        %get3A_200 = arith.constant 0 : i32
        %get3A_201 = arith.index_cast %get3A_199 : i32 to index
        %get3A_202 = arith.index_cast %get3A_200 : i32 to index
        %get3A_203 = arith.index_cast %mul3A_49 : i32 to index
        %get3A_204 = tpu.vector_load %arg5[%get3A_201, %get3A_202, %get3A_203] {strides = array<i32>} : memref<32x2x1024xf32, #tpu.memory_space<vmem>>, vector<16xf32>,
        %get3A_205 = arith.constant 26 : i32
        %get3A_206 = arith.constant 0 : i32
        %get3A_207 = arith.index_cast %get3A_205 : i32 to index
        %get3A_208 = arith.index_cast %get3A_206 : i32 to index
        %get3A_209 = arith.index_cast %mul3A_49 : i32 to index
        %get3A_210 = tpu.vector_load %arg5[%get3A_207, %get3A_208, %get3A_209] {strides = array<i32>} : memref<32x2x1024xf32, #tpu.memory_space<vmem>>, vector<16xf32>,
        %get3A_211 = arith.constant 27 : i32
        %get3A_212 = arith.constant 0 : i32
        %get3A_213 = arith.index_cast %get3A_211 : i32 to index
        %get3A_214 = arith.index_cast %get3A_212 : i32 to index
        %get3A_215 = arith.index_cast %mul3A_49 : i32 to index
        %get3A_216 = tpu.vector_load %arg5[%get3A_213, %get3A_214, %get3A_215] {strides = array<i32>} : memref<32x2x1024xf32, #tpu.memory_space<vmem>>, vector<16xf32>,
        %get3A_217 = arith.constant 28 : i32
        %get3A_218 = arith.constant 0 : i32
        %get3A_219 = arith.index_cast %get3A_217 : i32 to index
        %get3A_220 = arith.index_cast %get3A_218 : i32 to index
        %get3A_221 = arith.index_cast %mul3A_49 : i32 to index
        %get3A_222 = tpu.vector_load %arg5[%get3A_219, %get3A_220, %get3A_221] {strides = array<i32>} : memref<32x2x1024xf32, #tpu.memory_space<vmem>>, vector<16xf32>,
        %get3A_223 = arith.constant 29 : i32
        %get3A_224 = arith.constant 0 : i32
        %get3A_225 = arith.index_cast %get3A_223 : i32 to index
        %get3A_226 = arith.index_cast %get3A_224 : i32 to index
        %get3A_227 = arith.index_cast %mul3A_49 : i32 to index
        %get3A_228 = tpu.vector_load %arg5[%get3A_225, %get3A_226, %get3A_227] {strides = array<i32>} : memref<32x2x1024xf32, #tpu.memory_space<vmem>>, vector<16xf32>,
        %get3A_229 = arith.constant 30 : i32
        %get3A_230 = arith.constant 0 : i32
        %get3A_231 = arith.index_cast %get3A_229 : i32 to index
        %get3A_232 = arith.index_cast %get3A_230 : i32 to index
        %get3A_233 = arith.index_cast %mul3A_49 : i32 to index
        %get3A_234 = tpu.vector_load %arg5[%get3A_231, %get3A_232, %get3A_233] {strides = array<i32>} : memref<32x2x1024xf32, #tpu.memory_space<vmem>>, vector<16xf32>,
        %get3A_235 = arith.constant 31 : i32
        %get3A_236 = arith.constant 0 : i32
        %get3A_237 = arith.index_cast %get3A_235 : i32 to index
        %get3A_238 = arith.index_cast %get3A_236 : i32 to index
        %get3A_239 = arith.index_cast %mul3A_49 : i32 to index
        %get3A_240 = tpu.vector_load %arg5[%get3A_237, %get3A_238, %get3A_239] {strides = array<i32>} : memref<32x2x1024xf32, #tpu.memory_space<vmem>>, vector<16xf32>,
        %get3A_241 = arith.constant 0 : i32
        %get3A_242 = arith.constant 0 : i32
        %get3A_243 = arith.index_cast %get3A_241 : i32 to index
        %get3A_244 = arith.index_cast %get3A_242 : i32 to index
        %get3A_245 = arith.index_cast %mul3A_49 : i32 to index
        %get3A_246 = tpu.vector_load %arg6[%get3A_243, %get3A_244, %get3A_245] {strides = array<i32>} : memref<16x2x1024xf32, #tpu.memory_space<vmem>>, vector<16xf32>,
        %get3A_247 = arith.constant 1 : i32
        %get3A_248 = arith.constant 0 : i32
        %get3A_249 = arith.index_cast %get3A_247 : i32 to index
        %get3A_250 = arith.index_cast %get3A_248 : i32 to index
        %get3A_251 = arith.index_cast %mul3A_49 : i32 to index
        %get3A_252 = tpu.vector_load %arg6[%get3A_249, %get3A_250, %get3A_251] {strides = array<i32>} : memref<16x2x1024xf32, #tpu.memory_space<vmem>>, vector<16xf32>,
        %get3A_253 = arith.constant 2 : i32
        %get3A_254 = arith.constant 0 : i32
        %get3A_255 = arith.index_cast %get3A_253 : i32 to index
        %get3A_256 = arith.index_cast %get3A_254 : i32 to index
        %get3A_257 = arith.index_cast %mul3A_49 : i32 to index
        %get3A_258 = tpu.vector_load %arg6[%get3A_255, %get3A_256, %get3A_257] {strides = array<i32>} : memref<16x2x1024xf32, #tpu.memory_space<vmem>>, vector<16xf32>,
        %get3A_259 = arith.constant 3 : i32
        %get3A_260 = arith.constant 0 : i32
        %get3A_261 = arith.index_cast %get3A_259 : i32 to index
        %get3A_262 = arith.index_cast %get3A_260 : i32 to index
        %get3A_263 = arith.index_cast %mul3A_49 : i32 to index
        %get3A_264 = tpu.vector_load %arg6[%get3A_261, %get3A_262, %get3A_263] {strides = array<i32>} : memref<16x2x1024xf32, #tpu.memory_space<vmem>>, vector<16xf32>,
        %get3A_265 = arith.constant 4 : i32
        %get3A_266 = arith.constant 0 : i32
        %get3A_267 = arith.index_cast %get3A_265 : i32 to index
        %get3A_268 = arith.index_cast %get3A_266 : i32 to index
        %get3A_269 = arith.index_cast %mul3A_49 : i32 to index
        %get3A_270 = tpu.vector_load %arg6[%get3A_267, %get3A_268, %get3A_269] {strides = array<i32>} : memref<16x2x1024xf32, #tpu.memory_space<vmem>>, vector<16xf32>,
        %get3A_271 = arith.constant 5 : i32
        %get3A_272 = arith.constant 0 : i32
        %get3A_273 = arith.index_cast %get3A_271 : i32 to index
        %get3A_274 = arith.index_cast %get3A_272 : i32 to index
        %get3A_275 = arith.index_cast %mul3A_49 : i32 to index
        %get3A_276 = tpu.vector_load %arg6[%get3A_273, %get3A_274, %get3A_275] {strides = array<i32>} : memref<16x2x1024xf32, #tpu.memory_space<vmem>>, vector<16xf32>,
        %get3A_277 = arith.constant 6 : i32
        %get3A_278 = arith.constant 0 : i32
        %get3A_279 = arith.index_cast %get3A_277 : i32 to index
        %get3A_280 = arith.index_cast %get3A_278 : i32 to index
        %get3A_281 = arith.index_cast %mul3A_49 : i32 to index
        %get3A_282 = tpu.vector_load %arg6[%get3A_279, %get3A_280, %get3A_281] {strides = array<i32>} : memref<16x2x1024xf32, #tpu.memory_space<vmem>>, vector<16xf32>,
        %get3A_283 = arith.constant 7 : i32
        %get3A_284 = arith.constant 0 : i32
        %get3A_285 = arith.index_cast %get3A_283 : i32 to index
        %get3A_286 = arith.index_cast %get3A_284 : i32 to index
        %get3A_287 = arith.index_cast %mul3A_49 : i32 to index
        %get3A_288 = tpu.vector_load %arg6[%get3A_285, %get3A_286, %get3A_287] {strides = array<i32>} : memref<16x2x1024xf32, #tpu.memory_space<vmem>>, vector<16xf32>,
        %get3A_289 = arith.constant 8 : i32
        %get3A_290 = arith.constant 0 : i32
        %get3A_291 = arith.index_cast %get3A_289 : i32 to index
        %get3A_292 = arith.index_cast %get3A_290 : i32 to index
        %get3A_293 = arith.index_cast %mul3A_49 : i32 to index
        %get3A_294 = tpu.vector_load %arg6[%get3A_291, %get3A_292, %get3A_293] {strides = array<i32>} : memref<16x2x1024xf32, #tpu.memory_space<vmem>>, vector<16xf32>,
        %get3A_295 = arith.constant 9 : i32
        %get3A_296 = arith.constant 0 : i32
        %get3A_297 = arith.index_cast %get3A_295 : i32 to index
        %get3A_298 = arith.index_cast %get3A_296 : i32 to index
        %get3A_299 = arith.index_cast %mul3A_49 : i32 to index
        %get3A_300 = tpu.vector_load %arg6[%get3A_297, %get3A_298, %get3A_299] {strides = array<i32>} : memref<16x2x1024xf32, #tpu.memory_space<vmem>>, vector<16xf32>,
        %get3A_301 = arith.constant 10 : i32
        %get3A_302 = arith.constant 0 : i32
        %get3A_303 = arith.index_cast %get3A_301 : i32 to index
        %get3A_304 = arith.index_cast %get3A_302 : i32 to index
        %get3A_305 = arith.index_cast %mul3A_49 : i32 to index
        %get3A_306 = tpu.vector_load %arg6[%get3A_303, %get3A_304, %get3A_305] {strides = array<i32>} : memref<16x2x1024xf32, #tpu.memory_space<vmem>>, vector<16xf32>,
        %get3A_307 = arith.constant 11 : i32
        %get3A_308 = arith.constant 0 : i32
        %get3A_309 = arith.index_cast %get3A_307 : i32 to index
        %get3A_310 = arith.index_cast %get3A_308 : i32 to index
        %get3A_311 = arith.index_cast %mul3A_49 : i32 to index
        %get3A_312 = tpu.vector_load %arg6[%get3A_309, %get3A_310, %get3A_311] {strides = array<i32>} : memref<16x2x1024xf32, #tpu.memory_space<vmem>>, vector<16xf32>,
        %get3A_313 = arith.constant 12 : i32
        %get3A_314 = arith.constant 0 : i32
        %get3A_315 = arith.index_cast %get3A_313 : i32 to index
        %get3A_316 = arith.index_cast %get3A_314 : i32 to index
        %get3A_317 = arith.index_cast %mul3A_49 : i32 to index
        %get3A_318 = tpu.vector_load %arg6[%get3A_315, %get3A_316, %get3A_317] {strides = array<i32>} : memref<16x2x1024xf32, #tpu.memory_space<vmem>>, vector<16xf32>,
        %get3A_319 = arith.constant 13 : i32
        %get3A_320 = arith.constant 0 : i32
        %get3A_321 = arith.index_cast %get3A_319 : i32 to index
        %get3A_322 = arith.index_cast %get3A_320 : i32 to index
        %get3A_323 = arith.index_cast %mul3A_49 : i32 to index
        %get3A_324 = tpu.vector_load %arg6[%get3A_321, %get3A_322, %get3A_323] {strides = array<i32>} : memref<16x2x1024xf32, #tpu.memory_space<vmem>>, vector<16xf32>,
        %get3A_325 = arith.constant 14 : i32
        %get3A_326 = arith.constant 0 : i32
        %get3A_327 = arith.index_cast %get3A_325 : i32 to index
        %get3A_328 = arith.index_cast %get3A_326 : i32 to index
        %get3A_329 = arith.index_cast %mul3A_49 : i32 to index
        %get3A_330 = tpu.vector_load %arg6[%get3A_327, %get3A_328, %get3A_329] {strides = array<i32>} : memref<16x2x1024xf32, #tpu.memory_space<vmem>>, vector<16xf32>,
        %get3A_331 = arith.constant 15 : i32
        %get3A_332 = arith.constant 0 : i32
        %get3A_333 = arith.index_cast %get3A_331 : i32 to index
        %get3A_334 = arith.index_cast %get3A_332 : i32 to index
        %get3A_335 = arith.index_cast %mul3A_49 : i32 to index
        %get3A_336 = tpu.vector_load %arg6[%get3A_333, %get3A_334, %get3A_335] {strides = array<i32>} : memref<16x2x1024xf32, #tpu.memory_space<vmem>>, vector<16xf32>,
        %add3A_337 = arith.addf %get3A_54, %get3A_60 : vector<16xf32>
        %add3A_338 = arith.addf %get3A_66, %get3A_72 : vector<16xf32>
        %add3A_339 = arith.addf %get3A_78, %get3A_84 : vector<16xf32>
        %add3A_340 = arith.addf %get3A_90, %get3A_96 : vector<16xf32>
        %add3A_341 = arith.addf %get3A_102, %get3A_108 : vector<16xf32>
        %add3A_342 = arith.addf %get3A_114, %get3A_120 : vector<16xf32>
        %add3A_343 = arith.addf %get3A_126, %get3A_132 : vector<16xf32>
        %add3A_344 = arith.addf %get3A_138, %get3A_144 : vector<16xf32>
        %add3A_345 = arith.addf %get3A_150, %get3A_156 : vector<16xf32>
        %add3A_346 = arith.addf %get3A_162, %get3A_168 : vector<16xf32>
        %add3A_347 = arith.addf %get3A_174, %get3A_180 : vector<16xf32>
        %add3A_348 = arith.addf %get3A_186, %get3A_192 : vector<16xf32>
        %add3A_349 = arith.addf %get3A_198, %get3A_204 : vector<16xf32>
        %add3A_350 = arith.addf %get3A_210, %get3A_216 : vector<16xf32>
        %add3A_351 = arith.addf %get3A_222, %get3A_228 : vector<16xf32>
        %add3A_352 = arith.addf %get3A_234, %get3A_240 : vector<16xf32>
        %add3A_353 = arith.addf %get3A_246, %get3A_252 : vector<16xf32>
        %add3A_354 = arith.addf %get3A_258, %get3A_264 : vector<16xf32>
        %add3A_355 = arith.addf %get3A_270, %get3A_276 : vector<16xf32>
        %add3A_356 = arith.addf %get3A_282, %get3A_288 : vector<16xf32>
        %add3A_357 = arith.addf %get3A_294, %get3A_300 : vector<16xf32>
        %add3A_358 = arith.addf %get3A_306, %get3A_312 : vector<16xf32>
        %add3A_359 = arith.addf %get3A_318, %get3A_324 : vector<16xf32>
        %add3A_360 = arith.addf %get3A_330, %get3A_336 : vector<16xf32>
        %add3A_361 = arith.addf %add3A_337, %add3A_338 : vector<16xf32>
        %add3A_362 = arith.addf %add3A_339, %add3A_340 : vector<16xf32>
        %add3A_363 = arith.addf %add3A_341, %add3A_342 : vector<16xf32>
        %add3A_364 = arith.addf %add3A_343, %add3A_344 : vector<16xf32>
        %add3A_365 = arith.addf %add3A_345, %add3A_346 : vector<16xf32>
        %add3A_366 = arith.addf %add3A_347, %add3A_348 : vector<16xf32>
        %add3A_367 = arith.addf %add3A_349, %add3A_350 : vector<16xf32>
        %add3A_368 = arith.addf %add3A_351, %add3A_352 : vector<16xf32>
        %add3A_369 = arith.addf %add3A_353, %add3A_354 : vector<16xf32>
        %add3A_370 = arith.addf %add3A_355, %add3A_356 : vector<16xf32>
        %add3A_371 = arith.addf %add3A_357, %add3A_358 : vector<16xf32>
        %add3A_372 = arith.addf %add3A_359, %add3A_360 : vector<16xf32>
        %add3A_373 = arith.addf %add3A_361, %add3A_362 : vector<16xf32>
        %add3A_374 = arith.addf %add3A_363, %add3A_364 : vector<16xf32>
        %add3A_375 = arith.addf %add3A_365, %add3A_366 : vector<16xf32>
        %add3A_376 = arith.addf %add3A_367, %add3A_368 : vector<16xf32>
        %add3A_377 = arith.addf %add3A_369, %add3A_370 : vector<16xf32>
        %add3A_378 = arith.addf %add3A_371, %add3A_372 : vector<16xf32>
        %add3A_379 = arith.addf %add3A_373, %add3A_374 : vector<16xf32>
        %add3A_380 = arith.addf %add3A_375, %add3A_376 : vector<16xf32>
        %add3A_381 = arith.addf %add3A_377, %add3A_378 : vector<16xf32>
        %add3A_382 = arith.addf %add3A_379, %add3A_380 : vector<16xf32>
        %add3A_383 = arith.addf %add3A_382, %add3A_381 : vector<16xf32>
        %swap3A_384 = arith.constant 0 : i32
        %swap3A_385 = arith.index_cast %swap3A_384 : i32 to index
        %swap3A_386 = arith.index_cast %mul3A_49 : i32 to index
        %swap3A_387 = tpu.vector_load %arg7[%swap3A_385, %swap3A_386] {strides = array<i32>} : memref<2x1024xf32, #tpu.memory_space<vmem>>, vector<16xf32>,
        tpu.vector_store %arg7[%swap3A_385, %swap3A_386], %add3A_383 {strides = array<i32>} : memref<2x1024xf32, #tpu.memory_space<vmem>>, vector<16xf32>,
        %get3A_388 = arith.constant 0 : i32
        %get3A_389 = arith.constant 1 : i32
        %get3A_390 = arith.index_cast %get3A_388 : i32 to index
        %get3A_391 = arith.index_cast %get3A_389 : i32 to index
        %get3A_392 = arith.index_cast %mul3A_49 : i32 to index
        %get3A_393 = tpu.vector_load %arg5[%get3A_390, %get3A_391, %get3A_392] {strides = array<i32>} : memref<32x2x1024xf32, #tpu.memory_space<vmem>>, vector<16xf32>,
        %get3A_394 = arith.constant 1 : i32
        %get3A_395 = arith.constant 1 : i32
        %get3A_396 = arith.index_cast %get3A_394 : i32 to index
        %get3A_397 = arith.index_cast %get3A_395 : i32 to index
        %get3A_398 = arith.index_cast %mul3A_49 : i32 to index
        %get3A_399 = tpu.vector_load %arg5[%get3A_396, %get3A_397, %get3A_398] {strides = array<i32>} : memref<32x2x1024xf32, #tpu.memory_space<vmem>>, vector<16xf32>,
        %get3A_400 = arith.constant 2 : i32
        %get3A_401 = arith.constant 1 : i32
        %get3A_402 = arith.index_cast %get3A_400 : i32 to index
        %get3A_403 = arith.index_cast %get3A_401 : i32 to index
        %get3A_404 = arith.index_cast %mul3A_49 : i32 to index
        %get3A_405 = tpu.vector_load %arg5[%get3A_402, %get3A_403, %get3A_404] {strides = array<i32>} : memref<32x2x1024xf32, #tpu.memory_space<vmem>>, vector<16xf32>,
        %get3A_406 = arith.constant 3 : i32
        %get3A_407 = arith.constant 1 : i32
        %get3A_408 = arith.index_cast %get3A_406 : i32 to index
        %get3A_409 = arith.index_cast %get3A_407 : i32 to index
        %get3A_410 = arith.index_cast %mul3A_49 : i32 to index
        %get3A_411 = tpu.vector_load %arg5[%get3A_408, %get3A_409, %get3A_410] {strides = array<i32>} : memref<32x2x1024xf32, #tpu.memory_space<vmem>>, vector<16xf32>,
        %get3A_412 = arith.constant 4 : i32
        %get3A_413 = arith.constant 1 : i32
        %get3A_414 = arith.index_cast %get3A_412 : i32 to index
        %get3A_415 = arith.index_cast %get3A_413 : i32 to index
        %get3A_416 = arith.index_cast %mul3A_49 : i32 to index
        %get3A_417 = tpu.vector_load %arg5[%get3A_414, %get3A_415, %get3A_416] {strides = array<i32>} : memref<32x2x1024xf32, #tpu.memory_space<vmem>>, vector<16xf32>,
        %get3A_418 = arith.constant 5 : i32
        %get3A_419 = arith.constant 1 : i32
        %get3A_420 = arith.index_cast %get3A_418 : i32 to index
        %get3A_421 = arith.index_cast %get3A_419 : i32 to index
        %get3A_422 = arith.index_cast %mul3A_49 : i32 to index
        %get3A_423 = tpu.vector_load %arg5[%get3A_420, %get3A_421, %get3A_422] {strides = array<i32>} : memref<32x2x1024xf32, #tpu.memory_space<vmem>>, vector<16xf32>,
        %get3A_424 = arith.constant 6 : i32
        %get3A_425 = arith.constant 1 : i32
        %get3A_426 = arith.index_cast %get3A_424 : i32 to index
        %get3A_427 = arith.index_cast %get3A_425 : i32 to index
        %get3A_428 = arith.index_cast %mul3A_49 : i32 to index
        %get3A_429 = tpu.vector_load %arg5[%get3A_426, %get3A_427, %get3A_428] {strides = array<i32>} : memref<32x2x1024xf32, #tpu.memory_space<vmem>>, vector<16xf32>,
        %get3A_430 = arith.constant 7 : i32
        %get3A_431 = arith.constant 1 : i32
        %get3A_432 = arith.index_cast %get3A_430 : i32 to index
        %get3A_433 = arith.index_cast %get3A_431 : i32 to index
        %get3A_434 = arith.index_cast %mul3A_49 : i32 to index
        %get3A_435 = tpu.vector_load %arg5[%get3A_432, %get3A_433, %get3A_434] {strides = array<i32>} : memref<32x2x1024xf32, #tpu.memory_space<vmem>>, vector<16xf32>,
        %get3A_436 = arith.constant 8 : i32
        %get3A_437 = arith.constant 1 : i32
        %get3A_438 = arith.index_cast %get3A_436 : i32 to index
        %get3A_439 = arith.index_cast %get3A_437 : i32 to index
        %get3A_440 = arith.index_cast %mul3A_49 : i32 to index
        %get3A_441 = tpu.vector_load %arg5[%get3A_438, %get3A_439, %get3A_440] {strides = array<i32>} : memref<32x2x1024xf32, #tpu.memory_space<vmem>>, vector<16xf32>,
        %get3A_442 = arith.constant 9 : i32
        %get3A_443 = arith.constant 1 : i32
        %get3A_444 = arith.index_cast %get3A_442 : i32 to index
        %get3A_445 = arith.index_cast %get3A_443 : i32 to index
        %get3A_446 = arith.index_cast %mul3A_49 : i32 to index
        %get3A_447 = tpu.vector_load %arg5[%get3A_444, %get3A_445, %get3A_446] {strides = array<i32>} : memref<32x2x1024xf32, #tpu.memory_space<vmem>>, vector<16xf32>,
        %get3A_448 = arith.constant 10 : i32
        %get3A_449 = arith.constant 1 : i32
        %get3A_450 = arith.index_cast %get3A_448 : i32 to index
        %get3A_451 = arith.index_cast %get3A_449 : i32 to index
        %get3A_452 = arith.index_cast %mul3A_49 : i32 to index
        %get3A_453 = tpu.vector_load %arg5[%get3A_450, %get3A_451, %get3A_452] {strides = array<i32>} : memref<32x2x1024xf32, #tpu.memory_space<vmem>>, vector<16xf32>,
        %get3A_454 = arith.constant 11 : i32
        %get3A_455 = arith.constant 1 : i32
        %get3A_456 = arith.index_cast %get3A_454 : i32 to index
        %get3A_457 = arith.index_cast %get3A_455 : i32 to index
        %get3A_458 = arith.index_cast %mul3A_49 : i32 to index
        %get3A_459 = tpu.vector_load %arg5[%get3A_456, %get3A_457, %get3A_458] {strides = array<i32>} : memref<32x2x1024xf32, #tpu.memory_space<vmem>>, vector<16xf32>,
        %get3A_460 = arith.constant 12 : i32
        %get3A_461 = arith.constant 1 : i32
        %get3A_462 = arith.index_cast %get3A_460 : i32 to index
        %get3A_463 = arith.index_cast %get3A_461 : i32 to index
        %get3A_464 = arith.index_cast %mul3A_49 : i32 to index
        %get3A_465 = tpu.vector_load %arg5[%get3A_462, %get3A_463, %get3A_464] {strides = array<i32>} : memref<32x2x1024xf32, #tpu.memory_space<vmem>>, vector<16xf32>,
        %get3A_466 = arith.constant 13 : i32
        %get3A_467 = arith.constant 1 : i32
        %get3A_468 = arith.index_cast %get3A_466 : i32 to index
        %get3A_469 = arith.index_cast %get3A_467 : i32 to index
        %get3A_470 = arith.index_cast %mul3A_49 : i32 to index
        %get3A_471 = tpu.vector_load %arg5[%get3A_468, %get3A_469, %get3A_470] {strides = array<i32>} : memref<32x2x1024xf32, #tpu.memory_space<vmem>>, vector<16xf32>,
        %get3A_472 = arith.constant 14 : i32
        %get3A_473 = arith.constant 1 : i32
        %get3A_474 = arith.index_cast %get3A_472 : i32 to index
        %get3A_475 = arith.index_cast %get3A_473 : i32 to index
        %get3A_476 = arith.index_cast %mul3A_49 : i32 to index
        %get3A_477 = tpu.vector_load %arg5[%get3A_474, %get3A_475, %get3A_476] {strides = array<i32>} : memref<32x2x1024xf32, #tpu.memory_space<vmem>>, vector<16xf32>,
        %get3A_478 = arith.constant 15 : i32
        %get3A_479 = arith.constant 1 : i32
        %get3A_480 = arith.index_cast %get3A_478 : i32 to index
        %get3A_481 = arith.index_cast %get3A_479 : i32 to index
        %get3A_482 = arith.index_cast %mul3A_49 : i32 to index
        %get3A_483 = tpu.vector_load %arg5[%get3A_480, %get3A_481, %get3A_482] {strides = array<i32>} : memref<32x2x1024xf32, #tpu.memory_space<vmem>>, vector<16xf32>,
        %get3A_484 = arith.constant 16 : i32
        %get3A_485 = arith.constant 1 : i32
        %get3A_486 = arith.index_cast %get3A_484 : i32 to index
        %get3A_487 = arith.index_cast %get3A_485 : i32 to index
        %get3A_488 = arith.index_cast %mul3A_49 : i32 to index
        %get3A_489 = tpu.vector_load %arg5[%get3A_486, %get3A_487, %get3A_488] {strides = array<i32>} : memref<32x2x1024xf32, #tpu.memory_space<vmem>>, vector<16xf32>,
        %get3A_490 = arith.constant 17 : i32
        %get3A_491 = arith.constant 1 : i32
        %get3A_492 = arith.index_cast %get3A_490 : i32 to index
        %get3A_493 = arith.index_cast %get3A_491 : i32 to index
        %get3A_494 = arith.index_cast %mul3A_49 : i32 to index
        %get3A_495 = tpu.vector_load %arg5[%get3A_492, %get3A_493, %get3A_494] {strides = array<i32>} : memref<32x2x1024xf32, #tpu.memory_space<vmem>>, vector<16xf32>,
        %get3A_496 = arith.constant 18 : i32
        %get3A_497 = arith.constant 1 : i32
        %get3A_498 = arith.index_cast %get3A_496 : i32 to index
        %get3A_499 = arith.index_cast %get3A_497 : i32 to index
        %get3A_500 = arith.index_cast %mul3A_49 : i32 to index
        %get3A_501 = tpu.vector_load %arg5[%get3A_498, %get3A_499, %get3A_500] {strides = array<i32>} : memref<32x2x1024xf32, #tpu.memory_space<vmem>>, vector<16xf32>,
        %get3A_502 = arith.constant 19 : i32
        %get3A_503 = arith.constant 1 : i32
        %get3A_504 = arith.index_cast %get3A_502 : i32 to index
        %get3A_505 = arith.index_cast %get3A_503 : i32 to index
        %get3A_506 = arith.index_cast %mul3A_49 : i32 to index
        %get3A_507 = tpu.vector_load %arg5[%get3A_504, %get3A_505, %get3A_506] {strides = array<i32>} : memref<32x2x1024xf32, #tpu.memory_space<vmem>>, vector<16xf32>,
        %get3A_508 = arith.constant 20 : i32
        %get3A_509 = arith.constant 1 : i32
        %get3A_510 = arith.index_cast %get3A_508 : i32 to index
        %get3A_511 = arith.index_cast %get3A_509 : i32 to index
        %get3A_512 = arith.index_cast %mul3A_49 : i32 to index
        %get3A_513 = tpu.vector_load %arg5[%get3A_510, %get3A_511, %get3A_512] {strides = array<i32>} : memref<32x2x1024xf32, #tpu.memory_space<vmem>>, vector<16xf32>,
        %get3A_514 = arith.constant 21 : i32
        %get3A_515 = arith.constant 1 : i32
        %get3A_516 = arith.index_cast %get3A_514 : i32 to index
        %get3A_517 = arith.index_cast %get3A_515 : i32 to index
        %get3A_518 = arith.index_cast %mul3A_49 : i32 to index
        %get3A_519 = tpu.vector_load %arg5[%get3A_516, %get3A_517, %get3A_518] {strides = array<i32>} : memref<32x2x1024xf32, #tpu.memory_space<vmem>>, vector<16xf32>,
        %get3A_520 = arith.constant 22 : i32
        %get3A_521 = arith.constant 1 : i32
        %get3A_522 = arith.index_cast %get3A_520 : i32 to index
        %get3A_523 = arith.index_cast %get3A_521 : i32 to index
        %get3A_524 = arith.index_cast %mul3A_49 : i32 to index
        %get3A_525 = tpu.vector_load %arg5[%get3A_522, %get3A_523, %get3A_524] {strides = array<i32>} : memref<32x2x1024xf32, #tpu.memory_space<vmem>>, vector<16xf32>,
        %get3A_526 = arith.constant 23 : i32
        %get3A_527 = arith.constant 1 : i32
        %get3A_528 = arith.index_cast %get3A_526 : i32 to index
        %get3A_529 = arith.index_cast %get3A_527 : i32 to index
        %get3A_530 = arith.index_cast %mul3A_49 : i32 to index
        %get3A_531 = tpu.vector_load %arg5[%get3A_528, %get3A_529, %get3A_530] {strides = array<i32>} : memref<32x2x1024xf32, #tpu.memory_space<vmem>>, vector<16xf32>,
        %get3A_532 = arith.constant 24 : i32
        %get3A_533 = arith.constant 1 : i32
        %get3A_534 = arith.index_cast %get3A_532 : i32 to index
        %get3A_535 = arith.index_cast %get3A_533 : i32 to index
        %get3A_536 = arith.index_cast %mul3A_49 : i32 to index
        %get3A_537 = tpu.vector_load %arg5[%get3A_534, %get3A_535, %get3A_536] {strides = array<i32>} : memref<32x2x1024xf32, #tpu.memory_space<vmem>>, vector<16xf32>,
        %get3A_538 = arith.constant 25 : i32
        %get3A_539 = arith.constant 1 : i32
        %get3A_540 = arith.index_cast %get3A_538 : i32 to index
        %get3A_541 = arith.index_cast %get3A_539 : i32 to index
        %get3A_542 = arith.index_cast %mul3A_49 : i32 to index
        %get3A_543 = tpu.vector_load %arg5[%get3A_540, %get3A_541, %get3A_542] {strides = array<i32>} : memref<32x2x1024xf32, #tpu.memory_space<vmem>>, vector<16xf32>,
        %get3A_544 = arith.constant 26 : i32
        %get3A_545 = arith.constant 1 : i32
        %get3A_546 = arith.index_cast %get3A_544 : i32 to index
        %get3A_547 = arith.index_cast %get3A_545 : i32 to index
        %get3A_548 = arith.index_cast %mul3A_49 : i32 to index
        %get3A_549 = tpu.vector_load %arg5[%get3A_546, %get3A_547, %get3A_548] {strides = array<i32>} : memref<32x2x1024xf32, #tpu.memory_space<vmem>>, vector<16xf32>,
        %get3A_550 = arith.constant 27 : i32
        %get3A_551 = arith.constant 1 : i32
        %get3A_552 = arith.index_cast %get3A_550 : i32 to index
        %get3A_553 = arith.index_cast %get3A_551 : i32 to index
        %get3A_554 = arith.index_cast %mul3A_49 : i32 to index
        %get3A_555 = tpu.vector_load %arg5[%get3A_552, %get3A_553, %get3A_554] {strides = array<i32>} : memref<32x2x1024xf32, #tpu.memory_space<vmem>>, vector<16xf32>,
        %get3A_556 = arith.constant 28 : i32
        %get3A_557 = arith.constant 1 : i32
        %get3A_558 = arith.index_cast %get3A_556 : i32 to index
        %get3A_559 = arith.index_cast %get3A_557 : i32 to index
        %get3A_560 = arith.index_cast %mul3A_49 : i32 to index
        %get3A_561 = tpu.vector_load %arg5[%get3A_558, %get3A_559, %get3A_560] {strides = array<i32>} : memref<32x2x1024xf32, #tpu.memory_space<vmem>>, vector<16xf32>,
        %get3A_562 = arith.constant 29 : i32
        %get3A_563 = arith.constant 1 : i32
        %get3A_564 = arith.index_cast %get3A_562 : i32 to index
        %get3A_565 = arith.index_cast %get3A_563 : i32 to index
        %get3A_566 = arith.index_cast %mul3A_49 : i32 to index
        %get3A_567 = tpu.vector_load %arg5[%get3A_564, %get3A_565, %get3A_566] {strides = array<i32>} : memref<32x2x1024xf32, #tpu.memory_space<vmem>>, vector<16xf32>,
        %get3A_568 = arith.constant 30 : i32
        %get3A_569 = arith.constant 1 : i32
        %get3A_570 = arith.index_cast %get3A_568 : i32 to index
        %get3A_571 = arith.index_cast %get3A_569 : i32 to index
        %get3A_572 = arith.index_cast %mul3A_49 : i32 to index
        %get3A_573 = tpu.vector_load %arg5[%get3A_570, %get3A_571, %get3A_572] {strides = array<i32>} : memref<32x2x1024xf32, #tpu.memory_space<vmem>>, vector<16xf32>,
        %get3A_574 = arith.constant 31 : i32
        %get3A_575 = arith.constant 1 : i32
        %get3A_576 = arith.index_cast %get3A_574 : i32 to index
        %get3A_577 = arith.index_cast %get3A_575 : i32 to index
        %get3A_578 = arith.index_cast %mul3A_49 : i32 to index
        %get3A_579 = tpu.vector_load %arg5[%get3A_576, %get3A_577, %get3A_578] {strides = array<i32>} : memref<32x2x1024xf32, #tpu.memory_space<vmem>>, vector<16xf32>,
        %get3A_580 = arith.constant 0 : i32
        %get3A_581 = arith.constant 1 : i32
        %get3A_582 = arith.index_cast %get3A_580 : i32 to index
        %get3A_583 = arith.index_cast %get3A_581 : i32 to index
        %get3A_584 = arith.index_cast %mul3A_49 : i32 to index
        %get3A_585 = tpu.vector_load %arg6[%get3A_582, %get3A_583, %get3A_584] {strides = array<i32>} : memref<16x2x1024xf32, #tpu.memory_space<vmem>>, vector<16xf32>,
        %get3A_586 = arith.constant 1 : i32
        %get3A_587 = arith.constant 1 : i32
        %get3A_588 = arith.index_cast %get3A_586 : i32 to index
        %get3A_589 = arith.index_cast %get3A_587 : i32 to index
        %get3A_590 = arith.index_cast %mul3A_49 : i32 to index
        %get3A_591 = tpu.vector_load %arg6[%get3A_588, %get3A_589, %get3A_590] {strides = array<i32>} : memref<16x2x1024xf32, #tpu.memory_space<vmem>>, vector<16xf32>,
        %get3A_592 = arith.constant 2 : i32
        %get3A_593 = arith.constant 1 : i32
        %get3A_594 = arith.index_cast %get3A_592 : i32 to index
        %get3A_595 = arith.index_cast %get3A_593 : i32 to index
        %get3A_596 = arith.index_cast %mul3A_49 : i32 to index
        %get3A_597 = tpu.vector_load %arg6[%get3A_594, %get3A_595, %get3A_596] {strides = array<i32>} : memref<16x2x1024xf32, #tpu.memory_space<vmem>>, vector<16xf32>,
        %get3A_598 = arith.constant 3 : i32
        %get3A_599 = arith.constant 1 : i32
        %get3A_600 = arith.index_cast %get3A_598 : i32 to index
        %get3A_601 = arith.index_cast %get3A_599 : i32 to index
        %get3A_602 = arith.index_cast %mul3A_49 : i32 to index
        %get3A_603 = tpu.vector_load %arg6[%get3A_600, %get3A_601, %get3A_602] {strides = array<i32>} : memref<16x2x1024xf32, #tpu.memory_space<vmem>>, vector<16xf32>,
        %get3A_604 = arith.constant 4 : i32
        %get3A_605 = arith.constant 1 : i32
        %get3A_606 = arith.index_cast %get3A_604 : i32 to index
        %get3A_607 = arith.index_cast %get3A_605 : i32 to index
        %get3A_608 = arith.index_cast %mul3A_49 : i32 to index
        %get3A_609 = tpu.vector_load %arg6[%get3A_606, %get3A_607, %get3A_608] {strides = array<i32>} : memref<16x2x1024xf32, #tpu.memory_space<vmem>>, vector<16xf32>,
        %get3A_610 = arith.constant 5 : i32
        %get3A_611 = arith.constant 1 : i32
        %get3A_612 = arith.index_cast %get3A_610 : i32 to index
        %get3A_613 = arith.index_cast %get3A_611 : i32 to index
        %get3A_614 = arith.index_cast %mul3A_49 : i32 to index
        %get3A_615 = tpu.vector_load %arg6[%get3A_612, %get3A_613, %get3A_614] {strides = array<i32>} : memref<16x2x1024xf32, #tpu.memory_space<vmem>>, vector<16xf32>,
        %get3A_616 = arith.constant 6 : i32
        %get3A_617 = arith.constant 1 : i32
        %get3A_618 = arith.index_cast %get3A_616 : i32 to index
        %get3A_619 = arith.index_cast %get3A_617 : i32 to index
        %get3A_620 = arith.index_cast %mul3A_49 : i32 to index
        %get3A_621 = tpu.vector_load %arg6[%get3A_618, %get3A_619, %get3A_620] {strides = array<i32>} : memref<16x2x1024xf32, #tpu.memory_space<vmem>>, vector<16xf32>,
        %get3A_622 = arith.constant 7 : i32
        %get3A_623 = arith.constant 1 : i32
        %get3A_624 = arith.index_cast %get3A_622 : i32 to index
        %get3A_625 = arith.index_cast %get3A_623 : i32 to index
        %get3A_626 = arith.index_cast %mul3A_49 : i32 to index
        %get3A_627 = tpu.vector_load %arg6[%get3A_624, %get3A_625, %get3A_626] {strides = array<i32>} : memref<16x2x1024xf32, #tpu.memory_space<vmem>>, vector<16xf32>,
        %get3A_628 = arith.constant 8 : i32
        %get3A_629 = arith.constant 1 : i32
        %get3A_630 = arith.index_cast %get3A_628 : i32 to index
        %get3A_631 = arith.index_cast %get3A_629 : i32 to index
        %get3A_632 = arith.index_cast %mul3A_49 : i32 to index
        %get3A_633 = tpu.vector_load %arg6[%get3A_630, %get3A_631, %get3A_632] {strides = array<i32>} : memref<16x2x1024xf32, #tpu.memory_space<vmem>>, vector<16xf32>,
        %get3A_634 = arith.constant 9 : i32
        %get3A_635 = arith.constant 1 : i32
        %get3A_636 = arith.index_cast %get3A_634 : i32 to index
        %get3A_637 = arith.index_cast %get3A_635 : i32 to index
        %get3A_638 = arith.index_cast %mul3A_49 : i32 to index
        %get3A_639 = tpu.vector_load %arg6[%get3A_636, %get3A_637, %get3A_638] {strides = array<i32>} : memref<16x2x1024xf32, #tpu.memory_space<vmem>>, vector<16xf32>,
        %get3A_640 = arith.constant 10 : i32
        %get3A_641 = arith.constant 1 : i32
        %get3A_642 = arith.index_cast %get3A_640 : i32 to index
        %get3A_643 = arith.index_cast %get3A_641 : i32 to index
        %get3A_644 = arith.index_cast %mul3A_49 : i32 to index
        %get3A_645 = tpu.vector_load %arg6[%get3A_642, %get3A_643, %get3A_644] {strides = array<i32>} : memref<16x2x1024xf32, #tpu.memory_space<vmem>>, vector<16xf32>,
        %get3A_646 = arith.constant 11 : i32
        %get3A_647 = arith.constant 1 : i32
        %get3A_648 = arith.index_cast %get3A_646 : i32 to index
        %get3A_649 = arith.index_cast %get3A_647 : i32 to index
        %get3A_650 = arith.index_cast %mul3A_49 : i32 to index
        %get3A_651 = tpu.vector_load %arg6[%get3A_648, %get3A_649, %get3A_650] {strides = array<i32>} : memref<16x2x1024xf32, #tpu.memory_space<vmem>>, vector<16xf32>,
        %get3A_652 = arith.constant 12 : i32
        %get3A_653 = arith.constant 1 : i32
        %get3A_654 = arith.index_cast %get3A_652 : i32 to index
        %get3A_655 = arith.index_cast %get3A_653 : i32 to index
        %get3A_656 = arith.index_cast %mul3A_49 : i32 to index
        %get3A_657 = tpu.vector_load %arg6[%get3A_654, %get3A_655, %get3A_656] {strides = array<i32>} : memref<16x2x1024xf32, #tpu.memory_space<vmem>>, vector<16xf32>,
        %get3A_658 = arith.constant 13 : i32
        %get3A_659 = arith.constant 1 : i32
        %get3A_660 = arith.index_cast %get3A_658 : i32 to index
        %get3A_661 = arith.index_cast %get3A_659 : i32 to index
        %get3A_662 = arith.index_cast %mul3A_49 : i32 to index
        %get3A_663 = tpu.vector_load %arg6[%get3A_660, %get3A_661, %get3A_662] {strides = array<i32>} : memref<16x2x1024xf32, #tpu.memory_space<vmem>>, vector<16xf32>,
        %get3A_664 = arith.constant 14 : i32
        %get3A_665 = arith.constant 1 : i32
        %get3A_666 = arith.index_cast %get3A_664 : i32 to index
        %get3A_667 = arith.index_cast %get3A_665 : i32 to index
        %get3A_668 = arith.index_cast %mul3A_49 : i32 to index
        %get3A_669 = tpu.vector_load %arg6[%get3A_666, %get3A_667, %get3A_668] {strides = array<i32>} : memref<16x2x1024xf32, #tpu.memory_space<vmem>>, vector<16xf32>,
        %get3A_670 = arith.constant 15 : i32
        %get3A_671 = arith.constant 1 : i32
        %get3A_672 = arith.index_cast %get3A_670 : i32 to index
        %get3A_673 = arith.index_cast %get3A_671 : i32 to index
        %get3A_674 = arith.index_cast %mul3A_49 : i32 to index
        %get3A_675 = tpu.vector_load %arg6[%get3A_672, %get3A_673, %get3A_674] {strides = array<i32>} : memref<16x2x1024xf32, #tpu.memory_space<vmem>>, vector<16xf32>,
        %add3A_676 = arith.addf %get3A_393, %get3A_399 : vector<16xf32>
        %add3A_677 = arith.addf %get3A_405, %get3A_411 : vector<16xf32>
        %add3A_678 = arith.addf %get3A_417, %get3A_423 : vector<16xf32>
        %add3A_679 = arith.addf %get3A_429, %get3A_435 : vector<16xf32>
        %add3A_680 = arith.addf %get3A_441, %get3A_447 : vector<16xf32>
        %add3A_681 = arith.addf %get3A_453, %get3A_459 : vector<16xf32>
        %add3A_682 = arith.addf %get3A_465, %get3A_471 : vector<16xf32>
        %add3A_683 = arith.addf %get3A_477, %get3A_483 : vector<16xf32>
        %add3A_684 = arith.addf %get3A_489, %get3A_495 : vector<16xf32>
        %add3A_685 = arith.addf %get3A_501, %get3A_507 : vector<16xf32>
        %add3A_686 = arith.addf %get3A_513, %get3A_519 : vector<16xf32>
        %add3A_687 = arith.addf %get3A_525, %get3A_531 : vector<16xf32>
        %add3A_688 = arith.addf %get3A_537, %get3A_543 : vector<16xf32>
        %add3A_689 = arith.addf %get3A_549, %get3A_555 : vector<16xf32>
        %add3A_690 = arith.addf %get3A_561, %get3A_567 : vector<16xf32>
        %add3A_691 = arith.addf %get3A_573, %get3A_579 : vector<16xf32>
        %add3A_692 = arith.addf %get3A_585, %get3A_591 : vector<16xf32>
        %add3A_693 = arith.addf %get3A_597, %get3A_603 : vector<16xf32>
        %add3A_694 = arith.addf %get3A_609, %get3A_615 : vector<16xf32>
        %add3A_695 = arith.addf %get3A_621, %get3A_627 : vector<16xf32>
        %add3A_696 = arith.addf %get3A_633, %get3A_639 : vector<16xf32>
        %add3A_697 = arith.addf %get3A_645, %get3A_651 : vector<16xf32>
        %add3A_698 = arith.addf %get3A_657, %get3A_663 : vector<16xf32>
        %add3A_699 = arith.addf %get3A_669, %get3A_675 : vector<16xf32>
        %add3A_700 = arith.addf %add3A_676, %add3A_677 : vector<16xf32>
        %add3A_701 = arith.addf %add3A_678, %add3A_679 : vector<16xf32>
        %add3A_702 = arith.addf %add3A_680, %add3A_681 : vector<16xf32>
        %add3A_703 = arith.addf %add3A_682, %add3A_683 : vector<16xf32>
        %add3A_704 = arith.addf %add3A_684, %add3A_685 : vector<16xf32>
        %add3A_705 = arith.addf %add3A_686, %add3A_687 : vector<16xf32>
        %add3A_706 = arith.addf %add3A_688, %add3A_689 : vector<16xf32>
        %add3A_707 = arith.addf %add3A_690, %add3A_691 : vector<16xf32>
        %add3A_708 = arith.addf %add3A_692, %add3A_693 : vector<16xf32>
        %add3A_709 = arith.addf %add3A_694, %add3A_695 : vector<16xf32>
        %add3A_710 = arith.addf %add3A_696, %add3A_697 : vector<16xf32>
        %add3A_711 = arith.addf %add3A_698, %add3A_699 : vector<16xf32>
        %add3A_712 = arith.addf %add3A_700, %add3A_701 : vector<16xf32>
        %add3A_713 = arith.addf %add3A_702, %add3A_703 : vector<16xf32>
        %add3A_714 = arith.addf %add3A_704, %add3A_705 : vector<16xf32>
        %add3A_715 = arith.addf %add3A_706, %add3A_707 : vector<16xf32>
        %add3A_716 = arith.addf %add3A_708, %add3A_709 : vector<16xf32>
        %add3A_717 = arith.addf %add3A_710, %add3A_711 : vector<16xf32>
        %add3A_718 = arith.addf %add3A_712, %add3A_713 : vector<16xf32>
        %add3A_719 = arith.addf %add3A_714, %add3A_715 : vector<16xf32>
        %add3A_720 = arith.addf %add3A_716, %add3A_717 : vector<16xf32>
        %add3A_721 = arith.addf %add3A_718, %add3A_719 : vector<16xf32>
        %add3A_722 = arith.addf %add3A_721, %add3A_720 : vector<16xf32>
        %swap3A_723 = arith.constant 1 : i32
        %swap3A_724 = arith.index_cast %swap3A_723 : i32 to index
        %swap3A_725 = arith.index_cast %mul3A_49 : i32 to index
        %swap3A_726 = tpu.vector_load %arg7[%swap3A_724, %swap3A_725] {strides = array<i32>} : memref<2x1024xf32, #tpu.memory_space<vmem>>, vector<16xf32>,
        tpu.vector_store %arg7[%swap3A_724, %swap3A_725], %add3A_722 {strides = array<i32>} : memref<2x1024xf32, #tpu.memory_space<vmem>>, vector<16xf32>,
      }
      %scan3A_22 = arith.constant 64 : i32
      "tpu.region"() ({
        %run_scoped3A = tpu.sem_alloc : memref<!tpu.dma_semaphore, #tpu.memory_space<semaphore_mem>>
        %dma_start3A_47 = arith.constant 16 : i32
        %dma_start3A_48 = arith.constant 0 : i32
        %dma_start3A_49 = arith.constant 0 : i32
        %dma_start3A_50 = tpu.memref_slice %arg3[%dma_start3A_47, %dma_start3A_48, %dma_start3A_49] : memref<32x2x1024xf32, #tpu.memory_space<hbm>> -> memref<16x2x1024xf32, #tpu.memory_space<hbm>>
        %dma_start3A_51 = arith.constant 16 : i32
        %dma_start3A_52 = arith.constant 0 : i32
        %dma_start3A_53 = arith.constant 0 : i32
        %dma_start3A_54 = tpu.memref_slice %arg3[%dma_start3A_51, %dma_start3A_52, %dma_start3A_53] : memref<32x2x1024xf32, #tpu.memory_space<hbm>> -> memref<16x2x1024xf32, #tpu.memory_space<hbm>>
        tpu.enqueue_dma source(%dma_start3A_54 : memref<16x2x1024xf32, #tpu.memory_space<hbm>>) target(%arg6 : memref<16x2x1024xf32, #tpu.memory_space<vmem>>) target_semaphore(%run_scoped3A : memref<!tpu.dma_semaphore, #tpu.memory_space<semaphore_mem>>)
        %dma_wait3A_55 = arith.constant 16 : i32
        %dma_wait3A_56 = arith.constant 0 : i32
        %dma_wait3A_57 = arith.constant 0 : i32
        %dma_wait3A_58 = tpu.memref_slice %arg3[%dma_wait3A_55, %dma_wait3A_56, %dma_wait3A_57] : memref<32x2x1024xf32, #tpu.memory_space<hbm>> -> memref<16x2x1024xf32, #tpu.memory_space<hbm>>
        %dma_wait3A_59 = arith.constant 16 : i32
        %dma_wait3A_60 = arith.constant 0 : i32
        %dma_wait3A_61 = arith.constant 0 : i32
        %dma_wait3A_62 = tpu.memref_slice %arg3[%dma_wait3A_59, %dma_wait3A_60, %dma_wait3A_61] : memref<32x2x1024xf32, #tpu.memory_space<hbm>> -> memref<16x2x1024xf32, #tpu.memory_space<hbm>>
        tpu.wait_dma2 semaphore(%run_scoped3A : memref<!tpu.dma_semaphore, #tpu.memory_space<semaphore_mem>>) src(%dma_wait3A_62 : memref<16x2x1024xf32, #tpu.memory_space<hbm>>) dst(%arg6 : memref<16x2x1024xf32, #tpu.memory_space<vmem>>)
        tpu.yield
      }) : () -> ()
      %scan3A_23 = arith.constant 0 : i32
      %scan3A_24 = arith.constant 0 : i32
      %scan3A_25 = arith.constant 64 : i32
      %scan3A_26 = arith.addi %scan3A_24, %scan3A_25 : i32
      %scan3A_27 = arith.constant 1 : i32
      scf.for %scan3A_47 = %scan3A_24 to %scan3A_26 step %scan3A_27  : i32 {
        %mul3A_48 = arith.constant 16 : i32
        %mul3A_49 = arith.muli %scan3A_47, %mul3A_48 : i32
        %get3A = arith.constant 0 : i32
        %get3A_50 = arith.constant 0 : i32
        %get3A_51 = arith.index_cast %get3A : i32 to index
        %get3A_52 = arith.index_cast %get3A_50 : i32 to index
        %get3A_53 = arith.index_cast %mul3A_49 : i32 to index
        %get3A_54 = tpu.vector_load %arg6[%get3A_51, %get3A_52, %get3A_53] {strides = array<i32>} : memref<16x2x1024xf32, #tpu.memory_space<vmem>>, vector<16xf32>,
        %get3A_55 = arith.constant 1 : i32
        %get3A_56 = arith.constant 0 : i32
        %get3A_57 = arith.index_cast %get3A_55 : i32 to index
        %get3A_58 = arith.index_cast %get3A_56 : i32 to index
        %get3A_59 = arith.index_cast %mul3A_49 : i32 to index
        %get3A_60 = tpu.vector_load %arg6[%get3A_57, %get3A_58, %get3A_59] {strides = array<i32>} : memref<16x2x1024xf32, #tpu.memory_space<vmem>>, vector<16xf32>,
        %get3A_61 = arith.constant 2 : i32
        %get3A_62 = arith.constant 0 : i32
        %get3A_63 = arith.index_cast %get3A_61 : i32 to index
        %get3A_64 = arith.index_cast %get3A_62 : i32 to index
        %get3A_65 = arith.index_cast %mul3A_49 : i32 to index
        %get3A_66 = tpu.vector_load %arg6[%get3A_63, %get3A_64, %get3A_65] {strides = array<i32>} : memref<16x2x1024xf32, #tpu.memory_space<vmem>>, vector<16xf32>,
        %get3A_67 = arith.constant 3 : i32
        %get3A_68 = arith.constant 0 : i32
        %get3A_69 = arith.index_cast %get3A_67 : i32 to index
        %get3A_70 = arith.index_cast %get3A_68 : i32 to index
        %get3A_71 = arith.index_cast %mul3A_49 : i32 to index
        %get3A_72 = tpu.vector_load %arg6[%get3A_69, %get3A_70, %get3A_71] {strides = array<i32>} : memref<16x2x1024xf32, #tpu.memory_space<vmem>>, vector<16xf32>,
        %get3A_73 = arith.constant 4 : i32
        %get3A_74 = arith.constant 0 : i32
        %get3A_75 = arith.index_cast %get3A_73 : i32 to index
        %get3A_76 = arith.index_cast %get3A_74 : i32 to index
        %get3A_77 = arith.index_cast %mul3A_49 : i32 to index
        %get3A_78 = tpu.vector_load %arg6[%get3A_75, %get3A_76, %get3A_77] {strides = array<i32>} : memref<16x2x1024xf32, #tpu.memory_space<vmem>>, vector<16xf32>,
        %get3A_79 = arith.constant 5 : i32
        %get3A_80 = arith.constant 0 : i32
        %get3A_81 = arith.index_cast %get3A_79 : i32 to index
        %get3A_82 = arith.index_cast %get3A_80 : i32 to index
        %get3A_83 = arith.index_cast %mul3A_49 : i32 to index
        %get3A_84 = tpu.vector_load %arg6[%get3A_81, %get3A_82, %get3A_83] {strides = array<i32>} : memref<16x2x1024xf32, #tpu.memory_space<vmem>>, vector<16xf32>,
        %get3A_85 = arith.constant 6 : i32
        %get3A_86 = arith.constant 0 : i32
        %get3A_87 = arith.index_cast %get3A_85 : i32 to index
        %get3A_88 = arith.index_cast %get3A_86 : i32 to index
        %get3A_89 = arith.index_cast %mul3A_49 : i32 to index
        %get3A_90 = tpu.vector_load %arg6[%get3A_87, %get3A_88, %get3A_89] {strides = array<i32>} : memref<16x2x1024xf32, #tpu.memory_space<vmem>>, vector<16xf32>,
        %get3A_91 = arith.constant 7 : i32
        %get3A_92 = arith.constant 0 : i32
        %get3A_93 = arith.index_cast %get3A_91 : i32 to index
        %get3A_94 = arith.index_cast %get3A_92 : i32 to index
        %get3A_95 = arith.index_cast %mul3A_49 : i32 to index
        %get3A_96 = tpu.vector_load %arg6[%get3A_93, %get3A_94, %get3A_95] {strides = array<i32>} : memref<16x2x1024xf32, #tpu.memory_space<vmem>>, vector<16xf32>,
        %get3A_97 = arith.constant 8 : i32
        %get3A_98 = arith.constant 0 : i32
        %get3A_99 = arith.index_cast %get3A_97 : i32 to index
        %get3A_100 = arith.index_cast %get3A_98 : i32 to index
        %get3A_101 = arith.index_cast %mul3A_49 : i32 to index
        %get3A_102 = tpu.vector_load %arg6[%get3A_99, %get3A_100, %get3A_101] {strides = array<i32>} : memref<16x2x1024xf32, #tpu.memory_space<vmem>>, vector<16xf32>,
        %get3A_103 = arith.constant 9 : i32
        %get3A_104 = arith.constant 0 : i32
        %get3A_105 = arith.index_cast %get3A_103 : i32 to index
        %get3A_106 = arith.index_cast %get3A_104 : i32 to index
        %get3A_107 = arith.index_cast %mul3A_49 : i32 to index
        %get3A_108 = tpu.vector_load %arg6[%get3A_105, %get3A_106, %get3A_107] {strides = array<i32>} : memref<16x2x1024xf32, #tpu.memory_space<vmem>>, vector<16xf32>,
        %get3A_109 = arith.constant 10 : i32
        %get3A_110 = arith.constant 0 : i32
        %get3A_111 = arith.index_cast %get3A_109 : i32 to index
        %get3A_112 = arith.index_cast %get3A_110 : i32 to index
        %get3A_113 = arith.index_cast %mul3A_49 : i32 to index
        %get3A_114 = tpu.vector_load %arg6[%get3A_111, %get3A_112, %get3A_113] {strides = array<i32>} : memref<16x2x1024xf32, #tpu.memory_space<vmem>>, vector<16xf32>,
        %get3A_115 = arith.constant 11 : i32
        %get3A_116 = arith.constant 0 : i32
        %get3A_117 = arith.index_cast %get3A_115 : i32 to index
        %get3A_118 = arith.index_cast %get3A_116 : i32 to index
        %get3A_119 = arith.index_cast %mul3A_49 : i32 to index
        %get3A_120 = tpu.vector_load %arg6[%get3A_117, %get3A_118, %get3A_119] {strides = array<i32>} : memref<16x2x1024xf32, #tpu.memory_space<vmem>>, vector<16xf32>,
        %get3A_121 = arith.constant 12 : i32
        %get3A_122 = arith.constant 0 : i32
        %get3A_123 = arith.index_cast %get3A_121 : i32 to index
        %get3A_124 = arith.index_cast %get3A_122 : i32 to index
        %get3A_125 = arith.index_cast %mul3A_49 : i32 to index
        %get3A_126 = tpu.vector_load %arg6[%get3A_123, %get3A_124, %get3A_125] {strides = array<i32>} : memref<16x2x1024xf32, #tpu.memory_space<vmem>>, vector<16xf32>,
        %get3A_127 = arith.constant 13 : i32
        %get3A_128 = arith.constant 0 : i32
        %get3A_129 = arith.index_cast %get3A_127 : i32 to index
        %get3A_130 = arith.index_cast %get3A_128 : i32 to index
        %get3A_131 = arith.index_cast %mul3A_49 : i32 to index
        %get3A_132 = tpu.vector_load %arg6[%get3A_129, %get3A_130, %get3A_131] {strides = array<i32>} : memref<16x2x1024xf32, #tpu.memory_space<vmem>>, vector<16xf32>,
        %get3A_133 = arith.constant 14 : i32
        %get3A_134 = arith.constant 0 : i32
        %get3A_135 = arith.index_cast %get3A_133 : i32 to index
        %get3A_136 = arith.index_cast %get3A_134 : i32 to index
        %get3A_137 = arith.index_cast %mul3A_49 : i32 to index
        %get3A_138 = tpu.vector_load %arg6[%get3A_135, %get3A_136, %get3A_137] {strides = array<i32>} : memref<16x2x1024xf32, #tpu.memory_space<vmem>>, vector<16xf32>,
        %get3A_139 = arith.constant 15 : i32
        %get3A_140 = arith.constant 0 : i32
        %get3A_141 = arith.index_cast %get3A_139 : i32 to index
        %get3A_142 = arith.index_cast %get3A_140 : i32 to index
        %get3A_143 = arith.index_cast %mul3A_49 : i32 to index
        %get3A_144 = tpu.vector_load %arg6[%get3A_141, %get3A_142, %get3A_143] {strides = array<i32>} : memref<16x2x1024xf32, #tpu.memory_space<vmem>>, vector<16xf32>,
        %add3A_145 = arith.addf %get3A_54, %get3A_60 : vector<16xf32>
        %add3A_146 = arith.addf %get3A_66, %get3A_72 : vector<16xf32>
        %add3A_147 = arith.addf %get3A_78, %get3A_84 : vector<16xf32>
        %add3A_148 = arith.addf %get3A_90, %get3A_96 : vector<16xf32>
        %add3A_149 = arith.addf %get3A_102, %get3A_108 : vector<16xf32>
        %add3A_150 = arith.addf %get3A_114, %get3A_120 : vector<16xf32>
        %add3A_151 = arith.addf %get3A_126, %get3A_132 : vector<16xf32>
        %add3A_152 = arith.addf %get3A_138, %get3A_144 : vector<16xf32>
        %add3A_153 = arith.addf %add3A_145, %add3A_146 : vector<16xf32>
        %add3A_154 = arith.addf %add3A_147, %add3A_148 : vector<16xf32>
        %add3A_155 = arith.addf %add3A_149, %add3A_150 : vector<16xf32>
        %add3A_156 = arith.addf %add3A_151, %add3A_152 : vector<16xf32>
        %add3A_157 = arith.addf %add3A_153, %add3A_154 : vector<16xf32>
        %add3A_158 = arith.addf %add3A_155, %add3A_156 : vector<16xf32>
        %add3A_159 = arith.addf %add3A_157, %add3A_158 : vector<16xf32>
        %get3A_160 = arith.constant 0 : i32
        %get3A_161 = arith.index_cast %get3A_160 : i32 to index
        %get3A_162 = arith.index_cast %mul3A_49 : i32 to index
        %get3A_163 = tpu.vector_load %arg7[%get3A_161, %get3A_162] {strides = array<i32>} : memref<2x1024xf32, #tpu.memory_space<vmem>>, vector<16xf32>,
        %add3A_164 = arith.addf %get3A_163, %add3A_159 : vector<16xf32>
        %swap3A_165 = arith.constant 0 : i32
        %swap3A_166 = arith.index_cast %swap3A_165 : i32 to index
        %swap3A_167 = arith.index_cast %mul3A_49 : i32 to index
        %swap3A_168 = tpu.vector_load %arg7[%swap3A_166, %swap3A_167] {strides = array<i32>} : memref<2x1024xf32, #tpu.memory_space<vmem>>, vector<16xf32>,
        tpu.vector_store %arg7[%swap3A_166, %swap3A_167], %add3A_164 {strides = array<i32>} : memref<2x1024xf32, #tpu.memory_space<vmem>>, vector<16xf32>,
        %get3A_169 = arith.constant 0 : i32
        %get3A_170 = arith.constant 1 : i32
        %get3A_171 = arith.index_cast %get3A_169 : i32 to index
        %get3A_172 = arith.index_cast %get3A_170 : i32 to index
        %get3A_173 = arith.index_cast %mul3A_49 : i32 to index
        %get3A_174 = tpu.vector_load %arg6[%get3A_171, %get3A_172, %get3A_173] {strides = array<i32>} : memref<16x2x1024xf32, #tpu.memory_space<vmem>>, vector<16xf32>,
        %get3A_175 = arith.constant 1 : i32
        %get3A_176 = arith.constant 1 : i32
        %get3A_177 = arith.index_cast %get3A_175 : i32 to index
        %get3A_178 = arith.index_cast %get3A_176 : i32 to index
        %get3A_179 = arith.index_cast %mul3A_49 : i32 to index
        %get3A_180 = tpu.vector_load %arg6[%get3A_177, %get3A_178, %get3A_179] {strides = array<i32>} : memref<16x2x1024xf32, #tpu.memory_space<vmem>>, vector<16xf32>,
        %get3A_181 = arith.constant 2 : i32
        %get3A_182 = arith.constant 1 : i32
        %get3A_183 = arith.index_cast %get3A_181 : i32 to index
        %get3A_184 = arith.index_cast %get3A_182 : i32 to index
        %get3A_185 = arith.index_cast %mul3A_49 : i32 to index
        %get3A_186 = tpu.vector_load %arg6[%get3A_183, %get3A_184, %get3A_185] {strides = array<i32>} : memref<16x2x1024xf32, #tpu.memory_space<vmem>>, vector<16xf32>,
        %get3A_187 = arith.constant 3 : i32
        %get3A_188 = arith.constant 1 : i32
        %get3A_189 = arith.index_cast %get3A_187 : i32 to index
        %get3A_190 = arith.index_cast %get3A_188 : i32 to index
        %get3A_191 = arith.index_cast %mul3A_49 : i32 to index
        %get3A_192 = tpu.vector_load %arg6[%get3A_189, %get3A_190, %get3A_191] {strides = array<i32>} : memref<16x2x1024xf32, #tpu.memory_space<vmem>>, vector<16xf32>,
        %get3A_193 = arith.constant 4 : i32
        %get3A_194 = arith.constant 1 : i32
        %get3A_195 = arith.index_cast %get3A_193 : i32 to index
        %get3A_196 = arith.index_cast %get3A_194 : i32 to index
        %get3A_197 = arith.index_cast %mul3A_49 : i32 to index
        %get3A_198 = tpu.vector_load %arg6[%get3A_195, %get3A_196, %get3A_197] {strides = array<i32>} : memref<16x2x1024xf32, #tpu.memory_space<vmem>>, vector<16xf32>,
        %get3A_199 = arith.constant 5 : i32
        %get3A_200 = arith.constant 1 : i32
        %get3A_201 = arith.index_cast %get3A_199 : i32 to index
        %get3A_202 = arith.index_cast %get3A_200 : i32 to index
        %get3A_203 = arith.index_cast %mul3A_49 : i32 to index
        %get3A_204 = tpu.vector_load %arg6[%get3A_201, %get3A_202, %get3A_203] {strides = array<i32>} : memref<16x2x1024xf32, #tpu.memory_space<vmem>>, vector<16xf32>,
        %get3A_205 = arith.constant 6 : i32
        %get3A_206 = arith.constant 1 : i32
        %get3A_207 = arith.index_cast %get3A_205 : i32 to index
        %get3A_208 = arith.index_cast %get3A_206 : i32 to index
        %get3A_209 = arith.index_cast %mul3A_49 : i32 to index
        %get3A_210 = tpu.vector_load %arg6[%get3A_207, %get3A_208, %get3A_209] {strides = array<i32>} : memref<16x2x1024xf32, #tpu.memory_space<vmem>>, vector<16xf32>,
        %get3A_211 = arith.constant 7 : i32
        %get3A_212 = arith.constant 1 : i32
        %get3A_213 = arith.index_cast %get3A_211 : i32 to index
        %get3A_214 = arith.index_cast %get3A_212 : i32 to index
        %get3A_215 = arith.index_cast %mul3A_49 : i32 to index
        %get3A_216 = tpu.vector_load %arg6[%get3A_213, %get3A_214, %get3A_215] {strides = array<i32>} : memref<16x2x1024xf32, #tpu.memory_space<vmem>>, vector<16xf32>,
        %get3A_217 = arith.constant 8 : i32
        %get3A_218 = arith.constant 1 : i32
        %get3A_219 = arith.index_cast %get3A_217 : i32 to index
        %get3A_220 = arith.index_cast %get3A_218 : i32 to index
        %get3A_221 = arith.index_cast %mul3A_49 : i32 to index
        %get3A_222 = tpu.vector_load %arg6[%get3A_219, %get3A_220, %get3A_221] {strides = array<i32>} : memref<16x2x1024xf32, #tpu.memory_space<vmem>>, vector<16xf32>,
        %get3A_223 = arith.constant 9 : i32
        %get3A_224 = arith.constant 1 : i32
        %get3A_225 = arith.index_cast %get3A_223 : i32 to index
        %get3A_226 = arith.index_cast %get3A_224 : i32 to index
        %get3A_227 = arith.index_cast %mul3A_49 : i32 to index
        %get3A_228 = tpu.vector_load %arg6[%get3A_225, %get3A_226, %get3A_227] {strides = array<i32>} : memref<16x2x1024xf32, #tpu.memory_space<vmem>>, vector<16xf32>,
        %get3A_229 = arith.constant 10 : i32
        %get3A_230 = arith.constant 1 : i32
        %get3A_231 = arith.index_cast %get3A_229 : i32 to index
        %get3A_232 = arith.index_cast %get3A_230 : i32 to index
        %get3A_233 = arith.index_cast %mul3A_49 : i32 to index
        %get3A_234 = tpu.vector_load %arg6[%get3A_231, %get3A_232, %get3A_233] {strides = array<i32>} : memref<16x2x1024xf32, #tpu.memory_space<vmem>>, vector<16xf32>,
        %get3A_235 = arith.constant 11 : i32
        %get3A_236 = arith.constant 1 : i32
        %get3A_237 = arith.index_cast %get3A_235 : i32 to index
        %get3A_238 = arith.index_cast %get3A_236 : i32 to index
        %get3A_239 = arith.index_cast %mul3A_49 : i32 to index
        %get3A_240 = tpu.vector_load %arg6[%get3A_237, %get3A_238, %get3A_239] {strides = array<i32>} : memref<16x2x1024xf32, #tpu.memory_space<vmem>>, vector<16xf32>,
        %get3A_241 = arith.constant 12 : i32
        %get3A_242 = arith.constant 1 : i32
        %get3A_243 = arith.index_cast %get3A_241 : i32 to index
        %get3A_244 = arith.index_cast %get3A_242 : i32 to index
        %get3A_245 = arith.index_cast %mul3A_49 : i32 to index
        %get3A_246 = tpu.vector_load %arg6[%get3A_243, %get3A_244, %get3A_245] {strides = array<i32>} : memref<16x2x1024xf32, #tpu.memory_space<vmem>>, vector<16xf32>,
        %get3A_247 = arith.constant 13 : i32
        %get3A_248 = arith.constant 1 : i32
        %get3A_249 = arith.index_cast %get3A_247 : i32 to index
        %get3A_250 = arith.index_cast %get3A_248 : i32 to index
        %get3A_251 = arith.index_cast %mul3A_49 : i32 to index
        %get3A_252 = tpu.vector_load %arg6[%get3A_249, %get3A_250, %get3A_251] {strides = array<i32>} : memref<16x2x1024xf32, #tpu.memory_space<vmem>>, vector<16xf32>,
        %get3A_253 = arith.constant 14 : i32
        %get3A_254 = arith.constant 1 : i32
        %get3A_255 = arith.index_cast %get3A_253 : i32 to index
        %get3A_256 = arith.index_cast %get3A_254 : i32 to index
        %get3A_257 = arith.index_cast %mul3A_49 : i32 to index
        %get3A_258 = tpu.vector_load %arg6[%get3A_255, %get3A_256, %get3A_257] {strides = array<i32>} : memref<16x2x1024xf32, #tpu.memory_space<vmem>>, vector<16xf32>,
        %get3A_259 = arith.constant 15 : i32
        %get3A_260 = arith.constant 1 : i32
        %get3A_261 = arith.index_cast %get3A_259 : i32 to index
        %get3A_262 = arith.index_cast %get3A_260 : i32 to index
        %get3A_263 = arith.index_cast %mul3A_49 : i32 to index
        %get3A_264 = tpu.vector_load %arg6[%get3A_261, %get3A_262, %get3A_263] {strides = array<i32>} : memref<16x2x1024xf32, #tpu.memory_space<vmem>>, vector<16xf32>,
        %add3A_265 = arith.addf %get3A_174, %get3A_180 : vector<16xf32>
        %add3A_266 = arith.addf %get3A_186, %get3A_192 : vector<16xf32>
        %add3A_267 = arith.addf %get3A_198, %get3A_204 : vector<16xf32>
        %add3A_268 = arith.addf %get3A_210, %get3A_216 : vector<16xf32>
        %add3A_269 = arith.addf %get3A_222, %get3A_228 : vector<16xf32>
        %add3A_270 = arith.addf %get3A_234, %get3A_240 : vector<16xf32>
        %add3A_271 = arith.addf %get3A_246, %get3A_252 : vector<16xf32>
        %add3A_272 = arith.addf %get3A_258, %get3A_264 : vector<16xf32>
        %add3A_273 = arith.addf %add3A_265, %add3A_266 : vector<16xf32>
        %add3A_274 = arith.addf %add3A_267, %add3A_268 : vector<16xf32>
        %add3A_275 = arith.addf %add3A_269, %add3A_270 : vector<16xf32>
        %add3A_276 = arith.addf %add3A_271, %add3A_272 : vector<16xf32>
        %add3A_277 = arith.addf %add3A_273, %add3A_274 : vector<16xf32>
        %add3A_278 = arith.addf %add3A_275, %add3A_276 : vector<16xf32>
        %add3A_279 = arith.addf %add3A_277, %add3A_278 : vector<16xf32>
        %get3A_280 = arith.constant 1 : i32
        %get3A_281 = arith.index_cast %get3A_280 : i32 to index
        %get3A_282 = arith.index_cast %mul3A_49 : i32 to index
        %get3A_283 = tpu.vector_load %arg7[%get3A_281, %get3A_282] {strides = array<i32>} : memref<2x1024xf32, #tpu.memory_space<vmem>>, vector<16xf32>,
        %add3A_284 = arith.addf %get3A_283, %add3A_279 : vector<16xf32>
        %swap3A_285 = arith.constant 1 : i32
        %swap3A_286 = arith.index_cast %swap3A_285 : i32 to index
        %swap3A_287 = arith.index_cast %mul3A_49 : i32 to index
        %swap3A_288 = tpu.vector_load %arg7[%swap3A_286, %swap3A_287] {strides = array<i32>} : memref<2x1024xf32, #tpu.memory_space<vmem>>, vector<16xf32>,
        tpu.vector_store %arg7[%swap3A_286, %swap3A_287], %add3A_284 {strides = array<i32>} : memref<2x1024xf32, #tpu.memory_space<vmem>>, vector<16xf32>,
      }
      %scan3A_28 = arith.constant 64 : i32
      %scan3A_29 = arith.constant 0x4A4CCCCC : f32
      %scan3A_30 = arith.constant 0.000000e+00 : f32
      %scan3A_31 = arith.constant 0 : i32
      %scan3A_32 = arith.constant 64 : i32
      %scan3A_33 = arith.addi %scan3A_31, %scan3A_32 : i32
      %scan3A_34 = arith.constant 1 : i32
      %scan3A_35:2 = scf.for %scan3A_47 = %scan3A_31 to %scan3A_33 step %scan3A_34 iter_args(%scan3A_48 = %scan3A_30, %scan3A_49 = %broadcast_in_dim3A_3) -> (f32, vector<16xf32>)  : i32 {
        %sub3A = arith.constant 63 : i32
        %sub3A_50 = arith.subi %sub3A, %scan3A_47 : i32
        %mul3A_51 = arith.constant 16 : i32
        %mul3A_52 = arith.muli %sub3A_50, %mul3A_51 : i32
        %get3A = arith.constant 0 : i32
        %get3A_53 = arith.index_cast %get3A : i32 to index
        %get3A_54 = arith.index_cast %mul3A_52 : i32 to index
        %get3A_55 = tpu.vector_load %arg7[%get3A_53, %get3A_54] {strides = array<i32>} : memref<2x1024xf32, #tpu.memory_space<vmem>>, vector<16xf32>,
        %get3A_56 = arith.constant 1 : i32
        %get3A_57 = arith.index_cast %get3A_56 : i32 to index
        %get3A_58 = arith.index_cast %mul3A_52 : i32 to index
        %get3A_59 = tpu.vector_load %arg7[%get3A_57, %get3A_58] {strides = array<i32>} : memref<2x1024xf32, #tpu.memory_space<vmem>>, vector<16xf32>,
        %rev3A = arith.constant 15 : i32
        %rev3A_60 = vector.broadcast %rev3A : i32 to vector<16xi32>
        %rev3A_61 = tpu.iota {dimensions = array<i32: 0>} : vector<16xi32>
        %rev3A_62 = arith.subi %rev3A_60, %rev3A_61 : vector<16xi32>
        %rev3A_63 = tpu.dynamic_gather %get3A_55[%rev3A_62] in [0] : vector<16xf32>, vector<16xi32> -> vector<16xf32>
        %broadcast_in_dim3A_64 = arith.constant true
        %broadcast_in_dim3A_65 = vector.broadcast %broadcast_in_dim3A_64 : i1 to vector<16xi1>
        %masked_cumsum3A = tpu.scan <sum>, %rev3A_63 masked %broadcast_in_dim3A_65 : vector<16xf32>, vector<16xi1> -> vector<16xf32>
        %rev3A_66 = arith.constant 15 : i32
        %rev3A_67 = vector.broadcast %rev3A_66 : i32 to vector<16xi32>
        %rev3A_68 = tpu.iota {dimensions = array<i32: 0>} : vector<16xi32>
        %rev3A_69 = arith.subi %rev3A_67, %rev3A_68 : vector<16xi32>
        %rev3A_70 = tpu.dynamic_gather %masked_cumsum3A[%rev3A_69] in [0] : vector<16xf32>, vector<16xi32> -> vector<16xf32>
        %add3A_71 = vector.broadcast %scan3A_48 : f32 to vector<16xf32>
        %add3A_72 = arith.addf %add3A_71, %rev3A_70 : vector<16xf32>
        %sub3A_73 = arith.subf %add3A_72, %get3A_55 : vector<16xf32>
        %le3A = vector.broadcast %scan3A_29 : f32 to vector<16xf32>
        %le3A_74 = arith.cmpf ole, %add3A_72, %le3A : vector<16xf32>
        %lt3A = vector.broadcast %scan3A_29 : f32 to vector<16xf32>
        %lt3A_75 = arith.cmpf olt, %sub3A_73, %lt3A : vector<16xf32>
        %gt3A = vector.broadcast %scan3A_29 : f32 to vector<16xf32>
        %gt3A_76 = arith.cmpf ogt, %add3A_72, %gt3A : vector<16xf32>
        %and3A = arith.andi %lt3A_75, %gt3A_76 : vector<16xi1>
        %max3A = arith.constant 1.000000e+00 : f32
        %max3A_77 = vector.broadcast %max3A : f32 to vector<16xf32>
        %max3A_78 = arith.maximumf %get3A_55, %max3A_77 : vector<16xf32>
        %div3A = arith.divf %get3A_59, %max3A_78 : vector<16xf32>
        %sub3A_79 = vector.broadcast %scan3A_29 : f32 to vector<16xf32>
        %sub3A_80 = arith.subf %sub3A_79, %sub3A_73 : vector<16xf32>
        %div3A_81 = arith.divf %sub3A_80, %max3A_78 : vector<16xf32>
        %sub3A_82 = arith.constant 1.000000e+00 : f32
        %sub3A_83 = vector.broadcast %sub3A_82 : f32 to vector<16xf32>
        %sub3A_84 = arith.subf %sub3A_83, %div3A_81 : vector<16xf32>
        %mul3A_85 = arith.constant 5.000000e-01 : f32
        %mul3A_86 = vector.broadcast %mul3A_85 : f32 to vector<16xf32>
        %mul3A_87 = arith.mulf %sub3A_84, %mul3A_86 : vector<16xf32>
        %add3A_88 = arith.addf %div3A, %mul3A_87 : vector<16xf32>
        %jit3A = arith.constant 0.000000e+00 : f32
        %broadcast_in_dim3A_89 = vector.broadcast %jit3A : f32 to vector<16xf32>
        %select_n3A = arith.select %le3A_74, %get3A_59, %broadcast_in_dim3A_89 : vector<16xi1>, vector<16xf32>
        %mul3A_90 = arith.mulf %sub3A_80, %add3A_88 : vector<16xf32>
        %jit3A_91 = arith.constant 0.000000e+00 : f32
        %broadcast_in_dim3A_92 = vector.broadcast %jit3A_91 : f32 to vector<16xf32>
        %select_n3A_93 = arith.select %and3A, %mul3A_90, %broadcast_in_dim3A_92 : vector<16xi1>, vector<16xf32>
        %add3A_94 = arith.addf %select_n3A, %select_n3A_93 : vector<16xf32>
        %reduce_sum3A_95 = arith.constant true
        %reduce_sum3A_96 = vector.broadcast %reduce_sum3A_95 : i1 to vector<16xi1>
        %reduce_sum3A_97 = tpu.scan <sum>, %get3A_55 masked %reduce_sum3A_96 : vector<16xf32>, vector<16xi1> -> vector<16xf32>
        %reduce_sum3A_98 = vector.extract %reduce_sum3A_97[15] : f32 from vector<16xf32>
        %add3A_99 = arith.addf %scan3A_48, %reduce_sum3A_98 : f32
        %add3A_100 = arith.addf %scan3A_49, %add3A_94 : vector<16xf32>
        scf.yield %add3A_99, %add3A_100 : f32, vector<16xf32>
      }
      %scan3A_36 = arith.constant 64 : i32
      %reduce_sum3A = arith.constant true
      %reduce_sum3A_37 = vector.broadcast %reduce_sum3A : i1 to vector<16xi1>
      %reduce_sum3A_38 = tpu.scan <sum>, %scan3A_35#1 masked %reduce_sum3A_37 : vector<16xf32>, vector<16xi1> -> vector<16xf32>
      %reduce_sum3A_39 = vector.extract %reduce_sum3A_38[15] : f32 from vector<16xf32>
      %broadcast_in_dim3A_40 = arith.constant 0.000000e+00 : f32
      %broadcast_in_dim3A_41 = vector.broadcast %broadcast_in_dim3A_40 : f32 to vector<16xf32>
      %mul3A_42 = arith.constant 4.02086897E-9 : f32
      %mul3A_43 = arith.mulf %reduce_sum3A_39, %mul3A_42 : f32
      %add3A_44 = vector.broadcast %mul3A_43 : f32 to vector<16xf32>
      %add3A_45 = arith.addf %broadcast_in_dim3A_41, %add3A_44 : vector<16xf32>
      %swap3A = arith.constant 0 : index
      %swap3A_46 = tpu.vector_load %arg8[%swap3A] {strides = array<i32>} : memref<16xf32, #tpu.memory_space<vmem>>, vector<16xf32>,
      tpu.vector_store %arg8[%swap3A], %add3A_45 {strides = array<i32>} : memref<16xf32, #tpu.memory_space<vmem>>, vector<16xf32>,
      "tpu.region"() ({
        %run_scoped3A = tpu.sem_alloc : memref<!tpu.dma_semaphore, #tpu.memory_space<semaphore_mem>>
        tpu.enqueue_dma source(%arg8 : memref<16xf32, #tpu.memory_space<vmem>>) target(%arg4 : memref<16xf32, #tpu.memory_space<hbm>>) target_semaphore(%run_scoped3A : memref<!tpu.dma_semaphore, #tpu.memory_space<semaphore_mem>>)
        tpu.wait_dma2 semaphore(%run_scoped3A : memref<!tpu.dma_semaphore, #tpu.memory_space<semaphore_mem>>) src(%arg8 : memref<16xf32, #tpu.memory_space<vmem>>) dst(%arg4 : memref<16xf32, #tpu.memory_space<hbm>>)
        tpu.yield
      }) : () -> ()
    } else {
    }
    return
  }
}

module attributes {stable_mosaic.version = 14 : i64} {
  func.func @_loss_body(%arg0: i32, %arg1: i32, %arg2: memref<1x1x128x512xf32, #tpu.memory_space<vmem>>, %arg3: memref<1x1x128x512xf32, #tpu.memory_space<vmem>>, %arg4: memref<128x512xf32, #tpu.memory_space<vmem>>) attributes {dimension_semantics = [#tpu.dimension_semantics<parallel>, #tpu.dimension_semantics<parallel>], iteration_bounds = array<i64: 8, 4>, scalar_prefetch = 0 : i64, scratch_operands = 0 : i64, tpu.core_type = #tpu.core_type<tc>, window_params = [{transform_indices = @transform_0, window_bounds = array<i64: 1, 1, 128, 512>}, {transform_indices = @transform_1, window_bounds = array<i64: 1, 1, 128, 512>}, {transform_indices = @transform_2, window_bounds = array<i64: 128, 512>}]} {
    %get3A = arith.constant 0 : index
    %get3A_0 = arith.constant 0 : index
    %get3A_1 = arith.constant 0 : index
    %get3A_2 = arith.constant 0 : index
    %get3A_3 = vector.load %arg3[%get3A, %get3A_0, %get3A_1, %get3A_2] : memref<1x1x128x512xf32, #tpu.memory_space<vmem>>, vector<1x1x128x512xf32>
    %mul3A = arith.constant 70.4131546 : f32
    %mul3A_4 = vector.broadcast %mul3A : f32 to vector<1x1x128x512xf32>
    %mul3A_5 = arith.mulf %get3A_3, %mul3A_4 : vector<1x1x128x512xf32>
    %add3A = arith.constant 3.70595551 : f32
    %add3A_6 = vector.broadcast %add3A : f32 to vector<1x1x128x512xf32>
    %add3A_7 = arith.addf %mul3A_5, %add3A_6 : vector<1x1x128x512xf32>
    %get3A_8 = arith.constant 0 : index
    %get3A_9 = arith.constant 0 : index
    %get3A_10 = arith.constant 0 : index
    %get3A_11 = arith.constant 0 : index
    %get3A_12 = vector.load %arg2[%get3A_8, %get3A_9, %get3A_10, %get3A_11] : memref<1x1x128x512xf32, #tpu.memory_space<vmem>>, vector<1x1x128x512xf32>
    %jit3A = arith.constant 9.99999997E-7 : f32
    %jit3A_13 = arith.constant 0.999998986 : f32
    %max3A = vector.broadcast %jit3A : f32 to vector<1x1x128x512xf32>
    %max3A_14 = arith.maximumf %max3A, %get3A_12 : vector<1x1x128x512xf32>
    %min3A = vector.broadcast %jit3A_13 : f32 to vector<1x1x128x512xf32>
    %min3A_15 = arith.minimumf %min3A, %max3A_14 : vector<1x1x128x512xf32>
    %neg3A = arith.constant 0.000000e+00 : f32
    %neg3A_16 = vector.broadcast %neg3A : f32 to vector<1x1x128x512xf32>
    %neg3A_17 = arith.subf %neg3A_16, %min3A_15 : vector<1x1x128x512xf32>
    %log1p3A = math.log1p %neg3A_17 : vector<1x1x128x512xf32>
    %neg3A_18 = arith.constant 0.000000e+00 : f32
    %neg3A_19 = vector.broadcast %neg3A_18 : f32 to vector<1x1x128x512xf32>
    %neg3A_20 = arith.subf %neg3A_19, %log1p3A : vector<1x1x128x512xf32>
    %mul3A_21 = arith.constant 74.1191101 : f32
    %mul3A_22 = vector.broadcast %mul3A_21 : f32 to vector<1x1x128x512xf32>
    %mul3A_23 = arith.mulf %neg3A_20, %mul3A_22 : vector<1x1x128x512xf32>
    %log3A = math.log %min3A_15 : vector<1x1x128x512xf32>
    %sub3A = arith.subf %log3A, %log1p3A : vector<1x1x128x512xf32>
    %mul3A_24 = arith.mulf %add3A_7, %sub3A : vector<1x1x128x512xf32>
    %sub3A_25 = arith.subf %mul3A_23, %mul3A_24 : vector<1x1x128x512xf32>
    %reshape3A = vector.shape_cast %sub3A_25 : vector<1x1x128x512xf32> to vector<128x512xf32>
    %swap3A = arith.constant 0 : index
    %swap3A_26 = arith.constant 0 : index
    %swap3A_27 = vector.load %arg4[%swap3A, %swap3A_26] : memref<128x512xf32, #tpu.memory_space<vmem>>, vector<128x512xf32>
    tpu.vector_store %arg4[%swap3A, %swap3A_26], %reshape3A {strides = array<i32>} : memref<128x512xf32, #tpu.memory_space<vmem>>, vector<128x512xf32>,
    return
  }
  func.func @transform_0(%arg0: i32, %arg1: i32) -> (i32, i32, i32, i32) {
    %add3A = arith.constant 0 : i32
    %add3A_0 = arith.addi %arg0, %add3A : i32
    %c0_i32 = arith.constant 0 : i32
    %c0_i32_1 = arith.constant 0 : i32
    %c0_i32_2 = arith.constant 0 : i32
    return %add3A_0, %c0_i32, %arg1, %c0_i32_1 : i32, i32, i32, i32
  }
  func.func @transform_1(%arg0: i32, %arg1: i32) -> (i32, i32, i32, i32) {
    %add3A = arith.constant 0 : i32
    %add3A_0 = arith.addi %arg0, %add3A : i32
    %c0_i32 = arith.constant 0 : i32
    %c0_i32_1 = arith.constant 0 : i32
    %c0_i32_2 = arith.constant 0 : i32
    return %add3A_0, %c0_i32, %arg1, %c0_i32_1 : i32, i32, i32, i32
  }
  func.func @transform_2(%arg0: i32, %arg1: i32) -> (i32, i32) {
    %mul3A = arith.constant 4 : i32
    %mul3A_0 = arith.muli %arg0, %mul3A : i32
    %add3A = arith.addi %mul3A_0, %arg1 : i32
    %c0_i32 = arith.constant 0 : i32
    %c0_i32_1 = arith.constant 0 : i32
    return %add3A, %c0_i32 : i32, i32
  }
}

module attributes {stable_mosaic.version = 14 : i64} {
  func.func @_loss_body(%arg0: i32, %arg1: i32, %arg2: memref<1x1x128x512xf32, #tpu.memory_space<vmem>>, %arg3: memref<1x1x128x512xf32, #tpu.memory_space<vmem>>, %arg4: memref<128x512xf32, #tpu.memory_space<vmem>>) attributes {dimension_semantics = [#tpu.dimension_semantics<parallel>, #tpu.dimension_semantics<parallel>], iteration_bounds = array<i64: 8, 4>, scalar_prefetch = 0 : i64, scratch_operands = 0 : i64, tpu.core_type = #tpu.core_type<tc>, window_params = [{transform_indices = @transform_0, window_bounds = array<i64: 1, 1, 128, 512>}, {transform_indices = @transform_1, window_bounds = array<i64: 1, 1, 128, 512>}, {transform_indices = @transform_2, window_bounds = array<i64: 128, 512>}]} {
    %get3A = arith.constant 0 : index
    %get3A_0 = arith.constant 0 : index
    %get3A_1 = arith.constant 0 : index
    %get3A_2 = arith.constant 0 : index
    %get3A_3 = vector.load %arg3[%get3A, %get3A_0, %get3A_1, %get3A_2] : memref<1x1x128x512xf32, #tpu.memory_space<vmem>>, vector<1x1x128x512xf32>
    %mul3A = arith.constant 70.4131546 : f32
    %mul3A_4 = vector.broadcast %mul3A : f32 to vector<1x1x128x512xf32>
    %mul3A_5 = arith.mulf %get3A_3, %mul3A_4 : vector<1x1x128x512xf32>
    %add3A = arith.constant 3.70595551 : f32
    %add3A_6 = vector.broadcast %add3A : f32 to vector<1x1x128x512xf32>
    %add3A_7 = arith.addf %mul3A_5, %add3A_6 : vector<1x1x128x512xf32>
    %get3A_8 = arith.constant 0 : index
    %get3A_9 = arith.constant 0 : index
    %get3A_10 = arith.constant 0 : index
    %get3A_11 = arith.constant 0 : index
    %get3A_12 = vector.load %arg2[%get3A_8, %get3A_9, %get3A_10, %get3A_11] : memref<1x1x128x512xf32, #tpu.memory_space<vmem>>, vector<1x1x128x512xf32>
    %jit3A = arith.constant 9.99999997E-7 : f32
    %jit3A_13 = arith.constant 0.999998986 : f32
    %max3A = vector.broadcast %jit3A : f32 to vector<1x1x128x512xf32>
    %max3A_14 = arith.maximumf %max3A, %get3A_12 : vector<1x1x128x512xf32>
    %min3A = vector.broadcast %jit3A_13 : f32 to vector<1x1x128x512xf32>
    %min3A_15 = arith.minimumf %min3A, %max3A_14 : vector<1x1x128x512xf32>
    %neg3A = arith.constant 0.000000e+00 : f32
    %neg3A_16 = vector.broadcast %neg3A : f32 to vector<1x1x128x512xf32>
    %neg3A_17 = arith.subf %neg3A_16, %min3A_15 : vector<1x1x128x512xf32>
    %log1p3A = math.log1p %neg3A_17 : vector<1x1x128x512xf32>
    %neg3A_18 = arith.constant 0.000000e+00 : f32
    %neg3A_19 = vector.broadcast %neg3A_18 : f32 to vector<1x1x128x512xf32>
    %neg3A_20 = arith.subf %neg3A_19, %log1p3A : vector<1x1x128x512xf32>
    %mul3A_21 = arith.constant 74.1191101 : f32
    %mul3A_22 = vector.broadcast %mul3A_21 : f32 to vector<1x1x128x512xf32>
    %mul3A_23 = arith.mulf %neg3A_20, %mul3A_22 : vector<1x1x128x512xf32>
    %log3A = math.log %min3A_15 : vector<1x1x128x512xf32>
    %sub3A = arith.subf %log3A, %log1p3A : vector<1x1x128x512xf32>
    %mul3A_24 = arith.mulf %add3A_7, %sub3A : vector<1x1x128x512xf32>
    %sub3A_25 = arith.subf %mul3A_23, %mul3A_24 : vector<1x1x128x512xf32>
    %reshape3A = vector.shape_cast %sub3A_25 : vector<1x1x128x512xf32> to vector<128x512xf32>
    %swap3A = arith.constant 0 : index
    %swap3A_26 = arith.constant 0 : index
    %swap3A_27 = vector.load %arg4[%swap3A, %swap3A_26] : memref<128x512xf32, #tpu.memory_space<vmem>>, vector<128x512xf32>
    tpu.vector_store %arg4[%swap3A, %swap3A_26], %reshape3A {strides = array<i32>} : memref<128x512xf32, #tpu.memory_space<vmem>>, vector<128x512xf32>,
    return
  }
  func.func @transform_0(%arg0: i32, %arg1: i32) -> (i32, i32, i32, i32) {
    %add3A = arith.constant 8 : i32
    %add3A_0 = arith.addi %arg0, %add3A : i32
    %c0_i32 = arith.constant 0 : i32
    %c0_i32_1 = arith.constant 0 : i32
    %c0_i32_2 = arith.constant 0 : i32
    return %add3A_0, %c0_i32, %arg1, %c0_i32_1 : i32, i32, i32, i32
  }
  func.func @transform_1(%arg0: i32, %arg1: i32) -> (i32, i32, i32, i32) {
    %add3A = arith.constant 8 : i32
    %add3A_0 = arith.addi %arg0, %add3A : i32
    %c0_i32 = arith.constant 0 : i32
    %c0_i32_1 = arith.constant 0 : i32
    %c0_i32_2 = arith.constant 0 : i32
    return %add3A_0, %c0_i32, %arg1, %c0_i32_1 : i32, i32, i32, i32
  }
  func.func @transform_2(%arg0: i32, %arg1: i32) -> (i32, i32) {
    %mul3A = arith.constant 4 : i32
    %mul3A_0 = arith.muli %arg0, %mul3A : i32
    %add3A = arith.addi %mul3A_0, %arg1 : i32
    %c0_i32 = arith.constant 0 : i32
    %c0_i32_1 = arith.constant 0 : i32
    return %add3A, %c0_i32 : i32, i32
  }
}

</mosaic_0001>

<sc_bundles>
// kernel: kernel.10.cloned.1.call-start
scs
__scs_entry_jumppad:
0x0: {  	(pc) =	sbr.rel $0x88, $3  }
0x1: {  	(tag) =	ssettag $0x0;
	lr =	simm.s32 $0x1  }
0x2: {  	[smem:$0x3F9F] =	sst lr;
	_ =	strace $0xD0000000  }
0x3: {  	_ = 	snop  }
0x4: {  	_ = 	snop  }
0x5: {  	_ = 	snop  }
0x6: {  	_ = 	snop  }
0x7: {  	_ = 	snop  }
__scs_overlays_trampoline_lowered:
0x8: {  	[smem:$0x3FAE] =	sst s0  }
0x9: {  	[smem:$0x3FAF] =	sst s1  }
0xa: {  	[smem:$0x3FB0] =	sst s2  }
0xb: {  	[smem:$0x3FB1] =	sst s3  }
0xc: {  	[smem:$0x3FB2] =	sst s4  }
0xd: {  	[smem:$0x3FB3] =	sst s5  }
0xe: {  	[smem:$0x3FB4] =	sst s6  }
0xf: {  	[smem:$0x3FB5] =	sst s7  }
0x10: {  	[smem:$0x3FB6] =	sst s8  }
0x11: {  	[smem:$0x3FB7] =	sst s9;
	s0 =	simm.s32 @!p0 $0x0  }
0x12: {  	s1 =	sld [smem:$0x3F9D];
	s0 =	simm.s32 @p0 $0x1  }
0x13: {  	[smem:$0x3FB8] =	sst s0;
	s0 =	simm.s32 @!p1 $0x0  }
0x14: {  	s2 =	sld [smem:$0x3F9C];
	s0 =	simm.s32 @p1 $0x1  }
0x15: {  	[smem:$0x3FB9] =	sst s0;
	s0 =	simm.s32 @!p2 $0x0  }
0x16: {  	s3 =	sld [smem:$0x3FDB];
	s0 =	simm.s32 @p2 $0x1  }
0x17: {  	s4 =	simm.s32 $0x1BF5;
	[smem:$0x3FBB] =	sst s0  }
0x18: {  	s0 =	sld [smem:$0x3F9E];
	_ =	swait.ge [sflag:s4], $0x0  }
0x19: {  	s7 =	sld [smem:$0x3F9F]  }
0x1a: {  	s8 =	sadd.s32 $0xFFFFE003, lr  }
0x1b: {  	s9 =	sadd.s32 $0xFFFFFEF7, lr;
	s5 =	simm.s32 $0xFFFFFFFF;
	p2 =	slt.u32 s8, $0xFFFFF086  }
0x1c: {  	p1 =	slt.u32 s9, $0xF7A;
	s5 =	simm.s32 @!p2 $0x0  }
0x1d: {  	s5 =	simm.s32 @p1 $0x1;
	p0 =	seq.s32 s7, s2  }
0x1e: {  	s7 =	smul.u32 @!p0 $0xF7A, s2;
	p2 =	seq.s32 @!p0 s5, $0x0  }
0x1f: {  	s9 =	smul.u32 $0xF7A, s1;
	s8 =	simm.s32 @!p0 $0x1BF5;
	p2 =	por !p2, p0  }
0x20: {  	[sflag:s8] =	ssyncset.s32 @!p0 $0xFFFFF086;
	s6 =	sadd.s32 @!p0 s3, s7;
	s7 =	simm.s32 @!p0 $0x108  }
0x21: {  	s3 =	sadd.s32 s3, s9;
	s6 =	sadd.s32 @!p0 $0x88, s6;
	s7 =	simm.s32 @p2 $0x1082  }
0x22: {  	[simem:s7], [sflag:s8] =	dma.local @!p0 [hbm:s6], $0xF7A  }
0x23: {  	s9 =	sor.u32 $0xD0000000, s2;
	s6 =	simm.s32 $0x108;
	_ =	swait.ge @!p0 [sflag:s8], $0x0  }
0x24: {  	s3 =	sadd.s32 $0x88, s3;
	s6 =	simm.s32 @!p1 $0x1082;
	[sflag:s4] =	ssyncset.s32 $0xFFFFF086  }
0x25: {  	[simem:s6], [sflag:s4] =	dma.local [hbm:s3], $0xF7A  }
0x26: {  	[smem:$0x3F9F] =	sst s1;
	(tag) =	ssettag s2;
	_ =	strace s9  }
0x27: {  	s1 =	sld [smem:$0x3FAF]  }
0x28: {  	s2 =	sld [smem:$0x3FB0]  }
0x29: {  	s4 =	sld [smem:$0x3FB2]  }
0x2a: {  	p0 =	seq.s32 s5, $0x0;
	s5 =	sld [smem:$0x3FB3]  }
0x2b: {  	s6 =	sld [smem:$0x3FB4]  }
0x2c: {  	s7 =	sld [smem:$0x3FB5]  }
0x2d: {  	s3 =	simm.s32 $0x108;
	s8 =	sld [smem:$0x3FB6]  }
0x2e: {  	s3 =	simm.s32 @!p0 $0x1082;
	s9 =	sld [smem:$0x3FB7]  }
0x2f: {  	lr =	sadd.s32 s0, s3;
	s0 =	sld [smem:$0x3FAE]  }
0x30: {  	s3 =	sld [smem:$0x3FB1]  }
0x31: {  	[smem:$0x3FBA] =	sst s10  }
0x32: {  	s10 =	sld [smem:$0x3FB8];
	_ =	sdelay $0x3  }
0x33: {  	p0 =	seq.s32 s10, $0x1;
	s10 =	sld [smem:$0x3FBA];
	_ =	sdelay $0x3  }
0x34: {  	[smem:$0x3FBA] =	sst s10  }
0x35: {  	s10 =	sld [smem:$0x3FB9];
	_ =	sdelay $0x3  }
0x36: {  	p1 =	seq.s32 s10, $0x1;
	s10 =	sld [smem:$0x3FBA];
	_ =	sdelay $0x3  }
0x37: {  	[smem:$0x3FBA] =	sst s10  }
0x38: {  	s10 =	sld [smem:$0x3FBB]  }
0x39: {  	_ = 	snop;
	(pc) =	sbr.ind lr, $3  }
0x3a: {  	_ = 	snop  }
0x3b: {  	_ = 	snop  }
0x3c: {  	p2 =	seq.s32 s10, $0x1;
	s10 =	sld [smem:$0x3FBA]  }
0x3d: {  	_ =	shalt  }
0x3e: {  	_ =	shalt  }
0x3f: {  	_ =	shalt  }
0x40: {  	_ =	shalt  }
0x41: {  	_ =	shalt  }
0x42: {  	_ =	shalt  }
0x43: {  	_ =	shalt  }
0x44: {  	_ =	shalt  }
0x45: {  	_ =	shalt  }
0x46: {  	_ =	shalt  }
0x47: {  	_ =	shalt  }
0x48: {  	_ =	shalt  }
0x49: {  	_ =	shalt  }
0x4a: {  	_ =	shalt  }
0x4b: {  	_ =	shalt  }
0x4c: {  	_ =	shalt  }
0x4d: {  	_ =	shalt  }
0x4e: {  	_ =	shalt  }
0x4f: {  	_ =	shalt  }
0x50: {  	_ =	shalt  }
0x51: {  	_ =	shalt  }
0x52: {  	_ =	shalt  }
0x53: {  	_ =	shalt  }
0x54: {  	_ =	shalt  }
0x55: {  	_ =	shalt  }
0x56: {  	_ =	shalt  }
0x57: {  	_ =	shalt  }
0x58: {  	_ =	shalt  }
0x59: {  	_ =	shalt  }
0x5a: {  	_ =	shalt  }
0x5b: {  	_ =	shalt  }
0x5c: {  	_ =	shalt  }
0x5d: {  	_ =	shalt  }
0x5e: {  	_ =	shalt  }
0x5f: {  	_ =	shalt  }
0x60: {  	_ =	shalt  }
0x61: {  	_ =	shalt  }
0x62: {  	_ =	shalt  }
0x63: {  	_ =	shalt  }
0x64: {  	_ =	shalt  }
0x65: {  	_ =	shalt  }
0x66: {  	_ =	shalt  }
0x67: {  	_ =	shalt  }
0x68: {  	_ =	shalt  }
0x69: {  	_ =	shalt  }
0x6a: {  	_ =	shalt  }
0x6b: {  	_ =	shalt  }
0x6c: {  	_ =	shalt  }
0x6d: {  	_ =	shalt  }
0x6e: {  	_ =	shalt  }
0x6f: {  	_ =	shalt  }
0x70: {  	_ =	shalt  }
0x71: {  	_ =	shalt  }
0x72: {  	_ =	shalt  }
0x73: {  	_ =	shalt  }
0x74: {  	_ =	shalt  }
0x75: {  	_ =	shalt  }
0x76: {  	_ =	shalt  }
0x77: {  	_ =	shalt  }
0x78: {  	_ =	shalt  }
0x79: {  	_ =	shalt  }
0x7a: {  	_ =	shalt  }
0x7b: {  	_ =	shalt  }
0x7c: {  	_ =	shalt  }
0x7d: {  	_ =	shalt  }
0x7e: {  	_ =	shalt  }
0x7f: {  	_ =	shalt  }
0x80: {  	_ =	shalt  }
0x81: {  	_ =	shalt  }
0x82: {  	_ =	shalt  }
0x83: {  	_ =	shalt  }
0x84: {  	_ =	shalt  }
0x85: {  	_ =	shalt  }
0x86: {  	_ =	shalt  }
0x87: {  	_ =	shalt  }
.Lfunc_end0:
.L_simem_size_0:
called_computation.1_lowered:
.L_overlay_start_0:
0x88: {  	s2 =	sld [smem:$0x3FD9]  }
0x89: {  	s3 =	sld [smem:$0x3FFE];
	_ =	sdelay $0x1  }
0x8a: {  	s1 =	srdreg.scid  }
0x8b: {  	s0 =	sand.u32 $0x1, s1  }
0x8c: {  	s16 =	sshll.u32 s0, $0xA;
	s2 =	sadd.s32 s3, s2  }
0x8d: {  	s2 =	sadd.s32 s2, s16  }
0x8e: {  	[smem:$0x3FC6] =	sst s2  }
0x8f: {  	_ = 	snop  }
0x90: {  	(tm) =	ssettm $0x1  }
0x91: {  	s17 =	sld [smem:$0x3FFB];
	_ =	sdelay $0x3  }
0x92: {  	_ =	strace s17  }
0x93: {  	s2 =	sld [smem:$0x3FFC];
	_ =	sdelay $0x3  }
0x94: {  	_ =	strace s2  }
0x95: {  	s2 =	sld [smem:$0x3FFD];
	_ =	sdelay $0x3  }
0x96: {  	_ =	strace s2  }
0x97: {  	_ =	strace $0x8FFFFFFF  }
0x98: {  	s18 =	sld [smem:$0x3FDB];
	_ =	sdelay $0x1  }
0x99: {  	s19 =	simm.s32 $_scs_section_size  }
0x9a: {  	s4 =	simm.s32 $_size__tile_overlayer_lowered;
	s5 =	simm.s32 $_tile_overlayer_lowered  }
0x9b: {  	s22 =	simm.s32 $0x1BFF;
	s21 =	sshll.u32 s5, $0x1;
	s2 =	sadd.s32 s19, s18  }
0x9c: {  	s6 =	simm.s32 $0x0;
	s20 =	sshll.u32 s4, $0x1;
	s4 =	sadd.s32 s21, s2  }
0x9d: {  	[timem:s6], [sflag:s22] =	dma.local [hbm:s4], s20  }
0x9e: {  	_ =	swait.ge [sflag:s22], s20  }
0x9f: {  	s3 =	ssub.s32 $0x0, s20;
	[sflag:s22] =	ssyncset.done $0x0  }
0xa0: {  	[sflag:s22] =	ssyncadd.s32 s3;
	_ =	sdelay $0x1  }
0xa1: {  	s23 =	simm.s32 $0x1B8B  }
0xa2: {  	_ =	swait.ge [sflag:s23], $0x1  }
0xa3: {  	[sflag:s23] =	ssyncset.done $0x0  }
0xa4: {  	s25 =	simm.s32 $0x1B8E;
	s24 =	sld [smem:$0x3FFE];
	[sflag:s23] =	ssyncadd.s32 $0xFFFFFFFF  }
0xa5: {  	s26 =	simm.s32 $execute0_lowered;
	[smem:$0x3FD2] =	sst s25  }
0xa6: {  	s4 =	sshll.u32 s26, $0x1;
	_ =	strace $0x80000046;
	[dreg:$0x1] =	wrdreg $0xFFFFFFFF  }
0xa7: {  	s28 =	simm.s32 $_size_execute0_lowered;
	s2 =	sadd.s32 s2, s4;
	[dreg:$0x0] =	wrdreg $0x0  }
0xa8: {  	s4 =	sshll.u32 s28, $0x1;
	[dreg:$0x2] =	wrdreg s2  }
0xa9: {  	[dreg:$0x3] =	wrdreg s4  }
0xaa: {  	[dreg:$0x4] =	wrdreg $0xC0  }
0xab: {  	_ =	task [dreg:s6], $0x5FFFF  }
0xac: {  	[dreg:$0x1] =	wrdreg $0xFFFFFFFF  }
0xad: {  	[dreg:$0x0] =	wrdreg $0x60  }
0xae: {  	[dreg:$0x2] =	wrdreg s24  }
0xaf: {  	[dreg:$0x3] =	wrdreg $0xA  }
0xb0: {  	_ =	task.clear_ibuf [dreg:s6], $0x4FFFF;
	_ =	strace $0x90000046  }
0xb1: {  	s29 =	simm.s32 $0xA;
	_ =	strace $0x80000048  }
0xb2: {  	_ =	swait.ge [sflag:s29], $0x1  }
0xb3: {  	[sflag:s29] =	ssyncadd.s32 $0xFFFFFFFF  }
0xb4: {  	_ =	strace $0x90000048  }
0xb5: {  	_ =	sfence  }
0xb6: {  	s30 =	sld [smem:$0x0];
	_ =	sdelay $0x2  }
0xb7: {  	s31 =	sshll.u32 s1, $0xD;
	s1 =	sshrl.u32 s1, $0x2  }
0xb8: {  	s3 =	sand.u32 $0x4000, s31;
	s1 =	sadd.s32 s1, s30  }
0xb9: {  	s0 =	sor.u32 s3, s0;
	s1 =	sshll.u32 s1, $0x11  }
0xba: {  	s0 =	sor.u32 s1, s0  }
0xbb: {  	s0 =	sadd.s32 $0x8F2B, s0  }
0xbc: {  	[sflag:s0] =	ssyncadd.remote.s32 $0x1  }
0xbd: {  	_ =	sfence.sel $0xFFFF  }
0xbe: {  	[dreg:$0x0] =	wrdreg $0xFFFFFFFF;
	(pc) =	sbr.abs _section_cstart, $3  }
0xbf: {  	[dreg:$0x1] =	wrdreg $0xFFFFFFFF  }
0xc0: {  	_ =	task.clear_ibuf [dreg:s6], $0x2FFFF;
	_ =	strace $0x9FFFFFFF  }
0xc1: {  	(tm) =	ssettm $0x7FFFFFFF  }
tec
execute0_lowered:
.L_overlay_start_1:
0x0: {  	(tag) =	ssettag $0x1  }
0x1: {  	s5 =	rddreg [dreg:$0x0]  }
0x2: {  	s0 =	rddreg [dreg:$0x1];
	s2 =	simm.s32 $0x0;
	s3 =	srdreg.scid  }
0x3: {  	s1 =	stileid.u32;
	s10 =	simm.s32 $0x1;
	s11 =	simm.s32 $0x2000  }
0x4: {  	s12 =	simm.s32 $0x4000;
	s13 =	simm.s32 $0x4400;
	s14 =	simm.s32 $0x2  }
0x5: {  	s15 =	simm.s32 $0x80;
	s16 =	simm.s32 $0x100;
	s17 =	simm.s32 $0x3  }
0x6: {  	[smem:$0x7FF] =	sst s2;
	s4 =	sand.u32 $0x1, s3;
	s30 =	sshll.u32 s1, $0x1  }
0x7: {  	_ =	strace $0x80000047;
	s6 =	sor.u32 s4, s30;
	s4 =	ssub.s32 $0x2, s4  }
0x8: {  	s3 =	sshll.u32 s6, $0xD;
	s6 =	sshll.u32 s6, $0x8;
	s31 =	sshrl.u32 s4, $0x1  }
0x9: {  	s7 =	sadd.s32 s3, s5;
	s8 =	sadd.s32 s6, s5;
	s9 =	ssub.s32 s4, s31  }
0xa: {  	s5 =	sadd.s32 $0x1400, s5;
	s4 =	sadd.s32 $0x1000, s7;
	s6 =	sadd.s32 $0x1800, s7  }
0xb: {  	v0 =	vimm.f32 $0.0e+00;
	v1 =	vimm.f32 $1.000000000e+00;
	s7 =	sadd.s32 $0x41000, s8;
	s8 =	sadd.s32 $0x41010, s8;
	s9 =	smax.u32 s9, $0x1  }
.LBB2_1:
0xc: {  	s18 =	simm.s32 $0x40;
	s19 =	simm.s32 $0x0  }
.LBB2_2:
0xd: {  	p0 =	sne.s32 s18, $0xFC0;
	[tilespmem:s19+$0x4000] =	vst v0;
	s20 =	smov.u32 s18;
	s18 =	sadd.s32 $0x40, s18  }
.Ltmp0:
0xe: {  	[tilespmem:s19+$0x4400] =	vst v0;
	(pc) =	sbr.rel @p0 .LBB2_2-.Ltmp0, $2  }
0xf: {  	_ =	sdelay $0x2  }
0x10: {  	s19 =	sshra.s32 s20, $0x2  }
0x11: {  	[tilespmem:s19+$0x4000] =	vst v0  }
0x12: {  	[tilespmem:s19+$0x4400] =	vst v0;
	s18 =	simm.s32 $0x0;
	s19 =	simm.s32 $0x0  }
0x13: {  	[tilespmem:s18], [sflag:$0x1] =	stream.linear.gather [hbm4b:s4+s18], $0x2000, $0x38;
	[tilespmem:$0x4800] =	vst v63  }
.LBB2_4:
0x14: {  	s20 =	sshll.u32 s19, $0xB;
	_ =	swait.ge [sflag:s10], $0x2000  }
0x15: {  	s29 =	simm.s32 $0x0;
	[sflag:s10] =	ssyncset.done $0x0;
	s21 =	sor.u32 s20, s3  }
0x16: {  	s22 =	sand.u32 $0x3000, s18;
	[sflag:s10] =	ssyncadd.s32 $0xFFFFE000;
	s21 =	sadd.s32 s21, s5  }
0x17: {  	[tilespmem:s11], [sflag:$0x2] =	stream.linear.gather [hbm4b:s21+s18], $0x2000, $0x38;
	[tilespmem:$0x4800] =	vst v63  }
0x18: {  	s23 =	simm.s32 $0x0;
	s22 =	sshrl.u32 s22, $0x2;
	s21 =	sand.u32 $0x1000, s29  }
0x19: {  	s23 =	sand.u32 $0x380, s23;
	s21 =	sor.u32 s22, s21  }
0x1a: {  	s21 =	sor.u32 s23, s21  }
0x1b: {  	v3 =	vld [tilespmem:s21+$0x0];
	_ =	sdelay $0x1  }
0x1c: {  	v4 =	vld [tilespmem:s21+$0x10];
	_ =	sdelay $0x1  }
0x1d: {  	v5 =	vld [tilespmem:s21+$0x20]  }
0x1e: {  	v2 =	vtrunc.f32 v3  }
0x1f: {  	v6 =	vld [tilespmem:s21+$0x30];
	v7 =	vcvt.f32.s32 v2  }
0x20: {  	v2 =	vtrunc.f32 v4  }
0x21: {  	v8 =	vld [tilespmem:s21+$0x40];
	v9 =	vcvt.f32.s32 v2  }
0x22: {  	v11 =	vld [tilespmem:s21+$0x50];
	v10 =	vtrunc.f32 v5  }
0x23: {  	v13 =	vld [tilespmem:s21+$0x60];
	v10 =	vcvt.f32.s32 v10  }
0x24: {  	v12 =	vtrunc.f32 v6;
	v2 =	vld [tilespmem:s21+$0x70]  }
0x25: {  	v12 =	vcvt.f32.s32 v12;
	[tilespmem:v7+s12+$0x0] =	vst.idx.add.f32.msk $0xffff, v1  }
0x26: {  	v14 =	vtrunc.f32 v8;
	[tilespmem:v7+s13+$0x0] =	vst.idx.add.f32.msk $0xffff, v3  }
0x27: {  	v63 =	vcvt.f32.s32 v14;
	[tilespmem:v9+s12+$0x0] =	vst.idx.add.f32.msk $0xffff, v1  }
0x28: {  	v3 =	vtrunc.f32 v11;
	[tilespmem:v9+s13+$0x0] =	vst.idx.add.f32.msk $0xffff, v4  }
0x29: {  	v4 =	vcvt.f32.s32 v3;
	[tilespmem:v10+s12+$0x0] =	vst.idx.add.f32.msk $0xffff, v1  }
0x2a: {  	v3 =	vtrunc.f32 v13;
	[tilespmem:v10+s13+$0x0] =	vst.idx.add.f32.msk $0xffff, v5  }
0x2b: {  	v5 =	vcvt.f32.s32 v3;
	[tilespmem:v12+s12+$0x0] =	vst.idx.add.f32.msk $0xffff, v1  }
0x2c: {  	v3 =	vtrunc.f32 v2;
	[tilespmem:v12+s13+$0x0] =	vst.idx.add.f32.msk $0xffff, v6  }
0x2d: {  	v3 =	vcvt.f32.s32 v3;
	[tilespmem:v63+s12+$0x0] =	vst.idx.add.f32.msk $0xffff, v1  }
0x2e: {  	[tilespmem:v63+s13+$0x0] =	vst.idx.add.f32.msk $0xffff, v8  }
0x2f: {  	[tilespmem:v4+s12+$0x0] =	vst.idx.add.f32.msk $0xffff, v1  }
0x30: {  	s21 =	simm.s32 $0x1000;
	[tilespmem:v4+s13+$0x0] =	vst.idx.add.f32.msk $0xffff, v11  }
0x31: {  	s30 =	simm.s32 $0x80;
	s31 =	sand.u32 $0x3000, s21;
	[tilespmem:v5+s12+$0x0] =	vst.idx.add.f32.msk $0xffff, v1  }
0x32: {  	s25 =	simm.s32 $0x20;
	s24 =	sand.u32 $0x1000, s30;
	s26 =	sshrl.u32 s31, $0x2;
	[tilespmem:v5+s13+$0x0] =	vst.idx.add.f32.msk $0xffff, v13  }
0x33: {  	s22 =	simm.s32 $0x2;
	s23 =	sand.u32 $0x380, s25;
	s24 =	sor.u32 s26, s24;
	[tilespmem:v3+s12+$0x0] =	vst.idx.add.f32.msk $0xffff, v1  }
.LBB2_5:
0x34: {  	p0 =	sne.s32 s22, $0x3F  }
0x35: {  	s24 =	sor.u32 s23, s24;
	[tilespmem:v3+s13+$0x0] =	vst.idx.add.f32.msk $0xffff, v2;
	s23 =	smov.u32 s22;
	s22 =	sadd.s32 $0x1, s22  }
0x36: {  	v3 =	vld [tilespmem:s24+$0x0]  }
0x37: {  	v4 =	vld [tilespmem:s24+$0x30]  }
0x38: {  	v5 =	vld [tilespmem:s24+$0x10];
	_ =	sdelay $0x1  }
0x39: {  	v6 =	vld [tilespmem:s24+$0x20]  }
0x3a: {  	v2 =	vtrunc.f32 v3  }
0x3b: {  	v7 =	vcvt.f32.s32 v2;
	v8 =	vtrunc.f32 v4  }
0x3c: {  	v2 =	vtrunc.f32 v5  }
0x3d: {  	v9 =	vld [tilespmem:s24+$0x40];
	v10 =	vcvt.f32.s32 v2  }
0x3e: {  	v2 =	vld [tilespmem:s24+$0x70];
	v11 =	vtrunc.f32 v6  }
0x3f: {  	v12 =	vld [tilespmem:s24+$0x50];
	v11 =	vcvt.f32.s32 v11  }
0x40: {  	v13 =	vld [tilespmem:s24+$0x60]  }
0x41: {  	v8 =	vcvt.f32.s32 v8;
	[tilespmem:v7+s12+$0x0] =	vst.idx.add.f32.msk $0xffff, v1  }
0x42: {  	v14 =	vtrunc.f32 v9;
	[tilespmem:v7+s13+$0x0] =	vst.idx.add.f32.msk $0xffff, v3  }
0x43: {  	v7 =	vcvt.f32.s32 v14;
	v3 =	vtrunc.f32 v2;
	[tilespmem:v10+s12+$0x0] =	vst.idx.add.f32.msk $0xffff, v1  }
0x44: {  	v14 =	vtrunc.f32 v12;
	[tilespmem:v10+s13+$0x0] =	vst.idx.add.f32.msk $0xffff, v5  }
0x45: {  	v5 =	vcvt.f32.s32 v14;
	v10 =	vtrunc.f32 v13;
	[tilespmem:v11+s12+$0x0] =	vst.idx.add.f32.msk $0xffff, v1  }
0x46: {  	[tilespmem:v11+s13+$0x0] =	vst.idx.add.f32.msk $0xffff, v6  }
0x47: {  	v6 =	vcvt.f32.s32 v10;
	[tilespmem:v8+s12+$0x0] =	vst.idx.add.f32.msk $0xffff, v1  }
0x48: {  	[tilespmem:v8+s13+$0x0] =	vst.idx.add.f32.msk $0xffff, v4  }
0x49: {  	v3 =	vcvt.f32.s32 v3;
	[tilespmem:v7+s12+$0x0] =	vst.idx.add.f32.msk $0xffff, v1  }
0x4a: {  	[tilespmem:v7+s13+$0x0] =	vst.idx.add.f32.msk $0xffff, v9  }
.Ltmp1:
0x4b: {  	[tilespmem:v5+s12+$0x0] =	vst.idx.add.f32.msk $0xffff, v1;
	(pc) =	sbr.rel @p0 .LBB2_5-.Ltmp1, $4  }
0x4c: {  	s21 =	sadd.s32 $0x1000, s21;
	[tilespmem:v5+s13+$0x0] =	vst.idx.add.f32.msk $0xffff, v12  }
0x4d: {  	s25 =	sand.u32 $0x3000, s21;
	s24 =	sshll.u32 s23, $0x7;
	[tilespmem:v6+s12+$0x0] =	vst.idx.add.f32.msk $0xffff, v1  }
0x4e: {  	s25 =	sshrl.u32 s25, $0x2;
	s23 =	sshll.u32 s23, $0x5;
	s24 =	sand.u32 $0x1000, s24;
	[tilespmem:v6+s13+$0x0] =	vst.idx.add.f32.msk $0xffff, v13  }
0x4f: {  	s23 =	sand.u32 $0x380, s23;
	s24 =	sor.u32 s25, s24;
	[tilespmem:v3+s12+$0x0] =	vst.idx.add.f32.msk $0xffff, v1  }
0x50: {  	_ =	sdelay $0x3  }
0x51: {  	s21 =	sor.u32 s23, s24;
	[tilespmem:v3+s13+$0x0] =	vst.idx.add.f32.msk $0xffff, v2  }
0x52: {  	v2 =	vld [tilespmem:s21+$0x0];
	_ =	sdelay $0x1  }
0x53: {  	v3 =	vld [tilespmem:s21+$0x10];
	_ =	sdelay $0x1  }
0x54: {  	v4 =	vld [tilespmem:s21+$0x20]  }
0x55: {  	v5 =	vtrunc.f32 v2  }
0x56: {  	v6 =	vld [tilespmem:s21+$0x30];
	v5 =	vcvt.f32.s32 v5  }
0x57: {  	v7 =	vtrunc.f32 v3  }
0x58: {  	v8 =	vld [tilespmem:s21+$0x40];
	v7 =	vcvt.f32.s32 v7  }
0x59: {  	v9 =	vld [tilespmem:s21+$0x70];
	v10 =	vtrunc.f32 v4  }
0x5a: {  	v11 =	vld [tilespmem:s21+$0x50];
	v10 =	vcvt.f32.s32 v10  }
0x5b: {  	v13 =	vld [tilespmem:s21+$0x60];
	v12 =	vtrunc.f32 v6  }
0x5c: {  	v12 =	vcvt.f32.s32 v12;
	[tilespmem:v5+s12+$0x0] =	vst.idx.add.f32.msk $0xffff, v1  }
0x5d: {  	v14 =	vtrunc.f32 v8;
	[tilespmem:v5+s13+$0x0] =	vst.idx.add.f32.msk $0xffff, v2  }
0x5e: {  	v2 =	vcvt.f32.s32 v14;
	[tilespmem:v7+s12+$0x0] =	vst.idx.add.f32.msk $0xffff, v1  }
0x5f: {  	v5 =	vtrunc.f32 v11;
	[tilespmem:v7+s13+$0x0] =	vst.idx.add.f32.msk $0xffff, v3  }
0x60: {  	v3 =	vcvt.f32.s32 v5;
	[tilespmem:v10+s12+$0x0] =	vst.idx.add.f32.msk $0xffff, v1  }
0x61: {  	v5 =	vtrunc.f32 v13;
	[tilespmem:v10+s13+$0x0] =	vst.idx.add.f32.msk $0xffff, v4  }
0x62: {  	v4 =	vcvt.f32.s32 v5;
	[tilespmem:v12+s12+$0x0] =	vst.idx.add.f32.msk $0xffff, v1  }
0x63: {  	v5 =	vtrunc.f32 v9;
	[tilespmem:v12+s13+$0x0] =	vst.idx.add.f32.msk $0xffff, v6  }
0x64: {  	v5 =	vcvt.f32.s32 v5;
	[tilespmem:v2+s12+$0x0] =	vst.idx.add.f32.msk $0xffff, v1  }
0x65: {  	[tilespmem:v2+s13+$0x0] =	vst.idx.add.f32.msk $0xffff, v8  }
0x66: {  	[tilespmem:v3+s12+$0x0] =	vst.idx.add.f32.msk $0xffff, v1  }
0x67: {  	[tilespmem:v3+s13+$0x0] =	vst.idx.add.f32.msk $0xffff, v11  }
0x68: {  	[tilespmem:v4+s12+$0x0] =	vst.idx.add.f32.msk $0xffff, v1  }
0x69: {  	[tilespmem:v4+s13+$0x0] =	vst.idx.add.f32.msk $0xffff, v13  }
0x6a: {  	[tilespmem:v5+s12+$0x0] =	vst.idx.add.f32.msk $0xffff, v1  }
0x6b: {  	[tilespmem:v5+s13+$0x0] =	vst.idx.add.f32.msk $0xffff, v9  }
0x6c: {  	_ =	swait.ge [sflag:s14], $0x2000  }
0x6d: {  	p0 =	seq.s32 s19, $0x3;
	s25 =	simm.s32 $0x0;
	[sflag:s14] =	ssyncset.done $0x0  }
0x6e: {  	s20 =	sadd.s32 @!p0 s20, s6;
	s21 =	simm.s32 @!p0 $0x0;
	[sflag:s14] =	ssyncadd.s32 $0xFFFFE000  }
0x6f: {  	[tilespmem:s21], [sflag:$0x1] =	stream.linear.gather @!p0 [hbm4b:s20+s21], $0x2000, $0x38;
	[tilespmem:$0x4800] =	vst v63  }
0x70: {  	s26 =	simm.s32 $0x0;
	s20 =	sand.u32 $0x3000, s25  }
0x71: {  	s22 =	simm.s32 $0x0;
	s21 =	sand.u32 $0x1000, s26;
	s20 =	sshrl.u32 s20, $0x2  }
0x72: {  	s22 =	sand.u32 $0x380, s22;
	s20 =	sor.u32 s20, s21  }
0x73: {  	s20 =	sor.u32 s22, s20  }
0x74: {  	v3 =	vld [tilespmem:s20+$0x2000];
	_ =	sdelay $0x1  }
0x75: {  	v4 =	vld [tilespmem:s20+$0x2010];
	_ =	sdelay $0x1  }
0x76: {  	v5 =	vld [tilespmem:s20+$0x2020]  }
0x77: {  	v2 =	vtrunc.f32 v3  }
0x78: {  	v54 =	vld [tilespmem:s20+$0x2030];
	v55 =	vcvt.f32.s32 v2  }
0x79: {  	v2 =	vtrunc.f32 v4  }
0x7a: {  	v56 =	vld [tilespmem:s20+$0x2040];
	v57 =	vcvt.f32.s32 v2  }
0x7b: {  	v59 =	vld [tilespmem:s20+$0x2050];
	v58 =	vtrunc.f32 v5  }
0x7c: {  	v61 =	vld [tilespmem:s20+$0x2060];
	v10 =	vcvt.f32.s32 v58  }
0x7d: {  	v60 =	vtrunc.f32 v54;
	v2 =	vld [tilespmem:s20+$0x2070]  }
0x7e: {  	v12 =	vcvt.f32.s32 v60;
	[tilespmem:v55+s12+$0x0] =	vst.idx.add.f32.msk $0xffff, v1  }
0x7f: {  	v62 =	vtrunc.f32 v56;
	[tilespmem:v55+s13+$0x0] =	vst.idx.add.f32.msk $0xffff, v3  }
0x80: {  	v63 =	vcvt.f32.s32 v62;
	[tilespmem:v57+s12+$0x0] =	vst.idx.add.f32.msk $0xffff, v1  }
0x81: {  	v3 =	vtrunc.f32 v59;
	[tilespmem:v57+s13+$0x0] =	vst.idx.add.f32.msk $0xffff, v4  }
0x82: {  	v4 =	vcvt.f32.s32 v3;
	[tilespmem:v10+s12+$0x0] =	vst.idx.add.f32.msk $0xffff, v1  }
0x83: {  	v3 =	vtrunc.f32 v61;
	[tilespmem:v10+s13+$0x0] =	vst.idx.add.f32.msk $0xffff, v5  }
0x84: {  	v5 =	vcvt.f32.s32 v3;
	[tilespmem:v12+s12+$0x0] =	vst.idx.add.f32.msk $0xffff, v1  }
0x85: {  	v3 =	vtrunc.f32 v2;
	[tilespmem:v12+s13+$0x0] =	vst.idx.add.f32.msk $0xffff, v54  }
0x86: {  	v3 =	vcvt.f32.s32 v3;
	[tilespmem:v63+s12+$0x0] =	vst.idx.add.f32.msk $0xffff, v1  }
0x87: {  	[tilespmem:v63+s13+$0x0] =	vst.idx.add.f32.msk $0xffff, v56  }
0x88: {  	[tilespmem:v4+s12+$0x0] =	vst.idx.add.f32.msk $0xffff, v1  }
0x89: {  	s20 =	simm.s32 $0x1000;
	[tilespmem:v4+s13+$0x0] =	vst.idx.add.f32.msk $0xffff, v59  }
0x8a: {  	s28 =	simm.s32 $0x80;
	s29 =	sand.u32 $0x3000, s20;
	[tilespmem:v5+s12+$0x0] =	vst.idx.add.f32.msk $0xffff, v1  }
0x8b: {  	s31 =	simm.s32 $0x20;
	s30 =	sand.u32 $0x1000, s28;
	s25 =	sshrl.u32 s29, $0x2;
	[tilespmem:v5+s13+$0x0] =	vst.idx.add.f32.msk $0xffff, v61  }
0x8c: {  	s21 =	simm.s32 $0x2;
	s22 =	sand.u32 $0x380, s31;
	s23 =	sor.u32 s25, s30;
	[tilespmem:v3+s12+$0x0] =	vst.idx.add.f32.msk $0xffff, v1  }
.LBB2_7:
0x8d: {  	p0 =	sne.s32 s21, $0x3F  }
0x8e: {  	s23 =	sor.u32 s22, s23;
	[tilespmem:v3+s13+$0x0] =	vst.idx.add.f32.msk $0xffff, v2;
	s22 =	smov.u32 s21;
	s21 =	sadd.s32 $0x1, s21  }
0x8f: {  	v3 =	vld [tilespmem:s23+$0x2000]  }
0x90: {  	v4 =	vld [tilespmem:s23+$0x2030]  }
0x91: {  	v5 =	vld [tilespmem:s23+$0x2010];
	_ =	sdelay $0x1  }
0x92: {  	v6 =	vld [tilespmem:s23+$0x2020]  }
0x93: {  	v2 =	vtrunc.f32 v3  }
0x94: {  	v7 =	vcvt.f32.s32 v2;
	v8 =	vtrunc.f32 v4  }
0x95: {  	v2 =	vtrunc.f32 v5  }
0x96: {  	v9 =	vld [tilespmem:s23+$0x2040];
	v10 =	vcvt.f32.s32 v2  }
0x97: {  	v2 =	vld [tilespmem:s23+$0x2070];
	v11 =	vtrunc.f32 v6  }
0x98: {  	v12 =	vld [tilespmem:s23+$0x2050];
	v11 =	vcvt.f32.s32 v11  }
0x99: {  	v13 =	vld [tilespmem:s23+$0x2060]  }
0x9a: {  	v8 =	vcvt.f32.s32 v8;
	[tilespmem:v7+s12+$0x0] =	vst.idx.add.f32.msk $0xffff, v1  }
0x9b: {  	v14 =	vtrunc.f32 v9;
	[tilespmem:v7+s13+$0x0] =	vst.idx.add.f32.msk $0xffff, v3  }
0x9c: {  	v7 =	vcvt.f32.s32 v14;
	v3 =	vtrunc.f32 v2;
	[tilespmem:v10+s12+$0x0] =	vst.idx.add.f32.msk $0xffff, v1  }
0x9d: {  	v14 =	vtrunc.f32 v12;
	[tilespmem:v10+s13+$0x0] =	vst.idx.add.f32.msk $0xffff, v5  }
0x9e: {  	v5 =	vcvt.f32.s32 v14;
	v10 =	vtrunc.f32 v13;
	[tilespmem:v11+s12+$0x0] =	vst.idx.add.f32.msk $0xffff, v1  }
0x9f: {  	[tilespmem:v11+s13+$0x0] =	vst.idx.add.f32.msk $0xffff, v6  }
0xa0: {  	v6 =	vcvt.f32.s32 v10;
	[tilespmem:v8+s12+$0x0] =	vst.idx.add.f32.msk $0xffff, v1  }
0xa1: {  	[tilespmem:v8+s13+$0x0] =	vst.idx.add.f32.msk $0xffff, v4  }
0xa2: {  	v3 =	vcvt.f32.s32 v3;
	[tilespmem:v7+s12+$0x0] =	vst.idx.add.f32.msk $0xffff, v1  }
0xa3: {  	[tilespmem:v7+s13+$0x0] =	vst.idx.add.f32.msk $0xffff, v9  }
.Ltmp2:
0xa4: {  	[tilespmem:v5+s12+$0x0] =	vst.idx.add.f32.msk $0xffff, v1;
	(pc) =	sbr.rel @p0 .LBB2_7-.Ltmp2, $4  }
0xa5: {  	s20 =	sadd.s32 $0x1000, s20;
	[tilespmem:v5+s13+$0x0] =	vst.idx.add.f32.msk $0xffff, v12  }
0xa6: {  	s24 =	sand.u32 $0x3000, s20;
	s23 =	sshll.u32 s22, $0x7;
	[tilespmem:v6+s12+$0x0] =	vst.idx.add.f32.msk $0xffff, v1  }
0xa7: {  	s24 =	sshrl.u32 s24, $0x2;
	s22 =	sshll.u32 s22, $0x5;
	s23 =	sand.u32 $0x1000, s23;
	[tilespmem:v6+s13+$0x0] =	vst.idx.add.f32.msk $0xffff, v13  }
0xa8: {  	s22 =	sand.u32 $0x380, s22;
	s23 =	sor.u32 s24, s23;
	[tilespmem:v3+s12+$0x0] =	vst.idx.add.f32.msk $0xffff, v1  }
0xa9: {  	_ =	sdelay $0x3  }
0xaa: {  	s20 =	sor.u32 s22, s23;
	[tilespmem:v3+s13+$0x0] =	vst.idx.add.f32.msk $0xffff, v2  }
0xab: {  	v2 =	vld [tilespmem:s20+$0x2000];
	_ =	sdelay $0x1  }
0xac: {  	v3 =	vld [tilespmem:s20+$0x2010];
	_ =	sdelay $0x1  }
0xad: {  	v4 =	vld [tilespmem:s20+$0x2020]  }
0xae: {  	v5 =	vtrunc.f32 v2  }
0xaf: {  	v6 =	vld [tilespmem:s20+$0x2030];
	v5 =	vcvt.f32.s32 v5  }
0xb0: {  	v7 =	vtrunc.f32 v3  }
0xb1: {  	v8 =	vld [tilespmem:s20+$0x2040];
	v7 =	vcvt.f32.s32 v7  }
0xb2: {  	v9 =	vld [tilespmem:s20+$0x2070];
	v10 =	vtrunc.f32 v4  }
0xb3: {  	v11 =	vld [tilespmem:s20+$0x2050];
	v10 =	vcvt.f32.s32 v10  }
0xb4: {  	v13 =	vld [tilespmem:s20+$0x2060];
	v12 =	vtrunc.f32 v6  }
0xb5: {  	v12 =	vcvt.f32.s32 v12;
	[tilespmem:v5+s12+$0x0] =	vst.idx.add.f32.msk $0xffff, v1  }
0xb6: {  	v14 =	vtrunc.f32 v8;
	[tilespmem:v5+s13+$0x0] =	vst.idx.add.f32.msk $0xffff, v2  }
0xb7: {  	v2 =	vcvt.f32.s32 v14;
	[tilespmem:v7+s12+$0x0] =	vst.idx.add.f32.msk $0xffff, v1  }
0xb8: {  	v60 =	vtrunc.f32 v11;
	[tilespmem:v7+s13+$0x0] =	vst.idx.add.f32.msk $0xffff, v3  }
0xb9: {  	v3 =	vcvt.f32.s32 v60;
	[tilespmem:v10+s12+$0x0] =	vst.idx.add.f32.msk $0xffff, v1  }
0xba: {  	v61 =	vtrunc.f32 v13;
	[tilespmem:v10+s13+$0x0] =	vst.idx.add.f32.msk $0xffff, v4  }
0xbb: {  	v62 =	vcvt.f32.s32 v61;
	[tilespmem:v12+s12+$0x0] =	vst.idx.add.f32.msk $0xffff, v1  }
0xbc: {  	v63 =	vtrunc.f32 v9;
	[tilespmem:v12+s13+$0x0] =	vst.idx.add.f32.msk $0xffff, v6  }
0xbd: {  	v5 =	vcvt.f32.s32 v63;
	[tilespmem:v2+s12+$0x0] =	vst.idx.add.f32.msk $0xffff, v1  }
0xbe: {  	s19 =	sadd.s32 $0x1, s19;
	[tilespmem:v2+s13+$0x0] =	vst.idx.add.f32.msk $0xffff, v8  }
0xbf: {  	p0 =	sne.s32 s19, $0x4;
	[tilespmem:v3+s12+$0x0] =	vst.idx.add.f32.msk $0xffff, v1  }
.Ltmp3:
0xc0: {  	[tilespmem:v3+s13+$0x0] =	vst.idx.add.f32.msk $0xffff, v11;
	(pc) =	sbr.rel @p0 .LBB2_4-.Ltmp3, $4  }
0xc1: {  	[tilespmem:v62+s12+$0x0] =	vst.idx.add.f32.msk $0xffff, v1  }
0xc2: {  	[tilespmem:v62+s13+$0x0] =	vst.idx.add.f32.msk $0xffff, v13  }
0xc3: {  	[tilespmem:v5+s12+$0x0] =	vst.idx.add.f32.msk $0xffff, v1  }
0xc4: {  	[tilespmem:v5+s13+$0x0] =	vst.idx.add.f32.msk $0xffff, v9  }
0xc5: {  	[hbm4b:s7+s15] =	stream.strided.scatter [tilespmem:s12], [sflag:$0x3], $0x400, s16, s15, $0x38;
	[tilespmem:$0x4800] =	vst v63  }
0xc6: {  	s2 =	sadd.s32 $0x1, s2;
	_ =	swait.ge [sflag:s17], $0x400  }
0xc7: {  	p0 =	sne.s32 s2, s9;
	[sflag:s17] =	ssyncset.done $0x0  }
.Ltmp4:
0xc8: {  	[sflag:s17] =	ssyncadd.s32 $0xFFFFFC00;
	(pc) =	sbr.rel @p0 .LBB2_1-.Ltmp4, $4  }
0xc9: {  	[hbm4b:s8+s15] =	stream.strided.scatter [tilespmem:s13], [sflag:$0x3], $0x400, s16, s15, $0x38;
	[tilespmem:$0x4800] =	vst v63  }
0xca: {  	_ =	swait.ge [sflag:s17], $0x400  }
0xcb: {  	[sflag:s17] =	ssyncset.done $0x0  }
0xcc: {  	[sflag:s17] =	ssyncadd.s32 $0xFFFFFC00  }
0xcd: {  	_ =	sfence.sel $0x180000  }
0xce: {  	[bflag:$0x0] =	sbarrier.arrive $0xFFFF  }
0xcf: {  	p0 =	sne.s32 s1, $0x0;
	_ =	strace $0x90000047  }
0xd0: {  	s0 =	sadd.s32 @!p0 $0x100000, s0;
	[bflag:$0x2] =	sbarrier.arrive $0xFFFF  }
0xd1: {  	[sflag:s0] =	ssyncadd.tile.s32 @!p0 $0x1;
	_ =	shalt  }
.Lfunc_end2:
_tile_overlayer_lowered:
.L_overlay_start_2:
0xd2: {  	(tag) =	ssettag $0x2  }
0xd3: {  	s0 =	rddreg [dreg:$0x0];
	s2 =	stileid.u32  }
0xd4: {  	s1 =	rddreg [dreg:$0x1];
	p0 =	sne.s32 s2, $0x0  }
0xd5: {  	s3 =	rddreg [dreg:$0x2];
	[bflag:$0x3] =	sbarrier.arrive $0xFFFF;
	s2 =	simm.s32 @!p0 $0x1C03  }
0xd6: {  	[timem:s3], [sflag:s2] =	dma.local @!p0 [hbm:s0], s1  }
0xd7: {  	s0 =	simm.s32 @!p0 $0x3  }
0xd8: {  	_ =	swait.ge @!p0 [sflag:s0], s1  }
0xd9: {  	s1 =	ssub.s32 @!p0 $0x0, s1;
	[sflag:s0] =	ssyncset.done @!p0 $0x0  }
0xda: {  	[sflag:s0] =	ssyncadd.s32 @!p0 s1  }
0xdb: {  	[bflag:$0x3] =	sbarrier.arrive $0xFFFF  }
0xdc: {  	_ =	shalt  }

// kernel: kernel.13.cloned.1.call-start
scs
__scs_entry_jumppad:
0x0: {  	(pc) =	sbr.rel $0x88, $3  }
0x1: {  	(tag) =	ssettag $0x0;
	lr =	simm.s32 $0x1  }
0x2: {  	[smem:$0x3F9F] =	sst lr;
	_ =	strace $0xD0000000  }
0x3: {  	_ = 	snop  }
0x4: {  	_ = 	snop  }
0x5: {  	_ = 	snop  }
0x6: {  	_ = 	snop  }
0x7: {  	_ = 	snop  }
__scs_overlays_trampoline_lowered:
0x8: {  	[smem:$0x3FAE] =	sst s0  }
0x9: {  	[smem:$0x3FAF] =	sst s1  }
0xa: {  	[smem:$0x3FB0] =	sst s2  }
0xb: {  	[smem:$0x3FB1] =	sst s3  }
0xc: {  	[smem:$0x3FB2] =	sst s4  }
0xd: {  	[smem:$0x3FB3] =	sst s5  }
0xe: {  	[smem:$0x3FB4] =	sst s6  }
0xf: {  	[smem:$0x3FB5] =	sst s7  }
0x10: {  	[smem:$0x3FB6] =	sst s8  }
0x11: {  	[smem:$0x3FB7] =	sst s9;
	s0 =	simm.s32 @!p0 $0x0  }
0x12: {  	s1 =	sld [smem:$0x3F9D];
	s0 =	simm.s32 @p0 $0x1  }
0x13: {  	[smem:$0x3FB8] =	sst s0;
	s0 =	simm.s32 @!p1 $0x0  }
0x14: {  	s2 =	sld [smem:$0x3F9C];
	s0 =	simm.s32 @p1 $0x1  }
0x15: {  	[smem:$0x3FB9] =	sst s0;
	s0 =	simm.s32 @!p2 $0x0  }
0x16: {  	s3 =	sld [smem:$0x3FDB];
	s0 =	simm.s32 @p2 $0x1  }
0x17: {  	s4 =	simm.s32 $0x1BF5;
	[smem:$0x3FBB] =	sst s0  }
0x18: {  	s0 =	sld [smem:$0x3F9E];
	_ =	swait.ge [sflag:s4], $0x0  }
0x19: {  	s7 =	sld [smem:$0x3F9F]  }
0x1a: {  	s8 =	sadd.s32 $0xFFFFE003, lr  }
0x1b: {  	s9 =	sadd.s32 $0xFFFFFEF7, lr;
	s5 =	simm.s32 $0xFFFFFFFF;
	p2 =	slt.u32 s8, $0xFFFFF086  }
0x1c: {  	p1 =	slt.u32 s9, $0xF7A;
	s5 =	simm.s32 @!p2 $0x0  }
0x1d: {  	s5 =	simm.s32 @p1 $0x1;
	p0 =	seq.s32 s7, s2  }
0x1e: {  	s7 =	smul.u32 @!p0 $0xF7A, s2;
	p2 =	seq.s32 @!p0 s5, $0x0  }
0x1f: {  	s9 =	smul.u32 $0xF7A, s1;
	s8 =	simm.s32 @!p0 $0x1BF5;
	p2 =	por !p2, p0  }
0x20: {  	[sflag:s8] =	ssyncset.s32 @!p0 $0xFFFFF086;
	s6 =	sadd.s32 @!p0 s3, s7;
	s7 =	simm.s32 @!p0 $0x108  }
0x21: {  	s3 =	sadd.s32 s3, s9;
	s6 =	sadd.s32 @!p0 $0x88, s6;
	s7 =	simm.s32 @p2 $0x1082  }
0x22: {  	[simem:s7], [sflag:s8] =	dma.local @!p0 [hbm:s6], $0xF7A  }
0x23: {  	s9 =	sor.u32 $0xD0000000, s2;
	s6 =	simm.s32 $0x108;
	_ =	swait.ge @!p0 [sflag:s8], $0x0  }
0x24: {  	s3 =	sadd.s32 $0x88, s3;
	s6 =	simm.s32 @!p1 $0x1082;
	[sflag:s4] =	ssyncset.s32 $0xFFFFF086  }
0x25: {  	[simem:s6], [sflag:s4] =	dma.local [hbm:s3], $0xF7A  }
0x26: {  	[smem:$0x3F9F] =	sst s1;
	(tag) =	ssettag s2;
	_ =	strace s9  }
0x27: {  	s1 =	sld [smem:$0x3FAF]  }
0x28: {  	s2 =	sld [smem:$0x3FB0]  }
0x29: {  	s4 =	sld [smem:$0x3FB2]  }
0x2a: {  	p0 =	seq.s32 s5, $0x0;
	s5 =	sld [smem:$0x3FB3]  }
0x2b: {  	s6 =	sld [smem:$0x3FB4]  }
0x2c: {  	s7 =	sld [smem:$0x3FB5]  }
0x2d: {  	s3 =	simm.s32 $0x108;
	s8 =	sld [smem:$0x3FB6]  }
0x2e: {  	s3 =	simm.s32 @!p0 $0x1082;
	s9 =	sld [smem:$0x3FB7]  }
0x2f: {  	lr =	sadd.s32 s0, s3;
	s0 =	sld [smem:$0x3FAE]  }
0x30: {  	s3 =	sld [smem:$0x3FB1]  }
0x31: {  	[smem:$0x3FBA] =	sst s10  }
0x32: {  	s10 =	sld [smem:$0x3FB8];
	_ =	sdelay $0x3  }
0x33: {  	p0 =	seq.s32 s10, $0x1;
	s10 =	sld [smem:$0x3FBA];
	_ =	sdelay $0x3  }
0x34: {  	[smem:$0x3FBA] =	sst s10  }
0x35: {  	s10 =	sld [smem:$0x3FB9];
	_ =	sdelay $0x3  }
0x36: {  	p1 =	seq.s32 s10, $0x1;
	s10 =	sld [smem:$0x3FBA];
	_ =	sdelay $0x3  }
0x37: {  	[smem:$0x3FBA] =	sst s10  }
0x38: {  	s10 =	sld [smem:$0x3FBB]  }
0x39: {  	_ = 	snop;
	(pc) =	sbr.ind lr, $3  }
0x3a: {  	_ = 	snop  }
0x3b: {  	_ = 	snop  }
0x3c: {  	p2 =	seq.s32 s10, $0x1;
	s10 =	sld [smem:$0x3FBA]  }
0x3d: {  	_ =	shalt  }
0x3e: {  	_ =	shalt  }
0x3f: {  	_ =	shalt  }
0x40: {  	_ =	shalt  }
0x41: {  	_ =	shalt  }
0x42: {  	_ =	shalt  }
0x43: {  	_ =	shalt  }
0x44: {  	_ =	shalt  }
0x45: {  	_ =	shalt  }
0x46: {  	_ =	shalt  }
0x47: {  	_ =	shalt  }
0x48: {  	_ =	shalt  }
0x49: {  	_ =	shalt  }
0x4a: {  	_ =	shalt  }
0x4b: {  	_ =	shalt  }
0x4c: {  	_ =	shalt  }
0x4d: {  	_ =	shalt  }
0x4e: {  	_ =	shalt  }
0x4f: {  	_ =	shalt  }
0x50: {  	_ =	shalt  }
0x51: {  	_ =	shalt  }
0x52: {  	_ =	shalt  }
0x53: {  	_ =	shalt  }
0x54: {  	_ =	shalt  }
0x55: {  	_ =	shalt  }
0x56: {  	_ =	shalt  }
0x57: {  	_ =	shalt  }
0x58: {  	_ =	shalt  }
0x59: {  	_ =	shalt  }
0x5a: {  	_ =	shalt  }
0x5b: {  	_ =	shalt  }
0x5c: {  	_ =	shalt  }
0x5d: {  	_ =	shalt  }
0x5e: {  	_ =	shalt  }
0x5f: {  	_ =	shalt  }
0x60: {  	_ =	shalt  }
0x61: {  	_ =	shalt  }
0x62: {  	_ =	shalt  }
0x63: {  	_ =	shalt  }
0x64: {  	_ =	shalt  }
0x65: {  	_ =	shalt  }
0x66: {  	_ =	shalt  }
0x67: {  	_ =	shalt  }
0x68: {  	_ =	shalt  }
0x69: {  	_ =	shalt  }
0x6a: {  	_ =	shalt  }
0x6b: {  	_ =	shalt  }
0x6c: {  	_ =	shalt  }
0x6d: {  	_ =	shalt  }
0x6e: {  	_ =	shalt  }
0x6f: {  	_ =	shalt  }
0x70: {  	_ =	shalt  }
0x71: {  	_ =	shalt  }
0x72: {  	_ =	shalt  }
0x73: {  	_ =	shalt  }
0x74: {  	_ =	shalt  }
0x75: {  	_ =	shalt  }
0x76: {  	_ =	shalt  }
0x77: {  	_ =	shalt  }
0x78: {  	_ =	shalt  }
0x79: {  	_ =	shalt  }
0x7a: {  	_ =	shalt  }
0x7b: {  	_ =	shalt  }
0x7c: {  	_ =	shalt  }
0x7d: {  	_ =	shalt  }
0x7e: {  	_ =	shalt  }
0x7f: {  	_ =	shalt  }
0x80: {  	_ =	shalt  }
0x81: {  	_ =	shalt  }
0x82: {  	_ =	shalt  }
0x83: {  	_ =	shalt  }
0x84: {  	_ =	shalt  }
0x85: {  	_ =	shalt  }
0x86: {  	_ =	shalt  }
0x87: {  	_ =	shalt  }
.Lfunc_end0:
.L_simem_size_0:
called_computation.2_lowered:
.L_overlay_start_0:
0x88: {  	s2 =	sld [smem:$0x3FD9]  }
0x89: {  	s3 =	sld [smem:$0x3FFE];
	_ =	sdelay $0x1  }
0x8a: {  	s1 =	srdreg.scid  }
0x8b: {  	s0 =	sand.u32 $0x1, s1  }
0x8c: {  	s17 =	sshll.u32 s0, $0xA;
	s2 =	sadd.s32 s3, s2  }
0x8d: {  	s2 =	sadd.s32 s2, s17  }
0x8e: {  	[smem:$0x3FC6] =	sst s2  }
0x8f: {  	_ = 	snop  }
0x90: {  	s2 =	sld [smem:$0x3FD0];
	(tm) =	ssettm $0x1  }
0x91: {  	s18 =	sld [smem:$0x3FFB];
	_ =	sdelay $0x3  }
0x92: {  	_ =	strace s18  }
0x93: {  	s3 =	sld [smem:$0x3FFC];
	_ =	sdelay $0x3  }
0x94: {  	_ =	strace s3  }
0x95: {  	s3 =	sld [smem:$0x3FFD];
	_ =	sdelay $0x3  }
0x96: {  	_ =	strace s3  }
0x97: {  	_ =	strace $0x8FFFFFFF  }
0x98: {  	s19 =	sld [smem:$0x3FDB];
	_ =	sdelay $0x1  }
0x99: {  	s4 =	simm.s32 $_scs_section_size  }
0x9a: {  	s5 =	simm.s32 $_size__tile_overlayer_lowered;
	s6 =	simm.s32 $_tile_overlayer_lowered  }
0x9b: {  	s22 =	simm.s32 $0x1BFF;
	s21 =	sshll.u32 s6, $0x1;
	s3 =	sadd.s32 s4, s19  }
0x9c: {  	s7 =	simm.s32 $0x0;
	s20 =	sshll.u32 s5, $0x1;
	s5 =	sadd.s32 s21, s3  }
0x9d: {  	[timem:s7], [sflag:s22] =	dma.local [hbm:s5], s20  }
0x9e: {  	_ =	swait.ge [sflag:s22], s20  }
0x9f: {  	s4 =	ssub.s32 $0x0, s20;
	[sflag:s22] =	ssyncset.done $0x0  }
0xa0: {  	[sflag:s22] =	ssyncadd.s32 s4;
	_ =	sdelay $0x1  }
0xa1: {  	s23 =	simm.s32 $0x1B8B  }
0xa2: {  	_ =	swait.ge [sflag:s23], $0x1  }
0xa3: {  	[sflag:s23] =	ssyncset.done $0x0  }
0xa4: {  	s25 =	simm.s32 $0x1B8E;
	s24 =	sld [smem:$0x3FFE];
	[sflag:s23] =	ssyncadd.s32 $0xFFFFFFFF  }
0xa5: {  	s26 =	simm.s32 $execute0_lowered;
	[smem:$0x3FD2] =	sst s25  }
0xa6: {  	s5 =	sshll.u32 s26, $0x1;
	_ =	strace $0x8000004C;
	[dreg:$0x1] =	wrdreg $0xFFFFFFFF  }
0xa7: {  	s28 =	simm.s32 $_size_execute0_lowered;
	s3 =	sadd.s32 s3, s5;
	[dreg:$0x0] =	wrdreg $0x0  }
0xa8: {  	s5 =	sshll.u32 s28, $0x1;
	[dreg:$0x2] =	wrdreg s3  }
0xa9: {  	[dreg:$0x3] =	wrdreg s5  }
0xaa: {  	[dreg:$0x4] =	wrdreg $0xC0  }
0xab: {  	_ =	task [dreg:s7], $0x5FFFF  }
0xac: {  	[dreg:$0x1] =	wrdreg $0xFFFFFFFF  }
0xad: {  	[dreg:$0x0] =	wrdreg $0x60  }
0xae: {  	[dreg:$0x2] =	wrdreg s24  }
0xaf: {  	[dreg:$0x3] =	wrdreg s2  }
0xb0: {  	[dreg:$0x4] =	wrdreg $0x9  }
0xb1: {  	_ =	task.clear_ibuf [dreg:s7], $0x5FFFF;
	_ =	strace $0x9000004C  }
0xb2: {  	s29 =	simm.s32 $0x9;
	_ =	strace $0x8000004E  }
0xb3: {  	_ =	swait.ge [sflag:s29], $0x1  }
0xb4: {  	[sflag:s29] =	ssyncadd.s32 $0xFFFFFFFF  }
0xb5: {  	_ =	strace $0x9000004E  }
0xb6: {  	_ =	sfence  }
0xb7: {  	s30 =	sld [smem:$0x0];
	_ =	sdelay $0x2  }
0xb8: {  	s31 =	sshll.u32 s1, $0xD;
	s1 =	sshrl.u32 s1, $0x2  }
0xb9: {  	s3 =	sand.u32 $0x4000, s31;
	s1 =	sadd.s32 s1, s30  }
0xba: {  	s0 =	sor.u32 s3, s0;
	s1 =	sshll.u32 s1, $0x11  }
0xbb: {  	s0 =	sor.u32 s1, s0  }
0xbc: {  	s0 =	sadd.s32 $0x8F2B, s0  }
0xbd: {  	[sflag:s0] =	ssyncadd.remote.s32 $0x1  }
0xbe: {  	_ =	sfence.sel $0xFFFF  }
0xbf: {  	[dreg:$0x0] =	wrdreg $0xFFFFFFFF;
	(pc) =	sbr.abs _section_cstart, $3  }
0xc0: {  	[dreg:$0x1] =	wrdreg $0xFFFFFFFF  }
0xc1: {  	_ =	task.clear_ibuf [dreg:s7], $0x2FFFF;
	_ =	strace $0x9FFFFFFF  }
0xc2: {  	(tm) =	ssettm $0x7FFFFFFF  }
0xc3: {  	_ =	shalt  }
tec
execute0_lowered:
.L_overlay_start_1:
0x0: {  	(tag) =	ssettag $0x1  }
0x1: {  	s1 =	srdreg.scid  }
0x2: {  	s4 =	sand.u32 $0x1, s1;
	s1 =	stileid.u32  }
0x3: {  	s5 =	sshll.u32 s1, $0x1;
	s7 =	ssub.s32 $0x0, s4  }
0x4: {  	p0 =	sne.s32 s5, s7  }
.Ltmp0:
0x5: {  	_ = 	snop;
	(pc) =	sbr.rel @p0 .LBB2_9-.Ltmp0, $4  }
0x6: {  	s6 =	rddreg [dreg:$0x0]  }
0x7: {  	s2 =	rddreg [dreg:$0x1];
	s3 =	simm.s32 $0x0  }
0x8: {  	[smem:$0x7FF] =	sst s3  }
0x9: {  	s0 =	rddreg [dreg:$0x2];
	_ =	strace $0x8000004D  }
0xa: {  	s5 =	ssub.s32 $0x2, s4  }
0xb: {  	s4 =	sadd.s32 $0x83000, s6;
	v0 =	vlaneseq.u32;
	s8 =	simm.s32 $0x10000;
	s9 =	simm.s32 $0x1  }
0xc: {  	s10 =	simm.s32 $0x2;
	s11 =	simm.s32 $0x3;
	s7 =	sshrl.u32 s5, $0x1;
	v0 =	vmul.u32 $0xFFFFFFFF, v0  }
0xd: {  	s12 =	simm.s32 $0x18800;
	s13 =	simm.s32 $0x0;
	s7 =	ssub.s32 s5, s7  }
0xe: {  	s5 =	sadd.s32 $0x41000, s6;
	s6 =	sadd.s32 $0x42000, s6;
	s7 =	smax.u32 s7, $0x1;
	v0 =	vadd.s32 $0xF, v0  }
.LBB2_2:
0xf: {  	s15 =	simm.s32 $0x0  }
0x10: {  	[tilespmem:s15], [sflag:$0x1] =	stream.linear.gather [hbm4b:s4+s15], $0x10000, $0x38;
	[tilespmem:$0x18880] =	vst v63  }
0x11: {  	_ = 	snop  }
0x12: {  	[tilespmem:s8], [sflag:$0x2] =	stream.linear.gather [hbm4b:s5+s15], $0x8000, $0x38;
	[tilespmem:$0x18880] =	vst v63  }
0x13: {  	_ =	swait.ge [sflag:s9], $0x10000  }
0x14: {  	[sflag:s9] =	ssyncset.done $0x0  }
0x15: {  	[sflag:s9] =	ssyncadd.s32 $0xFFFF0000  }
0x16: {  	_ =	swait.ge [sflag:s10], $0x8000  }
0x17: {  	s14 =	sand.u32 $0x70, s15;
	s16 =	sand.u32 $0x700, s15;
	[sflag:s10] =	ssyncset.done $0x0  }
0x18: {  	s14 =	sor.u32 s14, s16;
	[sflag:s10] =	ssyncadd.s32 $0xFFFF8000  }
0x19: {  	v1 =	vld [tilespmem:s14+$0x10080]  }
0x1a: {  	v2 =	vld [tilespmem:s14+$0x10880]  }
0x1b: {  	v4 =	vld [tilespmem:s14+$0x11080]  }
0x1c: {  	v6 =	vld [tilespmem:s14+$0x11880]  }
0x1d: {  	v8 =	vld [tilespmem:s14+$0x12080]  }
0x1e: {  	v9 =	vld [tilespmem:s14+$0x12880]  }
0x1f: {  	v12 =	vld [tilespmem:s14+$0x13080]  }
0x20: {  	v15 =	vld [tilespmem:s14+$0x13880]  }
0x21: {  	v16 =	vld [tilespmem:s14+$0x14080]  }
0x22: {  	v17 =	vld [tilespmem:s14+$0x14880]  }
0x23: {  	v18 =	vld [tilespmem:s14+$0x15080]  }
0x24: {  	v20 =	vld [tilespmem:s14+$0x15880]  }
0x25: {  	v21 =	vld [tilespmem:s14+$0x16080]  }
0x26: {  	v22 =	vld [tilespmem:s14+$0x16880]  }
0x27: {  	v23 =	vld [tilespmem:s14+$0x17080]  }
0x28: {  	v26 =	vld [tilespmem:s14+$0x17880]  }
0x29: {  	v27 =	vld [tilespmem:s14+$0x80]  }
0x2a: {  	v28 =	vld [tilespmem:s14+$0x880]  }
0x2b: {  	v29 =	vld [tilespmem:s14+$0x1080]  }
0x2c: {  	v31 =	vld [tilespmem:s14+$0x1880]  }
0x2d: {  	v32 =	vld [tilespmem:s14+$0x2080]  }
0x2e: {  	v33 =	vld [tilespmem:s14+$0x2880]  }
0x2f: {  	v34 =	vld [tilespmem:s14+$0x3080]  }
0x30: {  	v35 =	vld [tilespmem:s14+$0x3880]  }
0x31: {  	v36 =	vld [tilespmem:s14+$0x4080]  }
0x32: {  	v37 =	vld [tilespmem:s14+$0x4880]  }
0x33: {  	v38 =	vld [tilespmem:s14+$0x5080]  }
0x34: {  	v39 =	vld [tilespmem:s14+$0x5880]  }
0x35: {  	v40 =	vld [tilespmem:s14+$0x6080]  }
0x36: {  	v41 =	vld [tilespmem:s14+$0x6880]  }
0x37: {  	v42 =	vld [tilespmem:s14+$0x7080]  }
0x38: {  	v43 =	vld [tilespmem:s14+$0x7880]  }
0x39: {  	v44 =	vld [tilespmem:s14+$0x8080]  }
0x3a: {  	v45 =	vld [tilespmem:s14+$0x8880]  }
0x3b: {  	v46 =	vld [tilespmem:s14+$0x9080]  }
0x3c: {  	v47 =	vld [tilespmem:s14+$0x9880]  }
0x3d: {  	v5 =	vld [tilespmem:s14+$0xA080]  }
0x3e: {  	v7 =	vld [tilespmem:s14+$0xA880]  }
0x3f: {  	v10 =	vld [tilespmem:s14+$0xB080]  }
0x40: {  	v13 =	vld [tilespmem:s14+$0xB880]  }
0x41: {  	v11 =	vld [tilespmem:s14+$0xC080]  }
0x42: {  	v14 =	vld [tilespmem:s14+$0xC880];
	v3 =	vadd.f32 v2, v1;
	v4 =	vadd.f32 v6, v4  }
0x43: {  	v19 =	vld [tilespmem:s14+$0xD080];
	v6 =	vadd.f32 v9, v8;
	v8 =	vadd.f32 v15, v12  }
0x44: {  	v24 =	vld [tilespmem:s14+$0xD880];
	v9 =	vadd.f32 v17, v16;
	v12 =	vadd.f32 v20, v18  }
0x45: {  	v25 =	vld [tilespmem:s14+$0xE080];
	v15 =	vadd.f32 v22, v21;
	v16 =	vadd.f32 v26, v23  }
0x46: {  	v30 =	vld [tilespmem:s14+$0xE880];
	v17 =	vadd.f32 v28, v27;
	v18 =	vadd.f32 v31, v29  }
0x47: {  	v31 =	vld [tilespmem:s14+$0xF080];
	v20 =	vadd.f32 v33, v32;
	v21 =	vadd.f32 v35, v34  }
0x48: {  	v32 =	vld [tilespmem:s14+$0xF880];
	v22 =	vadd.f32 v37, v36;
	v23 =	vadd.f32 v39, v38  }
0x49: {  	v1 =	vld [tilespmem:s14+$0x0];
	v26 =	vadd.f32 v41, v40;
	v27 =	vadd.f32 v43, v42  }
0x4a: {  	s16 =	simm.s32 $0x10;
	v2 =	vld [tilespmem:s14+$0x800];
	v28 =	vadd.f32 v45, v44;
	v29 =	vadd.f32 v47, v46  }
.LBB2_3:
0x4b: {  	p0 =	sne.s32 s16, $0x3F0;
	v33 =	vld [tilespmem:s14+$0x1000];
	v5 =	vadd.f32 v7, v5;
	v7 =	vadd.f32 v13, v10  }
0x4c: {  	v11 =	vadd.f32 v14, v11;
	v13 =	vadd.f32 v24, v19;
	v10 =	vld [tilespmem:s14+$0x1800]  }
0x4d: {  	v19 =	vadd.f32 v30, v25;
	v14 =	vld [tilespmem:s14+$0x2000];
	v24 =	vadd.f32 v32, v31  }
0x4e: {  	v3 =	vadd.f32 v4, v3;
	v4 =	vadd.f32 v8, v6;
	v25 =	vld [tilespmem:s14+$0x2800]  }
0x4f: {  	v8 =	vadd.f32 v12, v9;
	v9 =	vadd.f32 v16, v15;
	v6 =	vld [tilespmem:s14+$0x3000]  }
0x50: {  	v15 =	vadd.f32 v18, v17;
	v16 =	vadd.f32 v21, v20;
	v12 =	vld [tilespmem:s14+$0x3800]  }
0x51: {  	v18 =	vadd.f32 v23, v22;
	v20 =	vadd.f32 v27, v26;
	v17 =	vld [tilespmem:s14+$0x4000]  }
0x52: {  	v22 =	vadd.f32 v29, v28;
	v5 =	vadd.f32 v7, v5;
	v21 =	vld [tilespmem:s14+$0x4800]  }
0x53: {  	v11 =	vadd.f32 v13, v11;
	v13 =	vadd.f32 v24, v19;
	v7 =	vld [tilespmem:s14+$0x5000]  }
0x54: {  	v15 =	vadd.f32 v16, v15;
	v16 =	vadd.f32 v20, v18;
	v19 =	vld [tilespmem:s14+$0x5800]  }
0x55: {  	v5 =	vadd.f32 v5, v22;
	v11 =	vadd.f32 v13, v11;
	v18 =	vld [tilespmem:s14+$0x6000]  }
0x56: {  	v3 =	vadd.f32 v4, v3;
	v4 =	vadd.f32 v9, v8;
	v13 =	vld [tilespmem:s14+$0x6800]  }
0x57: {  	v9 =	vadd.f32 v16, v15;
	v5 =	vadd.f32 v11, v5;
	v8 =	vld [tilespmem:s14+$0x7000]  }
0x58: {  	v1 =	vadd.f32 v2, v1;
	v2 =	vadd.f32 v10, v33;
	v11 =	vld [tilespmem:s14+$0x7800]  }
0x59: {  	v3 =	vadd.f32 v4, v3;
	v4 =	vadd.f32 v5, v9;
	v10 =	vld [tilespmem:s14+$0x8000]  }
0x5a: {  	v9 =	vadd.f32 v25, v14;
	v6 =	vadd.f32 v12, v6;
	v5 =	vld [tilespmem:s14+$0x8800]  }
0x5b: {  	v14 =	vadd.f32 v21, v17;
	v3 =	vadd.f32 v3, v4;
	v12 =	vld [tilespmem:s14+$0x9000]  }
0x5c: {  	v7 =	vadd.f32 v19, v7;
	v13 =	vadd.f32 v13, v18;
	v4 =	vld [tilespmem:s14+$0x9800]  }
0x5d: {  	v1 =	vadd.f32 v2, v1;
	v15 =	vld [tilespmem:s14+$0xA000];
	v8 =	vadd.f32 v11, v8;
	[tilespmem:s14+$0x18080] =	vst v3  }
0x5e: {  	v3 =	vadd.f32 v6, v9;
	v6 =	vadd.f32 v7, v14;
	v2 =	vld [tilespmem:s14+$0xA800]  }
0x5f: {  	v7 =	vld [tilespmem:s14+$0xB000];
	v5 =	vadd.f32 v5, v10;
	v8 =	vadd.f32 v8, v13  }
0x60: {  	v1 =	vadd.f32 v3, v1;
	v9 =	vld [tilespmem:s14+$0xB800]  }
0x61: {  	v3 =	vld [tilespmem:s14+$0xC000];
	v4 =	vadd.f32 v4, v12;
	v6 =	vadd.f32 v8, v6  }
0x62: {  	v8 =	vld [tilespmem:s14+$0xC800]  }
0x63: {  	v10 =	vld [tilespmem:s14+$0xD000];
	v2 =	vadd.f32 v2, v15;
	v4 =	vadd.f32 v4, v5  }
0x64: {  	v1 =	vadd.f32 v6, v1;
	v5 =	vld [tilespmem:s14+$0xD800]  }
0x65: {  	v6 =	vld [tilespmem:s14+$0xE000];
	v7 =	vadd.f32 v9, v7  }
0x66: {  	v9 =	vld [tilespmem:s14+$0xE800]  }
0x67: {  	v11 =	vld [tilespmem:s14+$0xF000];
	v3 =	vadd.f32 v8, v3;
	v2 =	vadd.f32 v7, v2  }
0x68: {  	v7 =	vld [tilespmem:s14+$0xF800]  }
0x69: {  	v8 =	vld [tilespmem:s14+$0x10000];
	v5 =	vadd.f32 v5, v10;
	v2 =	vadd.f32 v2, v4  }
0x6a: {  	v4 =	vld [tilespmem:s14+$0x10800]  }
0x6b: {  	v10 =	vld [tilespmem:s14+$0x11000];
	v6 =	vadd.f32 v9, v6;
	v3 =	vadd.f32 v5, v3  }
0x6c: {  	v5 =	vld [tilespmem:s14+$0x11800]  }
0x6d: {  	v9 =	vld [tilespmem:s14+$0x12000];
	v7 =	vadd.f32 v7, v11  }
0x6e: {  	v11 =	vld [tilespmem:s14+$0x12800]  }
0x6f: {  	v12 =	vld [tilespmem:s14+$0x13000];
	v4 =	vadd.f32 v4, v8;
	v6 =	vadd.f32 v7, v6  }
0x70: {  	v7 =	vld [tilespmem:s14+$0x13800]  }
0x71: {  	v8 =	vld [tilespmem:s14+$0x14000];
	v5 =	vadd.f32 v5, v10;
	v3 =	vadd.f32 v6, v3  }
0x72: {  	v6 =	vld [tilespmem:s14+$0x14800]  }
0x73: {  	v10 =	vld [tilespmem:s14+$0x15000];
	v9 =	vadd.f32 v11, v9;
	v4 =	vadd.f32 v5, v4  }
0x74: {  	v2 =	vadd.f32 v3, v2;
	v5 =	vld [tilespmem:s14+$0x15800]  }
0x75: {  	v3 =	vld [tilespmem:s14+$0x16000];
	v7 =	vadd.f32 v7, v12  }
0x76: {  	s15 =	sadd.s32 $0x20, s15;
	v1 =	vadd.f32 v2, v1;
	v11 =	vld [tilespmem:s14+$0x16800]  }
0x77: {  	s17 =	sand.u32 $0x70, s16;
	s18 =	sand.u32 $0x700, s15;
	v2 =	vld [tilespmem:s14+$0x17000];
	v6 =	vadd.f32 v6, v8;
	v7 =	vadd.f32 v7, v9  }
0x78: {  	s17 =	sor.u32 s17, s18;
	v8 =	vld [tilespmem:s14+$0x17800]  }
0x79: {  	v9 =	vld [tilespmem:s17+$0x10080];
	v5 =	vadd.f32 v5, v10;
	v4 =	vadd.f32 v7, v4  }
0x7a: {  	v12 =	vld [tilespmem:s17+$0x10880]  }
0x7b: {  	v15 =	vld [tilespmem:s17+$0x11080];
	v3 =	vadd.f32 v11, v3;
	v5 =	vadd.f32 v5, v6  }
0x7c: {  	v6 =	vld [tilespmem:s17+$0x11880]  }
0x7d: {  	v16 =	vld [tilespmem:s17+$0x12080];
	v2 =	vadd.f32 v8, v2  }
0x7e: {  	v8 =	vld [tilespmem:s17+$0x12880]  }
0x7f: {  	v17 =	vld [tilespmem:s17+$0x13080];
	v2 =	vadd.f32 v2, v3  }
0x80: {  	v18 =	vld [tilespmem:s17+$0x13880]  }
0x81: {  	v20 =	vld [tilespmem:s17+$0x14080];
	v2 =	vadd.f32 v2, v5  }
0x82: {  	v21 =	vld [tilespmem:s17+$0x14880]  }
0x83: {  	v22 =	vld [tilespmem:s17+$0x15080];
	v2 =	vadd.f32 v2, v4  }
0x84: {  	v23 =	vld [tilespmem:s17+$0x15880]  }
0x85: {  	v26 =	vld [tilespmem:s17+$0x16080];
	v1 =	vadd.f32 v2, v1  }
0x86: {  	v2 =	vld [tilespmem:s17+$0x16880]  }
0x87: {  	v27 =	vld [tilespmem:s17+$0x17080];
	[tilespmem:s14+$0x18000] =	vst v1;
	s14 =	smov.u32 s17  }
0x88: {  	v1 =	vld [tilespmem:s14+$0x17880]  }
0x89: {  	v28 =	vld [tilespmem:s14+$0x80]  }
0x8a: {  	v29 =	vld [tilespmem:s14+$0x880]  }
0x8b: {  	v31 =	vld [tilespmem:s14+$0x1080]  }
0x8c: {  	v32 =	vld [tilespmem:s14+$0x1880]  }
0x8d: {  	v33 =	vld [tilespmem:s14+$0x2080]  }
0x8e: {  	v34 =	vld [tilespmem:s14+$0x2880]  }
0x8f: {  	v35 =	vld [tilespmem:s14+$0x3080]  }
0x90: {  	v36 =	vld [tilespmem:s14+$0x3880]  }
0x91: {  	v37 =	vld [tilespmem:s14+$0x4080]  }
0x92: {  	v38 =	vld [tilespmem:s14+$0x4880]  }
0x93: {  	v39 =	vld [tilespmem:s14+$0x5080]  }
0x94: {  	v40 =	vld [tilespmem:s14+$0x5880]  }
0x95: {  	v41 =	vld [tilespmem:s14+$0x6080]  }
0x96: {  	v42 =	vld [tilespmem:s14+$0x6880]  }
0x97: {  	v43 =	vld [tilespmem:s14+$0x7080]  }
0x98: {  	v44 =	vld [tilespmem:s14+$0x7880]  }
0x99: {  	v45 =	vld [tilespmem:s14+$0x8080]  }
0x9a: {  	v46 =	vld [tilespmem:s14+$0x8880]  }
0x9b: {  	v47 =	vld [tilespmem:s14+$0x9080]  }
0x9c: {  	v48 =	vld [tilespmem:s14+$0x9880]  }
0x9d: {  	v5 =	vld [tilespmem:s14+$0xA080]  }
0x9e: {  	v7 =	vld [tilespmem:s14+$0xA880]  }
0x9f: {  	v10 =	vld [tilespmem:s14+$0xB080]  }
0xa0: {  	v13 =	vld [tilespmem:s14+$0xB880]  }
0xa1: {  	v11 =	vld [tilespmem:s14+$0xC080]  }
0xa2: {  	v3 =	vadd.f32 v12, v9;
	v4 =	vadd.f32 v6, v15;
	v14 =	vld [tilespmem:s14+$0xC880]  }
0xa3: {  	v6 =	vadd.f32 v8, v16;
	v8 =	vadd.f32 v18, v17;
	v19 =	vld [tilespmem:s14+$0xD080]  }
0xa4: {  	v9 =	vadd.f32 v21, v20;
	v12 =	vadd.f32 v23, v22;
	v24 =	vld [tilespmem:s14+$0xD880]  }
0xa5: {  	v15 =	vadd.f32 v2, v26;
	v16 =	vadd.f32 v1, v27;
	v25 =	vld [tilespmem:s14+$0xE080]  }
.Ltmp1:
0xa6: {  	v17 =	vadd.f32 v29, v28;
	v18 =	vadd.f32 v32, v31;
	v30 =	vld [tilespmem:s14+$0xE880];
	(pc) =	sbr.rel @p0 .LBB2_3-.Ltmp1, $4  }
0xa7: {  	v20 =	vadd.f32 v34, v33;
	v21 =	vadd.f32 v36, v35;
	v31 =	vld [tilespmem:s14+$0xF080]  }
0xa8: {  	v22 =	vadd.f32 v38, v37;
	v23 =	vadd.f32 v40, v39;
	v32 =	vld [tilespmem:s14+$0xF880]  }
0xa9: {  	v26 =	vadd.f32 v42, v41;
	v27 =	vadd.f32 v44, v43;
	v1 =	vld [tilespmem:s14+$0x0]  }
0xaa: {  	s16 =	sadd.s32 $0x10, s16;
	v28 =	vadd.f32 v46, v45;
	v29 =	vadd.f32 v48, v47;
	v2 =	vld [tilespmem:s14+$0x800]  }
0xab: {  	v33 =	vld [tilespmem:s14+$0x1000]  }
0xac: {  	v5 =	vadd.f32 v7, v5;
	v7 =	vadd.f32 v13, v10;
	v10 =	vld [tilespmem:s14+$0x1800]  }
0xad: {  	v11 =	vadd.f32 v14, v11;
	v14 =	vld [tilespmem:s14+$0x2000]  }
0xae: {  	v51 =	vld [tilespmem:s14+$0x2800]  }
0xaf: {  	v3 =	vadd.f32 v4, v3;
	v4 =	vadd.f32 v8, v6;
	v6 =	vld [tilespmem:s14+$0x3000]  }
0xb0: {  	v8 =	vadd.f32 v12, v9;
	v12 =	vld [tilespmem:s14+$0x3800]  }
0xb1: {  	v9 =	vadd.f32 v16, v15;
	v15 =	vadd.f32 v18, v17;
	v17 =	vld [tilespmem:s14+$0x4000]  }
0xb2: {  	v16 =	vadd.f32 v21, v20;
	v21 =	vld [tilespmem:s14+$0x4800]  }
0xb3: {  	v18 =	vadd.f32 v23, v22;
	v23 =	vld [tilespmem:s14+$0xC000]  }
0xb4: {  	v52 =	vld [tilespmem:s14+$0xC800]  }
0xb5: {  	v53 =	vld [tilespmem:s14+$0xD000]  }
0xb6: {  	v54 =	vld [tilespmem:s14+$0xD800]  }
0xb7: {  	v55 =	vld [tilespmem:s14+$0xE000]  }
0xb8: {  	v56 =	vld [tilespmem:s14+$0xE800]  }
0xb9: {  	v57 =	vld [tilespmem:s14+$0xF000]  }
0xba: {  	v58 =	vld [tilespmem:s14+$0xF800]  }
0xbb: {  	v59 =	vld [tilespmem:s14+$0x10000]  }
0xbc: {  	v13 =	vadd.f32 v24, v19;
	v34 =	vld [tilespmem:s14+$0x10800]  }
0xbd: {  	v19 =	vadd.f32 v30, v25;
	v20 =	vadd.f32 v27, v26;
	v35 =	vld [tilespmem:s14+$0x11000]  }
0xbe: {  	v50 =	vadd.f32 v32, v31;
	v5 =	vadd.f32 v7, v5;
	v7 =	vld [tilespmem:s14+$0x5000]  }
0xbf: {  	v15 =	vadd.f32 v16, v15;
	v16 =	vadd.f32 v20, v18;
	v18 =	vld [tilespmem:s14+$0x6000]  }
0xc0: {  	v3 =	vadd.f32 v4, v3;
	v4 =	vadd.f32 v9, v8;
	v8 =	vld [tilespmem:s14+$0x7000]  }
0xc1: {  	v20 =	vld [tilespmem:s14+$0xB000]  }
0xc2: {  	v11 =	vadd.f32 v13, v11;
	v13 =	vadd.f32 v50, v19;
	v19 =	vld [tilespmem:s14+$0x5800]  }
0xc3: {  	v22 =	vadd.f32 v29, v28;
	v9 =	vadd.f32 v16, v15;
	v15 =	vld [tilespmem:s14+$0x8000]  }
0xc4: {  	v16 =	vld [tilespmem:s14+$0xA000]  }
0xc5: {  	v5 =	vadd.f32 v5, v22;
	v22 =	vld [tilespmem:s14+$0xB800]  }
0xc6: {  	v1 =	vadd.f32 v2, v1;
	v2 =	vadd.f32 v10, v33;
	v10 =	vld [tilespmem:s14+$0x11800]  }
0xc7: {  	v6 =	vadd.f32 v12, v6;
	v12 =	vld [tilespmem:s14+$0x12000]  }
0xc8: {  	v14 =	vadd.f32 v51, v14;
	v17 =	vadd.f32 v21, v17;
	v21 =	vld [tilespmem:s14+$0x16800]  }
0xc9: {  	v11 =	vadd.f32 v13, v11;
	v13 =	vld [tilespmem:s14+$0x6800]  }
0xca: {  	v1 =	vadd.f32 v2, v1;
	v2 =	vadd.f32 v6, v14;
	v6 =	vld [tilespmem:s14+$0x13800]  }
0xcb: {  	v14 =	vld [tilespmem:s14+$0x15800];
	v5 =	vadd.f32 v11, v5  }
0xcc: {  	v11 =	vld [tilespmem:s14+$0x7800]  }
0xcd: {  	v3 =	vadd.f32 v4, v3;
	v4 =	vadd.f32 v5, v9;
	v5 =	vld [tilespmem:s14+$0x8800]  }
0xce: {  	v9 =	vld [tilespmem:s14+$0x9000]  }
0xcf: {  	v7 =	vadd.f32 v19, v7;
	v3 =	vadd.f32 v3, v4;
	v4 =	vld [tilespmem:s14+$0x9800]  }
0xd0: {  	v19 =	vld [tilespmem:s14+$0x12800];
	v1 =	vadd.f32 v2, v1;
	v10 =	vadd.f32 v10, v35  }
0xd1: {  	v13 =	vadd.f32 v13, v18;
	v8 =	vadd.f32 v11, v8;
	[tilespmem:s14+$0x18080] =	vst v3;
	v3 =	vld [tilespmem:s14+$0xA800]  }
0xd2: {  	v2 =	vld [tilespmem:s14+$0x14800];
	v7 =	vadd.f32 v7, v17;
	v18 =	vadd.f32 v56, v55  }
0xd3: {  	v17 =	vld [tilespmem:s14+$0x16000];
	v8 =	vadd.f32 v8, v13;
	v5 =	vadd.f32 v5, v15  }
0xd4: {  	v11 =	vld [tilespmem:s14+$0x13000];
	v15 =	vadd.f32 v52, v23;
	v4 =	vadd.f32 v4, v9  }
0xd5: {  	v13 =	vld [tilespmem:s14+$0x14000];
	v7 =	vadd.f32 v8, v7;
	v9 =	vadd.f32 v22, v20  }
0xd6: {  	v8 =	vld [tilespmem:s14+$0x15000];
	v3 =	vadd.f32 v3, v16;
	v16 =	vadd.f32 v54, v53  }
0xd7: {  	v12 =	vadd.f32 v19, v12;
	v4 =	vadd.f32 v4, v5;
	v5 =	vld [tilespmem:s14+$0x17000]  }
0xd8: {  	v3 =	vadd.f32 v9, v3;
	v9 =	vadd.f32 v16, v15;
	v16 =	vld [tilespmem:s14+$0x17800]  }
0xd9: {  	v20 =	vadd.f32 v58, v57;
	v6 =	vadd.f32 v6, v11  }
0xda: {  	v11 =	vadd.f32 v21, v17;
	v2 =	vadd.f32 v2, v13  }
0xdb: {  	v6 =	vadd.f32 v6, v12;
	v15 =	vadd.f32 v20, v18  }
0xdc: {  	v8 =	vadd.f32 v14, v8;
	v3 =	vadd.f32 v3, v4  }
0xdd: {  	v4 =	vadd.f32 v34, v59;
	v5 =	vadd.f32 v16, v5  }
0xde: {  	v9 =	vadd.f32 v15, v9;
	v2 =	vadd.f32 v8, v2  }
0xdf: {  	v4 =	vadd.f32 v10, v4;
	v5 =	vadd.f32 v5, v11  }
0xe0: {  	v1 =	vadd.f32 v7, v1;
	v3 =	vadd.f32 v9, v3  }
0xe1: {  	v4 =	vadd.f32 v6, v4;
	v2 =	vadd.f32 v5, v2;
	_ =	sdelay $0x1  }
0xe2: {  	v1 =	vadd.f32 v3, v1;
	v2 =	vadd.f32 v2, v4;
	_ =	sdelay $0x1  }
0xe3: {  	v1 =	vadd.f32 v2, v1;
	_ =	sdelay $0x1  }
0xe4: {  	s31 =	simm.s32 $0x0;
	[tilespmem:s14+$0x18000] =	vst v1  }
0xe5: {  	[tilespmem:s8], [sflag:$0x3] =	stream.linear.gather [hbm4b:s6+s31], $0x8000, $0x38;
	[tilespmem:$0x18880] =	vst v63  }
0xe6: {  	_ =	swait.ge [sflag:s11], $0x8000  }
0xe7: {  	s15 =	sand.u32 $0x70, s31;
	s14 =	sand.u32 $0x700, s31;
	[sflag:s11] =	ssyncset.done $0x0  }
0xe8: {  	s14 =	sor.u32 s15, s14;
	[sflag:s11] =	ssyncadd.s32 $0xFFFF8000  }
0xe9: {  	v1 =	vld [tilespmem:s14+$0x17880]  }
0xea: {  	v2 =	vld [tilespmem:s14+$0x17080]  }
0xeb: {  	v11 =	vld [tilespmem:s14+$0x17000]  }
0xec: {  	v3 =	vld [tilespmem:s14+$0x16880]  }
0xed: {  	v7 =	vld [tilespmem:s14+$0x16080]  }
0xee: {  	v8 =	vld [tilespmem:s14+$0x15880]  }
0xef: {  	v13 =	vld [tilespmem:s14+$0x15080]  }
0xf0: {  	v14 =	vld [tilespmem:s14+$0x14880]  }
0xf1: {  	v15 =	vld [tilespmem:s14+$0x14080]  }
0xf2: {  	v17 =	vld [tilespmem:s14+$0x13880]  }
0xf3: {  	v18 =	vld [tilespmem:s14+$0x13080]  }
0xf4: {  	v19 =	vld [tilespmem:s14+$0x12880]  }
0xf5: {  	v20 =	vld [tilespmem:s14+$0x12080]  }
0xf6: {  	v21 =	vld [tilespmem:s14+$0x11880]  }
0xf7: {  	v22 =	vld [tilespmem:s14+$0x11080]  }
0xf8: {  	v6 =	vld [tilespmem:s14+$0x10080]  }
0xf9: {  	v5 =	vld [tilespmem:s14+$0x10800]  }
0xfa: {  	v4 =	vld [tilespmem:s14+$0x16800]  }
0xfb: {  	v23 =	vld [tilespmem:s14+$0x11800]  }
0xfc: {  	v60 =	vld [tilespmem:s14+$0x13800]  }
0xfd: {  	v10 =	vld [tilespmem:s14+$0x12800]  }
0xfe: {  	v12 =	vld [tilespmem:s14+$0x14800]  }
0xff: {  	v9 =	vld [tilespmem:s14+$0x15800]  }
0x100: {  	v61 =	vld [tilespmem:s14+$0x17800]  }
0x101: {  	v62 =	vld [tilespmem:s14+$0x13000]  }
0x102: {  	v63 =	vld [tilespmem:s14+$0x11000]  }
0x103: {  	v16 =	vld [tilespmem:s14+$0x14000];
	v1 =	vadd.f32 v1, v2;
	v2 =	vadd.f32 v3, v7  }
0x104: {  	v3 =	vadd.f32 v8, v13;
	v7 =	vadd.f32 v14, v15;
	v14 =	vld [tilespmem:s14+$0x12000]  }
0x105: {  	v13 =	vadd.f32 v17, v18;
	v15 =	vadd.f32 v19, v20;
	v17 =	vld [tilespmem:s14+$0x10880]  }
0x106: {  	v8 =	vadd.f32 v21, v22;
	v18 =	vld [tilespmem:s14+$0x15000];
	v11 =	vadd.f32 v61, v11  }
0x107: {  	v19 =	vld [tilespmem:s14+$0x10000];
	v3 =	vadd.f32 v3, v7;
	v7 =	vadd.f32 v13, v15  }
0x108: {  	s17 =	simm.s32 $0x10;
	s15 =	simm.s32 $0x20;
	v20 =	vld [tilespmem:s14+$0x16000];
	v15 =	vadd.f32 v60, v62;
	v13 =	vadd.f32 v23, v63  }
.LBB2_5:
0x109: {  	s16 =	smov.u32 s17  }
0x10a: {  	s18 =	sand.u32 $0x70, s17;
	s19 =	sand.u32 $0x700, s15;
	v12 =	vadd.f32 v12, v16;
	v16 =	vld [tilespmem:s14+$0x18000];
	s16 =	sadd.s32 $0x10, s17  }
0x10b: {  	p0 =	sne.s32 s17, $0x3F0;
	v10 =	vadd.f32 v10, v14;
	s18 =	sor.u32 s18, s19;
	v6 =	vadd.f32 v17, v6;
	v14 =	vld [tilespmem:s14+$0x18080]  }
0x10c: {  	v1 =	vadd.f32 v1, v2;
	v9 =	vadd.f32 v9, v18;
	v17 =	vld [tilespmem:s18+$0x17880]  }
0x10d: {  	v10 =	vadd.f32 v15, v10;
	v5 =	vadd.f32 v5, v19;
	v2 =	vld [tilespmem:s18+$0x17080]  }
0x10e: {  	v4 =	vadd.f32 v4, v20;
	v9 =	vadd.f32 v9, v12;
	v15 =	vld [tilespmem:s18+$0x17000]  }
0x10f: {  	v6 =	vadd.f32 v8, v6;
	v5 =	vadd.f32 v13, v5;
	v12 =	vld [tilespmem:s18+$0x16880]  }
0x110: {  	v3 =	vadd.f32 v1, v3;
	v4 =	vadd.f32 v11, v4;
	v8 =	vld [tilespmem:s18+$0x16080]  }
0x111: {  	v6 =	vadd.f32 v7, v6;
	v5 =	vadd.f32 v10, v5;
	v11 =	vld [tilespmem:s18+$0x15880]  }
0x112: {  	v7 =	vld [tilespmem:s18+$0x15080];
	v1 =	vadd.f32 v17, v2;
	v2 =	vadd.f32 v4, v9  }
0x113: {  	v3 =	vadd.f32 v3, v6;
	v4 =	vld [tilespmem:s18+$0x14880]  }
0x114: {  	v6 =	vld [tilespmem:s18+$0x14080];
	v5 =	vadd.f32 v2, v5  }
0x115: {  	v3 =	vadd.f32 v3, v14;
	v9 =	vld [tilespmem:s18+$0x13880];
	v2 =	vadd.f32 v12, v8  }
0x116: {  	v8 =	vld [tilespmem:s18+$0x13080];
	v5 =	vadd.f32 v5, v16  }
0x117: {  	v10 =	vld [tilespmem:s18+$0x12880];
	v7 =	vadd.f32 v11, v7;
	[tilespmem:s14+$0x18080] =	vst v3  }
0x118: {  	v11 =	vld [tilespmem:s18+$0x12080];
	[tilespmem:s14+$0x18000] =	vst v5;
	s14 =	smov.u32 s18  }
0x119: {  	v12 =	vld [tilespmem:s14+$0x11880];
	v3 =	vadd.f32 v4, v6  }
0x11a: {  	v13 =	vld [tilespmem:s14+$0x11080]  }
0x11b: {  	v6 =	vld [tilespmem:s14+$0x10080];
	v14 =	vadd.f32 v9, v8;
	v3 =	vadd.f32 v7, v3  }
0x11c: {  	v5 =	vld [tilespmem:s14+$0x10800]  }
0x11d: {  	v4 =	vld [tilespmem:s14+$0x16800];
	v7 =	vadd.f32 v10, v11  }
0x11e: {  	v20 =	vld [tilespmem:s14+$0x11800]  }
0x11f: {  	v19 =	vld [tilespmem:s14+$0x13800];
	v8 =	vadd.f32 v12, v13  }
0x120: {  	v10 =	vld [tilespmem:s14+$0x12800]  }
0x121: {  	v12 =	vld [tilespmem:s14+$0x14800]  }
0x122: {  	v9 =	vld [tilespmem:s14+$0x15800]  }
0x123: {  	v11 =	vld [tilespmem:s14+$0x17800]  }
0x124: {  	v7 =	vadd.f32 v14, v7;
	v13 =	vld [tilespmem:s14+$0x13000]  }
0x125: {  	v21 =	vld [tilespmem:s14+$0x11000]  }
0x126: {  	v16 =	vld [tilespmem:s14+$0x14000]  }
.Ltmp2:
0x127: {  	v14 =	vld [tilespmem:s14+$0x12000];
	(pc) =	sbr.rel @p0 .LBB2_5-.Ltmp2, $4  }
0x128: {  	v11 =	vadd.f32 v11, v15;
	v17 =	vld [tilespmem:s14+$0x10880]  }
0x129: {  	v18 =	vld [tilespmem:s14+$0x15000];
	v15 =	vadd.f32 v19, v13  }
0x12a: {  	v19 =	vld [tilespmem:s14+$0x10000];
	v13 =	vadd.f32 v20, v21  }
0x12b: {  	s15 =	sadd.s32 $0x20, s15;
	s17 =	smov.u32 s16;
	v20 =	vld [tilespmem:s14+$0x16000]  }
0x12c: {  	_ = 	snop  }
0x12d: {  	v12 =	vadd.f32 v12, v16;
	v10 =	vadd.f32 v10, v14  }
0x12e: {  	v1 =	vadd.f32 v1, v2;
	v6 =	vadd.f32 v17, v6  }
0x12f: {  	v9 =	vadd.f32 v9, v18;
	v2 =	vadd.f32 v5, v19  }
0x130: {  	v5 =	vadd.f32 v15, v10;
	v4 =	vadd.f32 v4, v20  }
0x131: {  	v6 =	vadd.f32 v8, v6;
	v9 =	vadd.f32 v9, v12  }
0x132: {  	v8 =	vld [tilespmem:s14+$0x18080];
	v2 =	vadd.f32 v13, v2;
	v4 =	vadd.f32 v11, v4  }
0x133: {  	v1 =	vadd.f32 v1, v3;
	v10 =	vld [tilespmem:s14+$0x18000];
	v3 =	vadd.f32 v7, v6  }
0x134: {  	v2 =	vadd.f32 v5, v2;
	v4 =	vadd.f32 v4, v9  }
0x135: {  	v1 =	vadd.f32 v1, v3  }
0x136: {  	v2 =	vadd.f32 v4, v2  }
0x137: {  	v1 =	vadd.f32 v1, v8  }
0x138: {  	s15 =	simm.s32 $0x3F0;
	s16 =	simm.s32 $0x7E0;
	v2 =	vadd.f32 v2, v10  }
0x139: {  	s15 =	sand.u32 $0x70, s15;
	s16 =	sand.u32 $0x700, s16;
	[tilespmem:s14+$0x18080] =	vst v1  }
0x13a: {  	s15 =	sor.u32 s15, s16;
	[tilespmem:s14+$0x18000] =	vst v2  }
0x13b: {  	v3 =	vld [tilespmem:s15+$0x18000];
	_ =	sdelay $0x4  }
0x13c: {  	s22 =	simm.s32 $0x3E0;
	s23 =	simm.s32 $0x7C0;
	(xrf2) =	vadd.scan.msk.f32 $0xffff, v3  }
0x13d: {  	s16 =	sand.u32 $0x700, s23;
	s14 =	sand.u32 $0x70, s22  }
0x13e: {  	s17 =	sor.u32 s14, s16  }
0x13f: {  	v5 =	vld [tilespmem:s17+$0x18000];
	v1 =	vperm.xlane v3, v0;
	_ =	sdelay $0x1  }
0x140: {  	(xrf2) =	vadd.scan.msk.f32 $0xffff, v1;
	_ =	sdelay $0x2  }
0x141: {  	(xrf2) =	vadd.scan.msk.f32 $0xffff, v5;
	_ =	sdelay $0x1  }
0x142: {  	v1, _, _ =	vpop (xrf2)  }
0x143: {  	s24 =	simm.s32 $0x3D0;
	s25 =	simm.s32 $0x7A0;
	(v2sf) =	vpush v1, $0xF;
	v1 =	vperm.xlane v5, v0  }
0x144: {  	s14 =	sand.u32 $0x70, s24;
	s16 =	sand.u32 $0x700, s25  }
0x145: {  	s16 =	sor.u32 s14, s16;
	(xrf2) =	vadd.scan.msk.f32 $0xffff, v1  }
0x146: {  	v2 =	vld [tilespmem:s16+$0x18000]  }
0x147: {  	s26 =	simm.s32 $0x3C0;
	s19 =	simm.s32 $0x780;
	v4 =	vmax.f32 v3, $1.000000000e+00;
	v1, _, _ =	vpop (xrf2)  }
0x148: {  	s19 =	sand.u32 $0x700, s19;
	s14 =	sand.u32 $0x70, s26;
	v1 =	vperm.xlane v1, v0  }
0x149: {  	s18 =	simm.f32 $0.0e+00;
	s14 =	sor.u32 s14, s19;
	(erf) = vrcp.f32 v4  }
0x14a: {  	v4, _, _ =	vpop (xrf2);
	v7 =	vadd.f32 s18, v1;
	v1 =	vld [tilespmem:s14+$0x18000]  }
0x14b: {  	(v2sf) =	vpush v4, $0xF;
	v4 =	vperm.xlane v2, v0  }
0x14c: {  	(xrf2) =	vadd.scan.msk.f32 $0xffff, v2;
	_ =	sdelay $0x1  }
0x14d: {  	(xrf2) =	vadd.scan.msk.f32 $0xffff, v4  }
0x14e: {  	v6 =	vmax.f32 v5, $1.000000000e+00;
	v3 =	vsub.f32 v7, v3;
	v4, _, _ =	vpop (xrf2);
	(xrf2) =	vadd.scan.msk.f32 $0xffff, v1;
	_ =	sdelay $0x1  }
0x14f: {  	v11 =	vsub.f32 $3.355443000e+06, v3  }
0x150: {  	v12 =	vld [tilespmem:s15+$0x18080];
	(erf) = vrcp.f32 v6;
	v6 =	vpop (erf)  }
0x151: {  	v8 =	vmul.f32 v11, v6;
	s28 =	spop (v2sf)  }
0x152: {  	v13 =	vmax.f32 v2, $1.000000000e+00;
	v9 =	vperm.xlane v4, v0;
	s18 =	sadd.f32 s28, s18  }
0x153: {  	s29 =	simm.s32 $0x3B0;
	s30 =	simm.s32 $0x760;
	(erf) = vrcp.f32 v13;
	v8 =	vsub.f32 $1.000000000e+00, v8  }
0x154: {  	s15 =	sand.u32 $0x70, s29;
	s19 =	sand.u32 $0x700, s30;
	vm1 =	vlt.f32 v3, $3.355443000e+06;
	v14 =	vperm.xlane v1, v0;
	v3, _, _ =	vpop (xrf2);
	v9 =	vadd.f32 s18, v9  }
0x155: {  	s15 =	sor.u32 s15, s19;
	v6 =	vmul.f32 v6, v12;
	(v2sf) =	vpush v3, $0xF;
	v10 =	vmul.f32 $5.000000000e-01, v8  }
0x156: {  	vm0 =	vle.f32 v7, $3.355443000e+06;
	vm4 =	vgt.f32 v7, $3.355443000e+06;
	(xrf2) =	vadd.scan.msk.f32 $0xffff, v14;
	v3 =	vld [tilespmem:s15+$0x18000];
	v7, _, _ =	vpop (xrf2);
	v5 =	vsub.f32 v9, v5  }
0x157: {  	vm2 =	vmmov vm0;
	vm3 =	vmmov vm1;
	v15 =	vadd.f32 v10, v6;
	v63, _, _ =	vpop (xrf2)  }
0x158: {  	v4 =	vimm.f32 $0.0e+00;
	v10 =	vld [tilespmem:s17+$0x18080];
	s31 =	spop (v2sf);
	v6 =	vsub.f32 $3.355443000e+06, v5;
	(v2sf) =	vpush v63, $0xF  }
0x159: {  	v62 =	vpop (erf);
	vm3 =	vmand vm4, vm3;
	v12 =	vnsel vm2, $0x0, v12;
	v8 =	vmax.f32 v1, $1.000000000e+00  }
0x15a: {  	vm1 =	vlt.f32 v5, $3.355443000e+06;
	v5 =	vmul.f32 v15, v11;
	v13 =	vmul.f32 v6, v62  }
0x15b: {  	vm0 =	vle.f32 v9, $3.355443000e+06;
	v11 =	vperm.xlane v3, v0;
	v15 =	vperm.xlane v7, v0;
	s17 =	sadd.f32 s31, s18  }
0x15c: {  	s20 =	simm.s32 $0x3A0;
	(xrf2) =	vadd.scan.msk.f32 $0xffff, v3;
	v7 =	vmax.f32 v3, $1.000000000e+00;
	s18 =	simm.s32 $0x740;
	v5 =	vnsel vm3, $0x0, v5;
	v14 =	vsub.f32 $1.000000000e+00, v13  }
0x15d: {  	s20 =	sand.u32 $0x70, s20;
	s19 =	simm.s32 $0x390;
	s21 =	sand.u32 $0x700, s18;
	v13 =	vadd.f32 v5, v12;
	v5 =	vadd.f32 s17, v15;
	v12 =	vmul.f32 v62, v10  }
.LBB2_7:
0x15e: {  	p0 =	sne.s32 s19, $0x0;
	(xrf2) =	vadd.scan.msk.f32 $0xffff, v11;
	v11 =	vmul.f32 $5.000000000e-01, v14  }
0x15f: {  	s20 =	sor.u32 s20, s21;
	v4 =	vadd.f32 v13, v4;
	vm2 =	vmmov vm0;
	vm3 =	vmmov vm1;
	s21 =	smov.u32 s19;
	s19 =	sadd.s32 $0xFFFFFFF0, s19  }
0x160: {  	v13 =	vld [tilespmem:s20+$0x18000];
	v14, _, _ =	vpop (xrf2);
	v15 =	vsub.f32 v5, v2;
	vm0 =	vle.f32 v5, $3.355443000e+06;
	v2 =	vmov v1  }
0x161: {  	v1 =	vmov v3;
	v11 =	vadd.f32 v11, v12  }
0x162: {  	v16 =	vld [tilespmem:s16+$0x18080];
	vm1 =	vlt.f32 v15, $3.355443000e+06;
	v18 =	vsub.f32 $3.355443000e+06, v15;
	s16 =	smov.u32 s14;
	s14 =	smov.u32 s15;
	s15 =	smov.u32 s20  }
.Ltmp3:
0x163: {  	vm4 =	vgt.f32 v9, $3.355443000e+06;
	(erf) = vrcp.f32 v8;
	v12 =	vpop (erf);
	v9 =	vmul.f32 v11, v6;
	(pc) =	sbr.rel @p0 .LBB2_7-.Ltmp3, $4  }
0x164: {  	vm3 =	vmand vm4, vm3;
	v10 =	vnsel vm2, $0x0, v10;
	v8 =	vmovc v7;
	v15 =	vmul.f32 v18, v12;
	s20 =	spop (v2sf);
	v6 =	vmovc v18  }
0x165: {  	v17 =	vperm.xlane v14, v0;
	v11 =	vperm.xlane v13, v0;
	(xrf2) =	vadd.scan.msk.f32 $0xffff, v13;
	s17 =	sadd.f32 s20, s17;
	v19 =	vnsel vm3, $0x0, v9;
	v3 =	vmovc v13  }
0x166: {  	s18 =	sadd.s32 $0xFFFFFFE0, s18;
	v7 =	vmax.f32 v3, $1.000000000e+00;
	v18, _, _ =	vpop (xrf2);
	v14 =	vsub.f32 $1.000000000e+00, v15;
	v13 =	vadd.f32 v19, v10  }
0x167: {  	s20 =	sand.u32 $0x70, s21;
	s21 =	sand.u32 $0x700, s18;
	(v2sf) =	vpush v18, $0xF;
	v12 =	vmul.f32 v12, v16;
	v10 =	vmovc v16;
	v9 =	vmovc v5;
	v5 =	vadd.f32 s17, v17  }
0x168: {  	_ =	sdelay $0x4  }
0x169: {  	s18 =	sor.u32 s20, s21  }
0x16a: {  	v16, _, _ =	vpop (xrf2);
	v15 =	vld [tilespmem:s18+$0x18000]  }
0x16b: {  	v17, _, _ =	vpop (xrf2)  }
0x16c: {  	(v2sf) =	vpush v17, $0xF;
	_ =	sdelay $0x2  }
0x16d: {  	(xrf2) =	vadd.scan.msk.f32 $0xffff, v11;
	(erf) = vrcp.f32 v8;
	v30 =	vperm.xlane v15, v0  }
0x16e: {  	v29 =	vmul.f32 $5.000000000e-01, v14;
	(xrf2) =	vadd.scan.msk.f32 $0xffff, v15  }
0x16f: {  	v4 =	vadd.f32 v13, v4;
	vm0 =	vmmov vm0;
	vm1 =	vmmov vm1;
	(xrf2) =	vadd.scan.msk.f32 $0xffff, v30  }
0x170: {  	s19 =	spop (v2sf);
	vm2 =	vgt.f32 v9, $3.355443000e+06;
	v2 =	vsub.f32 v5, v2;
	v35 =	vperm.xlane v16, v0  }
0x171: {  	v32 =	vld [tilespmem:s16+$0x18080];
	s26 =	sadd.f32 s19, s17;
	vm3 =	vle.f32 v5, $3.355443000e+06;
	vm1 =	vmand vm2, vm1;
	v31 =	vadd.f32 v29, v12  }
0x172: {  	v10 =	vnsel vm0, $0x0, v10;
	vm4 =	vgt.f32 v5, $3.355443000e+06;
	v33 =	vsub.f32 $3.355443000e+06, v2  }
0x173: {  	v37 =	vadd.f32 s26, v35;
	vm14 =	vlt.f32 v2, $3.355443000e+06;
	v6 =	vmul.f32 v31, v6  }
0x174: {  	vm15 =	vmmov vm3;
	v34 =	vpop (erf);
	(erf) = vrcp.f32 v7;
	vm0 =	vmmov vm14  }
0x175: {  	v36 =	vmul.f32 v33, v34;
	v1 =	vsub.f32 v37, v1;
	v6 =	vnsel vm1, $0x0, v6  }
0x176: {  	v38 =	vmul.f32 v34, v32;
	vm0 =	vmand vm4, vm0;
	v6 =	vadd.f32 v6, v10;
	v43 =	vpop (erf)  }
0x177: {  	v42 =	vld [tilespmem:s14+$0x18080];
	v39 =	vmax.f32 v15, $1.000000000e+00;
	v8 =	vsub.f32 $1.000000000e+00, v36;
	v41 =	vsub.f32 $3.355443000e+06, v1;
	v40, _, _ =	vpop (xrf2);
	s28 =	spop (v2sf)  }
0x178: {  	v4 =	vadd.f32 v6, v4;
	(erf) = vrcp.f32 v39;
	v6 =	vperm.xlane v40, v0;
	s29 =	sadd.f32 s28, s26;
	v45, _, _ =	vpop (xrf2)  }
0x179: {  	v11 =	vnsel vm15, $0x0, v32;
	v2 =	vmul.f32 $5.000000000e-01, v8;
	v44 =	vmul.f32 v41, v43;
	v47, _, _ =	vpop (xrf2);
	s30 =	spop (v2sf)  }
0x17a: {  	vm5 =	vle.f32 v37, $3.355443000e+06;
	v46 =	vadd.f32 s29, v6;
	v6 =	vperm.xlane v47, v0;
	s14 =	sadd.f32 s30, s29  }
0x17b: {  	vm7 =	vgt.f32 v37, $3.355443000e+06;
	v2 =	vadd.f32 v2, v38;
	v48 =	vsub.f32 $1.000000000e+00, v44  }
0x17c: {  	v51 =	vld [tilespmem:s15+$0x18080];
	v49 =	vmul.f32 v43, v42;
	v3 =	vsub.f32 v46, v3;
	v6 =	vadd.f32 s14, v6  }
0x17d: {  	vm6 =	vlt.f32 v1, $3.355443000e+06;
	v2 =	vmul.f32 v2, v33;
	v7 =	vmul.f32 $5.000000000e-01, v48  }
0x17e: {  	vm1 =	vmmov vm6;
	v50 =	vsub.f32 $3.355443000e+06, v3;
	v53 =	vsub.f32 v6, v15  }
0x17f: {  	vm1 =	vmand vm7, vm1;
	v52 =	vpop (erf);
	v2 =	vnsel vm0, $0x0, v2;
	v1 =	vadd.f32 v7, v49  }
0x180: {  	v56 =	vld [tilespmem:s18+$0x18080];
	v2 =	vadd.f32 v2, v11;
	v54 =	vmul.f32 v50, v52;
	v55 =	vsub.f32 $3.355443000e+06, v53  }
0x181: {  	v59 =	vmul.f32 v52, v51;
	vm0 =	vmmov vm5;
	v1 =	vmul.f32 v1, v41;
	v57 =	vpop (erf)  }
0x182: {  	v2 =	vadd.f32 v2, v4;
	v4 =	vsub.f32 $1.000000000e+00, v54;
	v58 =	vmul.f32 v55, v57  }
0x183: {  	v10 =	vnsel vm0, $0x0, v42;
	vm8 =	vle.f32 v46, $3.355443000e+06;
	v1 =	vnsel vm1, $0x0, v1  }
0x184: {  	v1 =	vadd.f32 v1, v10;
	v4 =	vmul.f32 $5.000000000e-01, v4;
	v60 =	vsub.f32 $1.000000000e+00, v58  }
0x185: {  	vm0 =	vmmov vm8;
	vm9 =	vlt.f32 v3, $3.355443000e+06;
	v3 =	vmul.f32 v57, v56  }
0x186: {  	v1 =	vadd.f32 v1, v2;
	v2 =	vadd.f32 v4, v59;
	v61 =	vmul.f32 $5.000000000e-01, v60  }
0x187: {  	vm10 =	vgt.f32 v46, $3.355443000e+06;
	v62 =	vnsel vm0, $0x0, v51;
	vm1 =	vmmov vm9  }
0x188: {  	vm1 =	vmand vm10, vm1;
	v2 =	vmul.f32 v2, v50;
	v3 =	vadd.f32 v61, v3  }
0x189: {  	vm11 =	vle.f32 v6, $3.355443000e+06;
	vm14 =	vgt.f32 v6, $3.355443000e+06;
	vm12 =	vlt.f32 v53, $3.355443000e+06  }
0x18a: {  	vm13 =	vmmov vm12;
	v2 =	vnsel vm1, $0x0, v2;
	v3 =	vmul.f32 v3, v55  }
0x18b: {  	vm15 =	vmmov vm11;
	vm0 =	vmand vm14, vm13;
	v2 =	vadd.f32 v2, v62  }
0x18c: {  	v63 =	vnsel vm15, $0x0, v56;
	v3 =	vnsel vm0, $0x0, v3  }
0x18d: {  	v1 =	vadd.f32 v2, v1;
	v2 =	vadd.f32 v3, v63;
	_ =	sdelay $0x1  }
0x18e: {  	v1 =	vadd.f32 v2, v1;
	_ =	sdelay $0x1  }
0x18f: {  	(xrf2) =	vadd.scan.msk.f32 $0xffff, v1;
	_ =	sdelay $0x9  }
0x190: {  	(v2sf) =	vpush v45, $0xF;
	v1, _, _ =	vpop (xrf2)  }
0x191: {  	(v2sf) =	vpush v1, $0xF;
	_ =	sdelay $0xd  }
0x192: {  	s31 =	spop (v2sf)  }
0x193: {  	s14 =	spop (v2sf)  }
0x194: {  	s14 =	smul.f32 $4.020868970e-09, s14;
	_ =	sdelay $0x1  }
0x195: {  	v1 =	vmov s14  }
0x196: {  	v1 =	vadd.f32 $0.0e+00, v1;
	_ =	sdelay $0x1  }
0x197: {  	s13 =	sadd.s32 $0x1, s13;
	v1 =	vbroadcast v1, $0x0  }
0x198: {  	p0 =	sne.s32 s13, s7  }
.Ltmp4:
0x199: {  	[tilespmem:$0x18800] =	vst v1;
	(pc) =	sbr.rel @p0 .LBB2_2-.Ltmp4, $4  }
0x19a: {  	[hbm4b:s2+s3] =	stream.linear.scatter [tilespmem:s12], [sflag:$0x3], $0x80, $0x38;
	[tilespmem:$0x18880] =	vst v63  }
0x19b: {  	_ =	swait.ge [sflag:s11], $0x80  }
0x19c: {  	[sflag:s11] =	ssyncset.done $0x0  }
0x19d: {  	[sflag:s11] =	ssyncadd.s32 $0xFFFFFF80  }
.LBB2_9:
0x19e: {  	_ =	sfence.sel $0x180000  }
0x19f: {  	[bflag:$0x0] =	sbarrier.arrive $0xFFFF  }
0x1a0: {  	p0 =	sne.s32 s1, $0x0;
	_ =	strace $0x9000004D  }
0x1a1: {  	s0 =	sadd.s32 @!p0 $0x100000, s0;
	[bflag:$0x2] =	sbarrier.arrive $0xFFFF  }
0x1a2: {  	[sflag:s0] =	ssyncadd.tile.s32 @!p0 $0x1;
	_ =	shalt  }
.Lfunc_end2:
_tile_overlayer_lowered:
.L_overlay_start_2:
0x1a3: {  	(tag) =	ssettag $0x2  }
0x1a4: {  	s0 =	rddreg [dreg:$0x0];
	s2 =	stileid.u32  }
0x1a5: {  	s1 =	rddreg [dreg:$0x1];
	p0 =	sne.s32 s2, $0x0  }
0x1a6: {  	s3 =	rddreg [dreg:$0x2];
	[bflag:$0x3] =	sbarrier.arrive $0xFFFF;
	s2 =	simm.s32 @!p0 $0x1C03  }
0x1a7: {  	[timem:s3], [sflag:s2] =	dma.local @!p0 [hbm:s0], s1  }
0x1a8: {  	s0 =	simm.s32 @!p0 $0x3  }
0x1a9: {  	_ =	swait.ge @!p0 [sflag:s0], s1  }
0x1aa: {  	s1 =	ssub.s32 @!p0 $0x0, s1;
	[sflag:s0] =	ssyncset.done @!p0 $0x0  }
0x1ab: {  	[sflag:s0] =	ssyncadd.s32 @!p0 s1  }
0x1ac: {  	[bflag:$0x3] =	sbarrier.arrive $0xFFFF  }
0x1ad: {  	_ =	shalt  }

// kernel: kernel.7.cloned.1.call-start
scs
__scs_entry_jumppad:
0x0: {  	(pc) =	sbr.rel $0x88, $3  }
0x1: {  	(tag) =	ssettag $0x0;
	lr =	simm.s32 $0x1  }
0x2: {  	[smem:$0x3F9F] =	sst lr;
	_ =	strace $0xD0000000  }
0x3: {  	_ = 	snop  }
0x4: {  	_ = 	snop  }
0x5: {  	_ = 	snop  }
0x6: {  	_ = 	snop  }
0x7: {  	_ = 	snop  }
__scs_overlays_trampoline_lowered:
0x8: {  	[smem:$0x3FAE] =	sst s0  }
0x9: {  	[smem:$0x3FAF] =	sst s1  }
0xa: {  	[smem:$0x3FB0] =	sst s2  }
0xb: {  	[smem:$0x3FB1] =	sst s3  }
0xc: {  	[smem:$0x3FB2] =	sst s4  }
0xd: {  	[smem:$0x3FB3] =	sst s5  }
0xe: {  	[smem:$0x3FB4] =	sst s6  }
0xf: {  	[smem:$0x3FB5] =	sst s7  }
0x10: {  	[smem:$0x3FB6] =	sst s8  }
0x11: {  	[smem:$0x3FB7] =	sst s9;
	s0 =	simm.s32 @!p0 $0x0  }
0x12: {  	s1 =	sld [smem:$0x3F9D];
	s0 =	simm.s32 @p0 $0x1  }
0x13: {  	[smem:$0x3FB8] =	sst s0;
	s0 =	simm.s32 @!p1 $0x0  }
0x14: {  	s2 =	sld [smem:$0x3F9C];
	s0 =	simm.s32 @p1 $0x1  }
0x15: {  	[smem:$0x3FB9] =	sst s0;
	s0 =	simm.s32 @!p2 $0x0  }
0x16: {  	s3 =	sld [smem:$0x3FDB];
	s0 =	simm.s32 @p2 $0x1  }
0x17: {  	s4 =	simm.s32 $0x1BF5;
	[smem:$0x3FBB] =	sst s0  }
0x18: {  	s0 =	sld [smem:$0x3F9E];
	_ =	swait.ge [sflag:s4], $0x0  }
0x19: {  	s7 =	sld [smem:$0x3F9F]  }
0x1a: {  	s8 =	sadd.s32 $0xFFFFE003, lr  }
0x1b: {  	s9 =	sadd.s32 $0xFFFFFEF7, lr;
	s5 =	simm.s32 $0xFFFFFFFF;
	p2 =	slt.u32 s8, $0xFFFFF086  }
0x1c: {  	p1 =	slt.u32 s9, $0xF7A;
	s5 =	simm.s32 @!p2 $0x0  }
0x1d: {  	s5 =	simm.s32 @p1 $0x1;
	p0 =	seq.s32 s7, s2  }
0x1e: {  	s7 =	smul.u32 @!p0 $0xF7A, s2;
	p2 =	seq.s32 @!p0 s5, $0x0  }
0x1f: {  	s9 =	smul.u32 $0xF7A, s1;
	s8 =	simm.s32 @!p0 $0x1BF5;
	p2 =	por !p2, p0  }
0x20: {  	[sflag:s8] =	ssyncset.s32 @!p0 $0xFFFFF086;
	s6 =	sadd.s32 @!p0 s3, s7;
	s7 =	simm.s32 @!p0 $0x108  }
0x21: {  	s3 =	sadd.s32 s3, s9;
	s6 =	sadd.s32 @!p0 $0x88, s6;
	s7 =	simm.s32 @p2 $0x1082  }
0x22: {  	[simem:s7], [sflag:s8] =	dma.local @!p0 [hbm:s6], $0xF7A  }
0x23: {  	s9 =	sor.u32 $0xD0000000, s2;
	s6 =	simm.s32 $0x108;
	_ =	swait.ge @!p0 [sflag:s8], $0x0  }
0x24: {  	s3 =	sadd.s32 $0x88, s3;
	s6 =	simm.s32 @!p1 $0x1082;
	[sflag:s4] =	ssyncset.s32 $0xFFFFF086  }
0x25: {  	[simem:s6], [sflag:s4] =	dma.local [hbm:s3], $0xF7A  }
0x26: {  	[smem:$0x3F9F] =	sst s1;
	(tag) =	ssettag s2;
	_ =	strace s9  }
0x27: {  	s1 =	sld [smem:$0x3FAF]  }
0x28: {  	s2 =	sld [smem:$0x3FB0]  }
0x29: {  	s4 =	sld [smem:$0x3FB2]  }
0x2a: {  	p0 =	seq.s32 s5, $0x0;
	s5 =	sld [smem:$0x3FB3]  }
0x2b: {  	s6 =	sld [smem:$0x3FB4]  }
0x2c: {  	s7 =	sld [smem:$0x3FB5]  }
0x2d: {  	s3 =	simm.s32 $0x108;
	s8 =	sld [smem:$0x3FB6]  }
0x2e: {  	s3 =	simm.s32 @!p0 $0x1082;
	s9 =	sld [smem:$0x3FB7]  }
0x2f: {  	lr =	sadd.s32 s0, s3;
	s0 =	sld [smem:$0x3FAE]  }
0x30: {  	s3 =	sld [smem:$0x3FB1]  }
0x31: {  	[smem:$0x3FBA] =	sst s10  }
0x32: {  	s10 =	sld [smem:$0x3FB8];
	_ =	sdelay $0x3  }
0x33: {  	p0 =	seq.s32 s10, $0x1;
	s10 =	sld [smem:$0x3FBA];
	_ =	sdelay $0x3  }
0x34: {  	[smem:$0x3FBA] =	sst s10  }
0x35: {  	s10 =	sld [smem:$0x3FB9];
	_ =	sdelay $0x3  }
0x36: {  	p1 =	seq.s32 s10, $0x1;
	s10 =	sld [smem:$0x3FBA];
	_ =	sdelay $0x3  }
0x37: {  	[smem:$0x3FBA] =	sst s10  }
0x38: {  	s10 =	sld [smem:$0x3FBB]  }
0x39: {  	_ = 	snop;
	(pc) =	sbr.ind lr, $3  }
0x3a: {  	_ = 	snop  }
0x3b: {  	_ = 	snop  }
0x3c: {  	p2 =	seq.s32 s10, $0x1;
	s10 =	sld [smem:$0x3FBA]  }
0x3d: {  	_ =	shalt  }
0x3e: {  	_ =	shalt  }
0x3f: {  	_ =	shalt  }
0x40: {  	_ =	shalt  }
0x41: {  	_ =	shalt  }
0x42: {  	_ =	shalt  }
0x43: {  	_ =	shalt  }
0x44: {  	_ =	shalt  }
0x45: {  	_ =	shalt  }
0x46: {  	_ =	shalt  }
0x47: {  	_ =	shalt  }
0x48: {  	_ =	shalt  }
0x49: {  	_ =	shalt  }
0x4a: {  	_ =	shalt  }
0x4b: {  	_ =	shalt  }
0x4c: {  	_ =	shalt  }
0x4d: {  	_ =	shalt  }
0x4e: {  	_ =	shalt  }
0x4f: {  	_ =	shalt  }
0x50: {  	_ =	shalt  }
0x51: {  	_ =	shalt  }
0x52: {  	_ =	shalt  }
0x53: {  	_ =	shalt  }
0x54: {  	_ =	shalt  }
0x55: {  	_ =	shalt  }
0x56: {  	_ =	shalt  }
0x57: {  	_ =	shalt  }
0x58: {  	_ =	shalt  }
0x59: {  	_ =	shalt  }
0x5a: {  	_ =	shalt  }
0x5b: {  	_ =	shalt  }
0x5c: {  	_ =	shalt  }
0x5d: {  	_ =	shalt  }
0x5e: {  	_ =	shalt  }
0x5f: {  	_ =	shalt  }
0x60: {  	_ =	shalt  }
0x61: {  	_ =	shalt  }
0x62: {  	_ =	shalt  }
0x63: {  	_ =	shalt  }
0x64: {  	_ =	shalt  }
0x65: {  	_ =	shalt  }
0x66: {  	_ =	shalt  }
0x67: {  	_ =	shalt  }
0x68: {  	_ =	shalt  }
0x69: {  	_ =	shalt  }
0x6a: {  	_ =	shalt  }
0x6b: {  	_ =	shalt  }
0x6c: {  	_ =	shalt  }
0x6d: {  	_ =	shalt  }
0x6e: {  	_ =	shalt  }
0x6f: {  	_ =	shalt  }
0x70: {  	_ =	shalt  }
0x71: {  	_ =	shalt  }
0x72: {  	_ =	shalt  }
0x73: {  	_ =	shalt  }
0x74: {  	_ =	shalt  }
0x75: {  	_ =	shalt  }
0x76: {  	_ =	shalt  }
0x77: {  	_ =	shalt  }
0x78: {  	_ =	shalt  }
0x79: {  	_ =	shalt  }
0x7a: {  	_ =	shalt  }
0x7b: {  	_ =	shalt  }
0x7c: {  	_ =	shalt  }
0x7d: {  	_ =	shalt  }
0x7e: {  	_ =	shalt  }
0x7f: {  	_ =	shalt  }
0x80: {  	_ =	shalt  }
0x81: {  	_ =	shalt  }
0x82: {  	_ =	shalt  }
0x83: {  	_ =	shalt  }
0x84: {  	_ =	shalt  }
0x85: {  	_ =	shalt  }
0x86: {  	_ =	shalt  }
0x87: {  	_ =	shalt  }
.Lfunc_end0:
.L_simem_size_0:
called_computation_lowered:
.L_overlay_start_0:
0x88: {  	s2 =	sld [smem:$0x3FD9]  }
0x89: {  	s3 =	sld [smem:$0x3FFE];
	_ =	sdelay $0x1  }
0x8a: {  	s1 =	srdreg.scid  }
0x8b: {  	s0 =	sand.u32 $0x1, s1  }
0x8c: {  	s17 =	sshll.u32 s0, $0xA;
	s2 =	sadd.s32 s3, s2  }
0x8d: {  	s2 =	sadd.s32 s2, s17  }
0x8e: {  	[smem:$0x3FC6] =	sst s2  }
0x8f: {  	_ = 	snop  }
0x90: {  	(tm) =	ssettm $0x1  }
0x91: {  	s18 =	sld [smem:$0x3FFB];
	_ =	sdelay $0x3  }
0x92: {  	_ =	strace s18  }
0x93: {  	s2 =	sld [smem:$0x3FFC];
	_ =	sdelay $0x3  }
0x94: {  	_ =	strace s2  }
0x95: {  	s2 =	sld [smem:$0x3FFD];
	_ =	sdelay $0x3  }
0x96: {  	_ =	strace s2  }
0x97: {  	_ =	strace $0x8FFFFFFF  }
0x98: {  	s19 =	sld [smem:$0x3FDB];
	_ =	sdelay $0x1  }
0x99: {  	s20 =	simm.s32 $_scs_section_size  }
0x9a: {  	s4 =	simm.s32 $_size__tile_overlayer_lowered;
	s5 =	simm.s32 $_tile_overlayer_lowered  }
0x9b: {  	s6 =	simm.s32 $0x1BFF;
	s21 =	sshll.u32 s5, $0x1;
	s3 =	sadd.s32 s20, s19  }
0x9c: {  	s22 =	simm.s32 $0x0;
	s4 =	sshll.u32 s4, $0x1;
	s5 =	sadd.s32 s21, s3  }
0x9d: {  	[timem:s22], [sflag:s6] =	dma.local [hbm:s5], s4  }
0x9e: {  	_ =	swait.ge [sflag:s6], s4  }
0x9f: {  	s4 =	ssub.s32 $0x0, s4;
	[sflag:s6] =	ssyncset.done $0x0  }
0xa0: {  	[sflag:s6] =	ssyncadd.s32 s4;
	_ =	sdelay $0x1  }
0xa1: {  	s23 =	simm.s32 $0x1B8B  }
0xa2: {  	_ =	swait.ge [sflag:s23], $0x1  }
0xa3: {  	[sflag:s23] =	ssyncset.done $0x0  }
0xa4: {  	[sflag:s23] =	ssyncadd.s32 $0xFFFFFFFF  }
0xa5: {  	s4 =	sld [smem:$0x0]  }
0xa6: {  	s5 =	sand.u32 $0xFFFFFFFE, s1  }
0xa7: {  	p0 =	sne.s32 s1, s5  }
0xa8: {  	s5 =	sshll.u32 @p0 s5, $0xE  }
0xa9: {  	s5 =	sadd.s32 @p0 $0x11B8D, s5;
	s6 =	sshll.u32 @p0 s4, $0x11  }
0xaa: {  	s5 =	sor.u32 @p0 s6, s5  }
0xab: {  	[sflag:s5] =	ssyncadd.remote.s32 @p0 $0x1;
	_ =	sdelay $0x1  }
0xac: {  	s5 =	simm.s32 @p0 $0x1B8D  }
0xad: {  	_ =	swait.eq @p0 [sflag:s5], $0x1  }
0xae: {  	[sflag:s5] =	ssyncadd.s32 @p0 $0xFFFFFFFF  }
0xaf: {  	s6 =	sshll.u32 @!p0 s1, $0xE  }
0xb0: {  	s6 =	sor.u32 @!p0 $0x4000, s6;
	s5 =	simm.s32 @!p0 $0x1B8D  }
0xb1: {  	s4 =	sshll.u32 @!p0 s4, $0x11;
	s6 =	sadd.s32 @!p0 $0x11B8D, s6;
	_ =	swait.eq @!p0 [sflag:s5], $0x1  }
0xb2: {  	s4 =	sor.u32 @!p0 s4, s6;
	[sflag:s5] =	ssyncadd.s32 @!p0 $0xFFFFFFFF  }
0xb3: {  	s25 =	simm.s32 $0x1B8E;
	s24 =	sld [smem:$0x3FFE];
	[sflag:s4] =	ssyncadd.remote.s32 @!p0 $0x1  }
0xb4: {  	s26 =	simm.s32 $execute0_lowered;
	[smem:$0x3FD2] =	sst s25  }
0xb5: {  	s5 =	sshll.u32 s26, $0x1;
	_ =	strace $0x80000049;
	[dreg:$0x1] =	wrdreg $0xFFFFFFFF  }
0xb6: {  	s28 =	simm.s32 $_size_execute0_lowered;
	s3 =	sadd.s32 s3, s5;
	[dreg:$0x0] =	wrdreg $0x0  }
0xb7: {  	s5 =	sshll.u32 s28, $0x1;
	[dreg:$0x2] =	wrdreg s3  }
0xb8: {  	[dreg:$0x3] =	wrdreg s5  }
0xb9: {  	[dreg:$0x4] =	wrdreg $0xC0  }
0xba: {  	_ =	task [dreg:s22], $0x5FFFF  }
0xbb: {  	[dreg:$0x1] =	wrdreg $0xFFFFFFFF  }
0xbc: {  	[dreg:$0x0] =	wrdreg $0x60  }
0xbd: {  	[dreg:$0x2] =	wrdreg s24  }
0xbe: {  	[dreg:$0x3] =	wrdreg $0x9  }
0xbf: {  	_ =	task.clear_ibuf [dreg:s22], $0x4FFFF;
	_ =	strace $0x90000049  }
0xc0: {  	s29 =	simm.s32 $0x9;
	_ =	strace $0x8000004B  }
0xc1: {  	_ =	swait.ge [sflag:s29], $0x1  }
0xc2: {  	[sflag:s29] =	ssyncadd.s32 $0xFFFFFFFF  }
0xc3: {  	_ =	strace $0x9000004B  }
0xc4: {  	_ =	sfence  }
0xc5: {  	s30 =	sld [smem:$0x0];
	_ =	sdelay $0x2  }
0xc6: {  	s31 =	sshll.u32 s1, $0xD;
	s1 =	sshrl.u32 s1, $0x2  }
0xc7: {  	s4 =	sand.u32 $0x4000, s31;
	s1 =	sadd.s32 s1, s30  }
0xc8: {  	s0 =	sor.u32 s4, s0;
	s1 =	sshll.u32 s1, $0x11  }
0xc9: {  	s0 =	sor.u32 s1, s0  }
0xca: {  	s0 =	sadd.s32 $0x8F2B, s0  }
0xcb: {  	[sflag:s0] =	ssyncadd.remote.s32 $0x1  }
0xcc: {  	_ =	sfence.sel $0xFFFF  }
0xcd: {  	[dreg:$0x0] =	wrdreg $0xFFFFFFFF;
	(pc) =	sbr.abs _section_cstart, $3  }
0xce: {  	[dreg:$0x1] =	wrdreg $0xFFFFFFFF  }
0xcf: {  	_ =	task.clear_ibuf [dreg:s22], $0x2FFFF;
	_ =	strace $0x9FFFFFFF  }
0xd0: {  	(tm) =	ssettm $0x7FFFFFFF  }
0xd1: {  	_ =	shalt  }
tec
execute0_lowered:
.L_overlay_start_1:
0x0: {  	(tag) =	ssettag $0x1  }
0x1: {  	s5 =	rddreg [dreg:$0x0]  }
0x2: {  	s0 =	rddreg [dreg:$0x1];
	s2 =	simm.s32 $0x0;
	s3 =	srdreg.scid  }
0x3: {  	s1 =	stileid.u32;
	s10 =	simm.s32 $0x1;
	s11 =	simm.s32 $0x2000  }
0x4: {  	s12 =	simm.s32 $0x4000;
	s13 =	simm.s32 $0x4400;
	s14 =	simm.s32 $0x2  }
0x5: {  	s15 =	simm.s32 $0x80;
	s16 =	simm.s32 $0x100;
	s17 =	simm.s32 $0x3  }
0x6: {  	[smem:$0x7FF] =	sst s2;
	s4 =	sand.u32 $0x1, s3;
	s30 =	sshll.u32 s1, $0x1  }
0x7: {  	_ =	strace $0x8000004A;
	s6 =	sor.u32 s4, s30;
	s4 =	ssub.s32 $0x2, s4  }
0x8: {  	s3 =	sshll.u32 s6, $0xD;
	s6 =	sshll.u32 s6, $0x8;
	s31 =	sshrl.u32 s4, $0x1  }
0x9: {  	s7 =	sadd.s32 s3, s5;
	s8 =	sadd.s32 s6, s5;
	s9 =	ssub.s32 s4, s31  }
0xa: {  	s5 =	sadd.s32 $0x43400, s5;
	s4 =	sadd.s32 $0x43000, s7;
	s6 =	sadd.s32 $0x43800, s7  }
0xb: {  	v0 =	vimm.f32 $0.0e+00;
	v1 =	vimm.f32 $1.000000000e+00;
	s7 =	sadd.s32 $0x83000, s8;
	s8 =	sadd.s32 $0x83010, s8;
	s9 =	smax.u32 s9, $0x1  }
.LBB2_1:
0xc: {  	s18 =	simm.s32 $0x40;
	s19 =	simm.s32 $0x0  }
.LBB2_2:
0xd: {  	p0 =	sne.s32 s18, $0xFC0;
	[tilespmem:s19+$0x4000] =	vst v0;
	s20 =	smov.u32 s18;
	s18 =	sadd.s32 $0x40, s18  }
.Ltmp0:
0xe: {  	[tilespmem:s19+$0x4400] =	vst v0;
	(pc) =	sbr.rel @p0 .LBB2_2-.Ltmp0, $2  }
0xf: {  	_ =	sdelay $0x2  }
0x10: {  	s19 =	sshra.s32 s20, $0x2  }
0x11: {  	[tilespmem:s19+$0x4000] =	vst v0  }
0x12: {  	[tilespmem:s19+$0x4400] =	vst v0;
	s18 =	simm.s32 $0x0;
	s19 =	simm.s32 $0x0  }
0x13: {  	[tilespmem:s18], [sflag:$0x1] =	stream.linear.gather [hbm4b:s4+s18], $0x2000, $0x38;
	[tilespmem:$0x4800] =	vst v63  }
.LBB2_4:
0x14: {  	s20 =	sshll.u32 s19, $0xB;
	_ =	swait.ge [sflag:s10], $0x2000  }
0x15: {  	s29 =	simm.s32 $0x0;
	[sflag:s10] =	ssyncset.done $0x0;
	s21 =	sor.u32 s20, s3  }
0x16: {  	s22 =	sand.u32 $0x3000, s18;
	[sflag:s10] =	ssyncadd.s32 $0xFFFFE000;
	s21 =	sadd.s32 s21, s5  }
0x17: {  	[tilespmem:s11], [sflag:$0x2] =	stream.linear.gather [hbm4b:s21+s18], $0x2000, $0x38;
	[tilespmem:$0x4800] =	vst v63  }
0x18: {  	s23 =	simm.s32 $0x0;
	s22 =	sshrl.u32 s22, $0x2;
	s21 =	sand.u32 $0x1000, s29  }
0x19: {  	s23 =	sand.u32 $0x380, s23;
	s21 =	sor.u32 s22, s21  }
0x1a: {  	s21 =	sor.u32 s23, s21  }
0x1b: {  	v3 =	vld [tilespmem:s21+$0x0];
	_ =	sdelay $0x1  }
0x1c: {  	v4 =	vld [tilespmem:s21+$0x10];
	_ =	sdelay $0x1  }
0x1d: {  	v5 =	vld [tilespmem:s21+$0x20]  }
0x1e: {  	v2 =	vtrunc.f32 v3  }
0x1f: {  	v6 =	vld [tilespmem:s21+$0x30];
	v7 =	vcvt.f32.s32 v2  }
0x20: {  	v2 =	vtrunc.f32 v4  }
0x21: {  	v8 =	vld [tilespmem:s21+$0x40];
	v9 =	vcvt.f32.s32 v2  }
0x22: {  	v11 =	vld [tilespmem:s21+$0x50];
	v10 =	vtrunc.f32 v5  }
0x23: {  	v13 =	vld [tilespmem:s21+$0x60];
	v10 =	vcvt.f32.s32 v10  }
0x24: {  	v12 =	vtrunc.f32 v6;
	v2 =	vld [tilespmem:s21+$0x70]  }
0x25: {  	v12 =	vcvt.f32.s32 v12;
	[tilespmem:v7+s12+$0x0] =	vst.idx.add.f32.msk $0xffff, v1  }
0x26: {  	v14 =	vtrunc.f32 v8;
	[tilespmem:v7+s13+$0x0] =	vst.idx.add.f32.msk $0xffff, v3  }
0x27: {  	v63 =	vcvt.f32.s32 v14;
	[tilespmem:v9+s12+$0x0] =	vst.idx.add.f32.msk $0xffff, v1  }
0x28: {  	v3 =	vtrunc.f32 v11;
	[tilespmem:v9+s13+$0x0] =	vst.idx.add.f32.msk $0xffff, v4  }
0x29: {  	v4 =	vcvt.f32.s32 v3;
	[tilespmem:v10+s12+$0x0] =	vst.idx.add.f32.msk $0xffff, v1  }
0x2a: {  	v3 =	vtrunc.f32 v13;
	[tilespmem:v10+s13+$0x0] =	vst.idx.add.f32.msk $0xffff, v5  }
0x2b: {  	v5 =	vcvt.f32.s32 v3;
	[tilespmem:v12+s12+$0x0] =	vst.idx.add.f32.msk $0xffff, v1  }
0x2c: {  	v3 =	vtrunc.f32 v2;
	[tilespmem:v12+s13+$0x0] =	vst.idx.add.f32.msk $0xffff, v6  }
0x2d: {  	v3 =	vcvt.f32.s32 v3;
	[tilespmem:v63+s12+$0x0] =	vst.idx.add.f32.msk $0xffff, v1  }
0x2e: {  	[tilespmem:v63+s13+$0x0] =	vst.idx.add.f32.msk $0xffff, v8  }
0x2f: {  	[tilespmem:v4+s12+$0x0] =	vst.idx.add.f32.msk $0xffff, v1  }
0x30: {  	s21 =	simm.s32 $0x1000;
	[tilespmem:v4+s13+$0x0] =	vst.idx.add.f32.msk $0xffff, v11  }
0x31: {  	s30 =	simm.s32 $0x80;
	s31 =	sand.u32 $0x3000, s21;
	[tilespmem:v5+s12+$0x0] =	vst.idx.add.f32.msk $0xffff, v1  }
0x32: {  	s25 =	simm.s32 $0x20;
	s24 =	sand.u32 $0x1000, s30;
	s26 =	sshrl.u32 s31, $0x2;
	[tilespmem:v5+s13+$0x0] =	vst.idx.add.f32.msk $0xffff, v13  }
0x33: {  	s22 =	simm.s32 $0x2;
	s23 =	sand.u32 $0x380, s25;
	s24 =	sor.u32 s26, s24;
	[tilespmem:v3+s12+$0x0] =	vst.idx.add.f32.msk $0xffff, v1  }
.LBB2_5:
0x34: {  	p0 =	sne.s32 s22, $0x3F  }
0x35: {  	s24 =	sor.u32 s23, s24;
	[tilespmem:v3+s13+$0x0] =	vst.idx.add.f32.msk $0xffff, v2;
	s23 =	smov.u32 s22;
	s22 =	sadd.s32 $0x1, s22  }
0x36: {  	v3 =	vld [tilespmem:s24+$0x0]  }
0x37: {  	v4 =	vld [tilespmem:s24+$0x30]  }
0x38: {  	v5 =	vld [tilespmem:s24+$0x10];
	_ =	sdelay $0x1  }
0x39: {  	v6 =	vld [tilespmem:s24+$0x20]  }
0x3a: {  	v2 =	vtrunc.f32 v3  }
0x3b: {  	v7 =	vcvt.f32.s32 v2;
	v8 =	vtrunc.f32 v4  }
0x3c: {  	v2 =	vtrunc.f32 v5  }
0x3d: {  	v9 =	vld [tilespmem:s24+$0x40];
	v10 =	vcvt.f32.s32 v2  }
0x3e: {  	v2 =	vld [tilespmem:s24+$0x70];
	v11 =	vtrunc.f32 v6  }
0x3f: {  	v12 =	vld [tilespmem:s24+$0x50];
	v11 =	vcvt.f32.s32 v11  }
0x40: {  	v13 =	vld [tilespmem:s24+$0x60]  }
0x41: {  	v8 =	vcvt.f32.s32 v8;
	[tilespmem:v7+s12+$0x0] =	vst.idx.add.f32.msk $0xffff, v1  }
0x42: {  	v14 =	vtrunc.f32 v9;
	[tilespmem:v7+s13+$0x0] =	vst.idx.add.f32.msk $0xffff, v3  }
0x43: {  	v7 =	vcvt.f32.s32 v14;
	v3 =	vtrunc.f32 v2;
	[tilespmem:v10+s12+$0x0] =	vst.idx.add.f32.msk $0xffff, v1  }
0x44: {  	v14 =	vtrunc.f32 v12;
	[tilespmem:v10+s13+$0x0] =	vst.idx.add.f32.msk $0xffff, v5  }
0x45: {  	v5 =	vcvt.f32.s32 v14;
	v10 =	vtrunc.f32 v13;
	[tilespmem:v11+s12+$0x0] =	vst.idx.add.f32.msk $0xffff, v1  }
0x46: {  	[tilespmem:v11+s13+$0x0] =	vst.idx.add.f32.msk $0xffff, v6  }
0x47: {  	v6 =	vcvt.f32.s32 v10;
	[tilespmem:v8+s12+$0x0] =	vst.idx.add.f32.msk $0xffff, v1  }
0x48: {  	[tilespmem:v8+s13+$0x0] =	vst.idx.add.f32.msk $0xffff, v4  }
0x49: {  	v3 =	vcvt.f32.s32 v3;
	[tilespmem:v7+s12+$0x0] =	vst.idx.add.f32.msk $0xffff, v1  }
0x4a: {  	[tilespmem:v7+s13+$0x0] =	vst.idx.add.f32.msk $0xffff, v9  }
.Ltmp1:
0x4b: {  	[tilespmem:v5+s12+$0x0] =	vst.idx.add.f32.msk $0xffff, v1;
	(pc) =	sbr.rel @p0 .LBB2_5-.Ltmp1, $4  }
0x4c: {  	s21 =	sadd.s32 $0x1000, s21;
	[tilespmem:v5+s13+$0x0] =	vst.idx.add.f32.msk $0xffff, v12  }
0x4d: {  	s25 =	sand.u32 $0x3000, s21;
	s24 =	sshll.u32 s23, $0x7;
	[tilespmem:v6+s12+$0x0] =	vst.idx.add.f32.msk $0xffff, v1  }
0x4e: {  	s25 =	sshrl.u32 s25, $0x2;
	s23 =	sshll.u32 s23, $0x5;
	s24 =	sand.u32 $0x1000, s24;
	[tilespmem:v6+s13+$0x0] =	vst.idx.add.f32.msk $0xffff, v13  }
0x4f: {  	s23 =	sand.u32 $0x380, s23;
	s24 =	sor.u32 s25, s24;
	[tilespmem:v3+s12+$0x0] =	vst.idx.add.f32.msk $0xffff, v1  }
0x50: {  	_ =	sdelay $0x3  }
0x51: {  	s21 =	sor.u32 s23, s24;
	[tilespmem:v3+s13+$0x0] =	vst.idx.add.f32.msk $0xffff, v2  }
0x52: {  	v2 =	vld [tilespmem:s21+$0x0];
	_ =	sdelay $0x1  }
0x53: {  	v3 =	vld [tilespmem:s21+$0x10];
	_ =	sdelay $0x1  }
0x54: {  	v4 =	vld [tilespmem:s21+$0x20]  }
0x55: {  	v5 =	vtrunc.f32 v2  }
0x56: {  	v6 =	vld [tilespmem:s21+$0x30];
	v5 =	vcvt.f32.s32 v5  }
0x57: {  	v7 =	vtrunc.f32 v3  }
0x58: {  	v8 =	vld [tilespmem:s21+$0x40];
	v7 =	vcvt.f32.s32 v7  }
0x59: {  	v9 =	vld [tilespmem:s21+$0x70];
	v10 =	vtrunc.f32 v4  }
0x5a: {  	v11 =	vld [tilespmem:s21+$0x50];
	v10 =	vcvt.f32.s32 v10  }
0x5b: {  	v13 =	vld [tilespmem:s21+$0x60];
	v12 =	vtrunc.f32 v6  }
0x5c: {  	v12 =	vcvt.f32.s32 v12;
	[tilespmem:v5+s12+$0x0] =	vst.idx.add.f32.msk $0xffff, v1  }
0x5d: {  	v14 =	vtrunc.f32 v8;
	[tilespmem:v5+s13+$0x0] =	vst.idx.add.f32.msk $0xffff, v2  }
0x5e: {  	v2 =	vcvt.f32.s32 v14;
	[tilespmem:v7+s12+$0x0] =	vst.idx.add.f32.msk $0xffff, v1  }
0x5f: {  	v5 =	vtrunc.f32 v11;
	[tilespmem:v7+s13+$0x0] =	vst.idx.add.f32.msk $0xffff, v3  }
0x60: {  	v3 =	vcvt.f32.s32 v5;
	[tilespmem:v10+s12+$0x0] =	vst.idx.add.f32.msk $0xffff, v1  }
0x61: {  	v5 =	vtrunc.f32 v13;
	[tilespmem:v10+s13+$0x0] =	vst.idx.add.f32.msk $0xffff, v4  }
0x62: {  	v4 =	vcvt.f32.s32 v5;
	[tilespmem:v12+s12+$0x0] =	vst.idx.add.f32.msk $0xffff, v1  }
0x63: {  	v5 =	vtrunc.f32 v9;
	[tilespmem:v12+s13+$0x0] =	vst.idx.add.f32.msk $0xffff, v6  }
0x64: {  	v5 =	vcvt.f32.s32 v5;
	[tilespmem:v2+s12+$0x0] =	vst.idx.add.f32.msk $0xffff, v1  }
0x65: {  	[tilespmem:v2+s13+$0x0] =	vst.idx.add.f32.msk $0xffff, v8  }
0x66: {  	[tilespmem:v3+s12+$0x0] =	vst.idx.add.f32.msk $0xffff, v1  }
0x67: {  	[tilespmem:v3+s13+$0x0] =	vst.idx.add.f32.msk $0xffff, v11  }
0x68: {  	[tilespmem:v4+s12+$0x0] =	vst.idx.add.f32.msk $0xffff, v1  }
0x69: {  	[tilespmem:v4+s13+$0x0] =	vst.idx.add.f32.msk $0xffff, v13  }
0x6a: {  	[tilespmem:v5+s12+$0x0] =	vst.idx.add.f32.msk $0xffff, v1  }
0x6b: {  	[tilespmem:v5+s13+$0x0] =	vst.idx.add.f32.msk $0xffff, v9  }
0x6c: {  	_ =	swait.ge [sflag:s14], $0x2000  }
0x6d: {  	p0 =	seq.s32 s19, $0x3;
	s25 =	simm.s32 $0x0;
	[sflag:s14] =	ssyncset.done $0x0  }
0x6e: {  	s20 =	sadd.s32 @!p0 s20, s6;
	s21 =	simm.s32 @!p0 $0x0;
	[sflag:s14] =	ssyncadd.s32 $0xFFFFE000  }
0x6f: {  	[tilespmem:s21], [sflag:$0x1] =	stream.linear.gather @!p0 [hbm4b:s20+s21], $0x2000, $0x38;
	[tilespmem:$0x4800] =	vst v63  }
0x70: {  	s26 =	simm.s32 $0x0;
	s20 =	sand.u32 $0x3000, s25  }
0x71: {  	s22 =	simm.s32 $0x0;
	s21 =	sand.u32 $0x1000, s26;
	s20 =	sshrl.u32 s20, $0x2  }
0x72: {  	s22 =	sand.u32 $0x380, s22;
	s20 =	sor.u32 s20, s21  }
0x73: {  	s20 =	sor.u32 s22, s20  }
0x74: {  	v3 =	vld [tilespmem:s20+$0x2000];
	_ =	sdelay $0x1  }
0x75: {  	v4 =	vld [tilespmem:s20+$0x2010];
	_ =	sdelay $0x1  }
0x76: {  	v5 =	vld [tilespmem:s20+$0x2020]  }
0x77: {  	v2 =	vtrunc.f32 v3  }
0x78: {  	v54 =	vld [tilespmem:s20+$0x2030];
	v55 =	vcvt.f32.s32 v2  }
0x79: {  	v2 =	vtrunc.f32 v4  }
0x7a: {  	v56 =	vld [tilespmem:s20+$0x2040];
	v57 =	vcvt.f32.s32 v2  }
0x7b: {  	v59 =	vld [tilespmem:s20+$0x2050];
	v58 =	vtrunc.f32 v5  }
0x7c: {  	v61 =	vld [tilespmem:s20+$0x2060];
	v10 =	vcvt.f32.s32 v58  }
0x7d: {  	v60 =	vtrunc.f32 v54;
	v2 =	vld [tilespmem:s20+$0x2070]  }
0x7e: {  	v12 =	vcvt.f32.s32 v60;
	[tilespmem:v55+s12+$0x0] =	vst.idx.add.f32.msk $0xffff, v1  }
0x7f: {  	v62 =	vtrunc.f32 v56;
	[tilespmem:v55+s13+$0x0] =	vst.idx.add.f32.msk $0xffff, v3  }
0x80: {  	v63 =	vcvt.f32.s32 v62;
	[tilespmem:v57+s12+$0x0] =	vst.idx.add.f32.msk $0xffff, v1  }
0x81: {  	v3 =	vtrunc.f32 v59;
	[tilespmem:v57+s13+$0x0] =	vst.idx.add.f32.msk $0xffff, v4  }
0x82: {  	v4 =	vcvt.f32.s32 v3;
	[tilespmem:v10+s12+$0x0] =	vst.idx.add.f32.msk $0xffff, v1  }
0x83: {  	v3 =	vtrunc.f32 v61;
	[tilespmem:v10+s13+$0x0] =	vst.idx.add.f32.msk $0xffff, v5  }
0x84: {  	v5 =	vcvt.f32.s32 v3;
	[tilespmem:v12+s12+$0x0] =	vst.idx.add.f32.msk $0xffff, v1  }
0x85: {  	v3 =	vtrunc.f32 v2;
	[tilespmem:v12+s13+$0x0] =	vst.idx.add.f32.msk $0xffff, v54  }
0x86: {  	v3 =	vcvt.f32.s32 v3;
	[tilespmem:v63+s12+$0x0] =	vst.idx.add.f32.msk $0xffff, v1  }
0x87: {  	[tilespmem:v63+s13+$0x0] =	vst.idx.add.f32.msk $0xffff, v56  }
0x88: {  	[tilespmem:v4+s12+$0x0] =	vst.idx.add.f32.msk $0xffff, v1  }
0x89: {  	s20 =	simm.s32 $0x1000;
	[tilespmem:v4+s13+$0x0] =	vst.idx.add.f32.msk $0xffff, v59  }
0x8a: {  	s28 =	simm.s32 $0x80;
	s29 =	sand.u32 $0x3000, s20;
	[tilespmem:v5+s12+$0x0] =	vst.idx.add.f32.msk $0xffff, v1  }
0x8b: {  	s31 =	simm.s32 $0x20;
	s30 =	sand.u32 $0x1000, s28;
	s25 =	sshrl.u32 s29, $0x2;
	[tilespmem:v5+s13+$0x0] =	vst.idx.add.f32.msk $0xffff, v61  }
0x8c: {  	s21 =	simm.s32 $0x2;
	s22 =	sand.u32 $0x380, s31;
	s23 =	sor.u32 s25, s30;
	[tilespmem:v3+s12+$0x0] =	vst.idx.add.f32.msk $0xffff, v1  }
.LBB2_7:
0x8d: {  	p0 =	sne.s32 s21, $0x3F  }
0x8e: {  	s23 =	sor.u32 s22, s23;
	[tilespmem:v3+s13+$0x0] =	vst.idx.add.f32.msk $0xffff, v2;
	s22 =	smov.u32 s21;
	s21 =	sadd.s32 $0x1, s21  }
0x8f: {  	v3 =	vld [tilespmem:s23+$0x2000]  }
0x90: {  	v4 =	vld [tilespmem:s23+$0x2030]  }
0x91: {  	v5 =	vld [tilespmem:s23+$0x2010];
	_ =	sdelay $0x1  }
0x92: {  	v6 =	vld [tilespmem:s23+$0x2020]  }
0x93: {  	v2 =	vtrunc.f32 v3  }
0x94: {  	v7 =	vcvt.f32.s32 v2;
	v8 =	vtrunc.f32 v4  }
0x95: {  	v2 =	vtrunc.f32 v5  }
0x96: {  	v9 =	vld [tilespmem:s23+$0x2040];
	v10 =	vcvt.f32.s32 v2  }
0x97: {  	v2 =	vld [tilespmem:s23+$0x2070];
	v11 =	vtrunc.f32 v6  }
0x98: {  	v12 =	vld [tilespmem:s23+$0x2050];
	v11 =	vcvt.f32.s32 v11  }
0x99: {  	v13 =	vld [tilespmem:s23+$0x2060]  }
0x9a: {  	v8 =	vcvt.f32.s32 v8;
	[tilespmem:v7+s12+$0x0] =	vst.idx.add.f32.msk $0xffff, v1  }
0x9b: {  	v14 =	vtrunc.f32 v9;
	[tilespmem:v7+s13+$0x0] =	vst.idx.add.f32.msk $0xffff, v3  }
0x9c: {  	v7 =	vcvt.f32.s32 v14;
	v3 =	vtrunc.f32 v2;
	[tilespmem:v10+s12+$0x0] =	vst.idx.add.f32.msk $0xffff, v1  }
0x9d: {  	v14 =	vtrunc.f32 v12;
	[tilespmem:v10+s13+$0x0] =	vst.idx.add.f32.msk $0xffff, v5  }
0x9e: {  	v5 =	vcvt.f32.s32 v14;
	v10 =	vtrunc.f32 v13;
	[tilespmem:v11+s12+$0x0] =	vst.idx.add.f32.msk $0xffff, v1  }
0x9f: {  	[tilespmem:v11+s13+$0x0] =	vst.idx.add.f32.msk $0xffff, v6  }
0xa0: {  	v6 =	vcvt.f32.s32 v10;
	[tilespmem:v8+s12+$0x0] =	vst.idx.add.f32.msk $0xffff, v1  }
0xa1: {  	[tilespmem:v8+s13+$0x0] =	vst.idx.add.f32.msk $0xffff, v4  }
0xa2: {  	v3 =	vcvt.f32.s32 v3;
	[tilespmem:v7+s12+$0x0] =	vst.idx.add.f32.msk $0xffff, v1  }
0xa3: {  	[tilespmem:v7+s13+$0x0] =	vst.idx.add.f32.msk $0xffff, v9  }
.Ltmp2:
0xa4: {  	[tilespmem:v5+s12+$0x0] =	vst.idx.add.f32.msk $0xffff, v1;
	(pc) =	sbr.rel @p0 .LBB2_7-.Ltmp2, $4  }
0xa5: {  	s20 =	sadd.s32 $0x1000, s20;
	[tilespmem:v5+s13+$0x0] =	vst.idx.add.f32.msk $0xffff, v12  }
0xa6: {  	s24 =	sand.u32 $0x3000, s20;
	s23 =	sshll.u32 s22, $0x7;
	[tilespmem:v6+s12+$0x0] =	vst.idx.add.f32.msk $0xffff, v1  }
0xa7: {  	s24 =	sshrl.u32 s24, $0x2;
	s22 =	sshll.u32 s22, $0x5;
	s23 =	sand.u32 $0x1000, s23;
	[tilespmem:v6+s13+$0x0] =	vst.idx.add.f32.msk $0xffff, v13  }
0xa8: {  	s22 =	sand.u32 $0x380, s22;
	s23 =	sor.u32 s24, s23;
	[tilespmem:v3+s12+$0x0] =	vst.idx.add.f32.msk $0xffff, v1  }
0xa9: {  	_ =	sdelay $0x3  }
0xaa: {  	s20 =	sor.u32 s22, s23;
	[tilespmem:v3+s13+$0x0] =	vst.idx.add.f32.msk $0xffff, v2  }
0xab: {  	v2 =	vld [tilespmem:s20+$0x2000];
	_ =	sdelay $0x1  }
0xac: {  	v3 =	vld [tilespmem:s20+$0x2010];
	_ =	sdelay $0x1  }
0xad: {  	v4 =	vld [tilespmem:s20+$0x2020]  }
0xae: {  	v5 =	vtrunc.f32 v2  }
0xaf: {  	v6 =	vld [tilespmem:s20+$0x2030];
	v5 =	vcvt.f32.s32 v5  }
0xb0: {  	v7 =	vtrunc.f32 v3  }
0xb1: {  	v8 =	vld [tilespmem:s20+$0x2040];
	v7 =	vcvt.f32.s32 v7  }
0xb2: {  	v9 =	vld [tilespmem:s20+$0x2070];
	v10 =	vtrunc.f32 v4  }
0xb3: {  	v11 =	vld [tilespmem:s20+$0x2050];
	v10 =	vcvt.f32.s32 v10  }
0xb4: {  	v13 =	vld [tilespmem:s20+$0x2060];
	v12 =	vtrunc.f32 v6  }
0xb5: {  	v12 =	vcvt.f32.s32 v12;
	[tilespmem:v5+s12+$0x0] =	vst.idx.add.f32.msk $0xffff, v1  }
0xb6: {  	v14 =	vtrunc.f32 v8;
	[tilespmem:v5+s13+$0x0] =	vst.idx.add.f32.msk $0xffff, v2  }
0xb7: {  	v2 =	vcvt.f32.s32 v14;
	[tilespmem:v7+s12+$0x0] =	vst.idx.add.f32.msk $0xffff, v1  }
0xb8: {  	v60 =	vtrunc.f32 v11;
	[tilespmem:v7+s13+$0x0] =	vst.idx.add.f32.msk $0xffff, v3  }
0xb9: {  	v3 =	vcvt.f32.s32 v60;
	[tilespmem:v10+s12+$0x0] =	vst.idx.add.f32.msk $0xffff, v1  }
0xba: {  	v61 =	vtrunc.f32 v13;
	[tilespmem:v10+s13+$0x0] =	vst.idx.add.f32.msk $0xffff, v4  }
0xbb: {  	v62 =	vcvt.f32.s32 v61;
	[tilespmem:v12+s12+$0x0] =	vst.idx.add.f32.msk $0xffff, v1  }
0xbc: {  	v63 =	vtrunc.f32 v9;
	[tilespmem:v12+s13+$0x0] =	vst.idx.add.f32.msk $0xffff, v6  }
0xbd: {  	v5 =	vcvt.f32.s32 v63;
	[tilespmem:v2+s12+$0x0] =	vst.idx.add.f32.msk $0xffff, v1  }
0xbe: {  	s19 =	sadd.s32 $0x1, s19;
	[tilespmem:v2+s13+$0x0] =	vst.idx.add.f32.msk $0xffff, v8  }
0xbf: {  	p0 =	sne.s32 s19, $0x4;
	[tilespmem:v3+s12+$0x0] =	vst.idx.add.f32.msk $0xffff, v1  }
.Ltmp3:
0xc0: {  	[tilespmem:v3+s13+$0x0] =	vst.idx.add.f32.msk $0xffff, v11;
	(pc) =	sbr.rel @p0 .LBB2_4-.Ltmp3, $4  }
0xc1: {  	[tilespmem:v62+s12+$0x0] =	vst.idx.add.f32.msk $0xffff, v1  }
0xc2: {  	[tilespmem:v62+s13+$0x0] =	vst.idx.add.f32.msk $0xffff, v13  }
0xc3: {  	[tilespmem:v5+s12+$0x0] =	vst.idx.add.f32.msk $0xffff, v1  }
0xc4: {  	[tilespmem:v5+s13+$0x0] =	vst.idx.add.f32.msk $0xffff, v9  }
0xc5: {  	[hbm4b:s7+s15] =	stream.strided.scatter [tilespmem:s12], [sflag:$0x3], $0x400, s16, s15, $0x38;
	[tilespmem:$0x4800] =	vst v63  }
0xc6: {  	s2 =	sadd.s32 $0x1, s2;
	_ =	swait.ge [sflag:s17], $0x400  }
0xc7: {  	p0 =	sne.s32 s2, s9;
	[sflag:s17] =	ssyncset.done $0x0  }
.Ltmp4:
0xc8: {  	[sflag:s17] =	ssyncadd.s32 $0xFFFFFC00;
	(pc) =	sbr.rel @p0 .LBB2_1-.Ltmp4, $4  }
0xc9: {  	[hbm4b:s8+s15] =	stream.strided.scatter [tilespmem:s13], [sflag:$0x3], $0x400, s16, s15, $0x38;
	[tilespmem:$0x4800] =	vst v63  }
0xca: {  	_ =	swait.ge [sflag:s17], $0x400  }
0xcb: {  	[sflag:s17] =	ssyncset.done $0x0  }
0xcc: {  	[sflag:s17] =	ssyncadd.s32 $0xFFFFFC00  }
0xcd: {  	_ =	sfence.sel $0x180000  }
0xce: {  	[bflag:$0x0] =	sbarrier.arrive $0xFFFF  }
0xcf: {  	p0 =	sne.s32 s1, $0x0;
	_ =	strace $0x9000004A  }
0xd0: {  	s0 =	sadd.s32 @!p0 $0x100000, s0;
	[bflag:$0x2] =	sbarrier.arrive $0xFFFF  }
0xd1: {  	[sflag:s0] =	ssyncadd.tile.s32 @!p0 $0x1;
	_ =	shalt  }
.Lfunc_end2:
_tile_overlayer_lowered:
.L_overlay_start_2:
0xd2: {  	(tag) =	ssettag $0x2  }
0xd3: {  	s0 =	rddreg [dreg:$0x0];
	s2 =	stileid.u32  }
0xd4: {  	s1 =	rddreg [dreg:$0x1];
	p0 =	sne.s32 s2, $0x0  }
0xd5: {  	s3 =	rddreg [dreg:$0x2];
	[bflag:$0x3] =	sbarrier.arrive $0xFFFF;
	s2 =	simm.s32 @!p0 $0x1C03  }
0xd6: {  	[timem:s3], [sflag:s2] =	dma.local @!p0 [hbm:s0], s1  }
0xd7: {  	s0 =	simm.s32 @!p0 $0x3  }
0xd8: {  	_ =	swait.ge @!p0 [sflag:s0], s1  }
0xd9: {  	s1 =	ssub.s32 @!p0 $0x0, s1;
	[sflag:s0] =	ssyncset.done @!p0 $0x0  }
0xda: {  	[sflag:s0] =	ssyncadd.s32 @!p0 s1  }
0xdb: {  	[bflag:$0x3] =	sbarrier.arrive $0xFFFF  }
0xdc: {  	_ =	shalt  }

</sc_bundles>
